<compile_context>
chip_gen: v7x
topology: tpu7x:2x2x1
jax: 0.10.2.dev20260603
libtpu: 0.0.44.dev20260713+nightly
codegen_flags: <defaults>
</compile_context>

<pallas_src>
import jax
import jax.numpy as jnp
from jax import lax
from jax.experimental import pallas as pl
from jax.experimental.pallas import tpu as pltpu
from jax.experimental.pallas import tpu_sc as plsc

VOCAB = 100002
DIM = 128
BATCH = 16384
C = 5
NC = 2
NS = 16
L = 16
NW = NC * NS
B_PER_W = BATCH // NW
CB = 32
N_CHUNKS = B_PER_W // CB
NG = CB // L


def _dots_body(tgt_hbm, ctx_hbm, ttab_hbm, ctab_hbm, out_hbm,
               idx_t, idx_c, rows_t2, rows_c2, out_v,
               sem_t0, sem_t1, sem_t2, sem_t3, sem_c0, sem_c1, sem_c2,
               sem_c3):
    wid = lax.axis_index("s") * NC + lax.axis_index("c")
    lane = lax.iota(jnp.int32, L)
    r5 = lane * C

    pltpu.sync_copy(tgt_hbm.at[pl.ds(wid * B_PER_W, B_PER_W)], idx_t)
    pltpu.sync_copy(ctx_hbm.at[pl.ds(wid * B_PER_W * C, B_PER_W * C)], idx_c)

    sem_t = (sem_t0, sem_t1, sem_t2, sem_t3)
    sem_c = (sem_c0, sem_c1, sem_c2, sem_c3)
    HALF = CB * C // 2

    def gather_descs(g, b):
        ot = pl.multiple_of(g * CB, 8)
        oc = pl.multiple_of(g * (CB * C), 8)
        dt = pltpu.make_async_copy(
            ttab_hbm.at[idx_t.at[pl.ds(ot, CB)]], rows_t2.at[b], sem_t[b])
        dc0 = pltpu.make_async_copy(
            ctab_hbm.at[idx_c.at[pl.ds(oc, HALF)]],
            rows_c2.at[b, pl.ds(0, HALF)], sem_c[b])
        dc1 = pltpu.make_async_copy(
            ctab_hbm.at[idx_c.at[pl.ds(oc + HALF, HALF)]],
            rows_c2.at[b, pl.ds(HALF, HALF)], sem_c[b])
        return dt, dc0, dc1

    def issue(g, b):
        for d in gather_descs(g, b):
            d.start()

    issue(0, 0)
    issue(1, 1)
    issue(2, 2)
    issue(3, 3)

    def do_chunk(g, b):
        dt, dc0, dc1 = gather_descs(g, b)
        dt.wait()
        dc0.wait()
        dc1.wait()

        @pl.loop(0, NG)
        def _groups(q):
            rows_t = rows_t2.at[b, pl.ds(q * L, L)]
            rows_c = rows_c2.at[b, pl.ds(q * (L * C), L * C)]

            @pl.loop(0, DIM,
                     init_carry=tuple(jnp.zeros((L,), jnp.float32)
                                      for _ in range(C)), unroll=4)
            def accs(e, carry):
                a0, a1, a2, a3, a4 = carry
                col = (lane + e) & (DIM - 1)
                w = plsc.load_gather(rows_t, [lane, col])
                a0 = a0 + w * plsc.load_gather(rows_c, [r5, col])
                a1 = a1 + w * plsc.load_gather(rows_c, [r5 + 1, col])
                a2 = a2 + w * plsc.load_gather(rows_c, [r5 + 2, col])
                a3 = a3 + w * plsc.load_gather(rows_c, [r5 + 3, col])
                a4 = a4 + w * plsc.load_gather(rows_c, [r5 + 4, col])
                return a0, a1, a2, a3, a4

            ob = g * CB + q * L + lane
            for c in range(C):
                plsc.store_scatter(
                    out_v, [jnp.full((L,), c, jnp.int32), ob], accs[c])

        @pl.when(g + 4 < N_CHUNKS)
        def _prefetch():
            issue(g + 4, b)

    @pl.loop(0, N_CHUNKS, step=4)
    def _chunks(ch):
        for b in range(4):
            do_chunk(ch + b, b)

    pltpu.sync_copy(out_v, out_hbm.at[:, pl.ds(wid * B_PER_W, B_PER_W)])


@jax.jit
def _dots(target_flat, context_flat, target_table, context_table):
    mesh = plsc.VectorSubcoreMesh(
        core_axis_name="c", subcore_axis_name="s",
        num_cores=NC, num_subcores=NS)
    return pl.kernel(
        _dots_body,
        out_type=jax.ShapeDtypeStruct((8, BATCH), jnp.float32),
        mesh=mesh,
        compiler_params=pltpu.CompilerParams(needs_layout_passes=False),
        scratch_types=[
            pltpu.VMEM((B_PER_W,), jnp.int32),
            pltpu.VMEM((B_PER_W * C,), jnp.int32),
            pltpu.VMEM((4, CB, DIM), jnp.float32),
            pltpu.VMEM((4, CB * C, DIM), jnp.float32),
            pltpu.VMEM((8, B_PER_W), jnp.float32),
            pltpu.SemaphoreType.DMA,
            pltpu.SemaphoreType.DMA,
            pltpu.SemaphoreType.DMA,
            pltpu.SemaphoreType.DMA,
            pltpu.SemaphoreType.DMA,
            pltpu.SemaphoreType.DMA,
            pltpu.SemaphoreType.DMA,
            pltpu.SemaphoreType.DMA,
        ],
    )(target_flat, context_flat, target_table, context_table)


def kernel(target, context, target_table, context_table):
    target_flat = target.reshape(-1).astype(jnp.int32)
    context_flat = context.reshape(-1).astype(jnp.int32)
    out = _dots(target_flat, context_flat, target_table, context_table)
    return out[:C].T

# --- scband reference (transcript-rebuilt; emitter-appended) ---
"""Pipeline reference for scband-word2-vec-10350871183951 (READ-ONLY COPY).

The authoritative reference and input builder live on the scoring server;
editing this copy changes nothing except your own understanding.
"""

import jax, jax.numpy as jnp
import numpy as np

VOCAB = 100002
DIM = 128
BATCH = 16384
NUM_NS = 4

def setup_inputs(seed: int = 0) -> dict:
    key = jax.random.key(seed)
    k1, k2, k3, k4 = jax.random.split(key, 4)
    target = jax.random.randint(k1, (BATCH, 1), 0, VOCAB, dtype=jnp.int64 if jax.config.jax_enable_x64 else jnp.int32)
    context = jax.random.randint(k2, (BATCH, NUM_NS + 1), 0, VOCAB, dtype=jnp.int64 if jax.config.jax_enable_x64 else jnp.int32)
    # Learned parameters: two embedding tables (Keras Embedding default init ~ uniform)
    target_table = jax.random.uniform(k3, (VOCAB, DIM), dtype=jnp.float32, minval=-0.05, maxval=0.05)
    context_table = jax.random.uniform(k4, (VOCAB, DIM), dtype=jnp.float32, minval=-0.05, maxval=0.05)
    return {"target": target, "context": context, "target_table": target_table, "context_table": context_table}

def reference(target, context, target_table, context_table):
    # squeeze target if 2-D, mirroring tf.squeeze(target, axis=1)
    if target.ndim == 2:
        target = jnp.squeeze(target, axis=1)
    word_emb = jnp.take(target_table, target, axis=0)          # [B, E]
    context_emb = jnp.take(context_table, context, axis=0)     # [B, C, E]
    dots = jnp.einsum('be,bce->bc', word_emb, context_emb)     # [B, C]
    return dots

if __name__ == "__main__":
    import jax
    _d = setup_inputs()
    print(jax.jit(kernel)(*tuple(_d.values())))

</pallas_src>

<mosaic_0001>
#map = affine_map<(d0, d1) -> (0)>
#map1 = affine_map<(d0, d1) -> (0, 0)>
module attributes {stable_mosaic.version = 14 : i64} {
  func.func @_dots_body(%arg0: i32, %arg1: i32, %arg2: memref<16384xi32, #tpu.memory_space<hbm>>, %arg3: memref<81920xi32, #tpu.memory_space<hbm>>, %arg4: memref<100002x128xf32, #tpu.memory_space<hbm>>, %arg5: memref<100002x128xf32, #tpu.memory_space<hbm>>, %arg6: memref<8x16384xf32, #tpu.memory_space<hbm>>, %arg7: memref<512xi32, #tpu.memory_space<vmem>>, %arg8: memref<2560xi32, #tpu.memory_space<vmem>>, %arg9: memref<4x32x128xf32, #tpu.memory_space<vmem>>, %arg10: memref<4x160x128xf32, #tpu.memory_space<vmem>>, %arg11: memref<8x512xf32, #tpu.memory_space<vmem>>, %arg12: memref<!tpu.dma_semaphore, #tpu.memory_space<semaphore_mem>>, %arg13: memref<!tpu.dma_semaphore, #tpu.memory_space<semaphore_mem>>, %arg14: memref<!tpu.dma_semaphore, #tpu.memory_space<semaphore_mem>>, %arg15: memref<!tpu.dma_semaphore, #tpu.memory_space<semaphore_mem>>, %arg16: memref<!tpu.dma_semaphore, #tpu.memory_space<semaphore_mem>>, %arg17: memref<!tpu.dma_semaphore, #tpu.memory_space<semaphore_mem>>, %arg18: memref<!tpu.dma_semaphore, #tpu.memory_space<semaphore_mem>>, %arg19: memref<!tpu.dma_semaphore, #tpu.memory_space<semaphore_mem>>) attributes {dimension_semantics = [#tpu.dimension_semantics<core_parallel>, #tpu.dimension_semantics<subcore_parallel>], iteration_bounds = array<i64: 2, 16>, scalar_prefetch = 0 : i64, scratch_operands = 13 : i64, tpu.core_type = #tpu.core_type<sc_vector_subcore>, window_params = [{transform_indices = #map}, {transform_indices = #map}, {transform_indices = #map1}, {transform_indices = #map1}, {transform_indices = #map1}]} {
    %mul3A = arith.constant 2 : i32
    %mul3A_0 = arith.muli %arg1, %mul3A : i32
    %add3A = arith.addi %mul3A_0, %arg0 : i32
    %iota3A = tpu.iota {dimensions = array<i32: 0>} : vector<16xi32>
    %mul3A_1 = arith.constant 5 : i32
    %mul3A_2 = vector.broadcast %mul3A_1 : i32 to vector<16xi32>
    %mul3A_3 = arith.muli %iota3A, %mul3A_2 : vector<16xi32>
    %mul3A_4 = arith.constant 512 : i32
    %mul3A_5 = arith.muli %add3A, %mul3A_4 : i32
    "tpu.region"() ({
      %run_scoped3A = tpu.sem_alloc : memref<!tpu.dma_semaphore, #tpu.memory_space<semaphore_mem>>
      %dma_start3A_146 = tpu.memref_slice %arg2[%mul3A_5] : memref<16384xi32, #tpu.memory_space<hbm>> -> memref<512xi32, #tpu.memory_space<hbm>>
      %dma_start3A_147 = tpu.memref_slice %arg2[%mul3A_5] : memref<16384xi32, #tpu.memory_space<hbm>> -> memref<512xi32, #tpu.memory_space<hbm>>
      tpu.enqueue_dma source(%dma_start3A_147 : memref<512xi32, #tpu.memory_space<hbm>>) target(%arg7 : memref<512xi32, #tpu.memory_space<vmem>>) target_semaphore(%run_scoped3A : memref<!tpu.dma_semaphore, #tpu.memory_space<semaphore_mem>>)
      %dma_wait3A = tpu.memref_slice %arg2[%mul3A_5] : memref<16384xi32, #tpu.memory_space<hbm>> -> memref<512xi32, #tpu.memory_space<hbm>>
      %dma_wait3A_148 = tpu.memref_slice %arg2[%mul3A_5] : memref<16384xi32, #tpu.memory_space<hbm>> -> memref<512xi32, #tpu.memory_space<hbm>>
      tpu.wait_dma2 semaphore(%run_scoped3A : memref<!tpu.dma_semaphore, #tpu.memory_space<semaphore_mem>>) src(%dma_wait3A_148 : memref<512xi32, #tpu.memory_space<hbm>>) dst(%arg7 : memref<512xi32, #tpu.memory_space<vmem>>)
      tpu.yield
    }) : () -> ()
    %mul3A_6 = arith.constant 512 : i32
    %mul3A_7 = arith.muli %add3A, %mul3A_6 : i32
    %mul3A_8 = arith.constant 5 : i32
    %mul3A_9 = arith.muli %mul3A_7, %mul3A_8 : i32
    "tpu.region"() ({
      %run_scoped3A = tpu.sem_alloc : memref<!tpu.dma_semaphore, #tpu.memory_space<semaphore_mem>>
      %dma_start3A_146 = tpu.memref_slice %arg3[%mul3A_9] : memref<81920xi32, #tpu.memory_space<hbm>> -> memref<2560xi32, #tpu.memory_space<hbm>>
      %dma_start3A_147 = tpu.memref_slice %arg3[%mul3A_9] : memref<81920xi32, #tpu.memory_space<hbm>> -> memref<2560xi32, #tpu.memory_space<hbm>>
      tpu.enqueue_dma source(%dma_start3A_147 : memref<2560xi32, #tpu.memory_space<hbm>>) target(%arg8 : memref<2560xi32, #tpu.memory_space<vmem>>) target_semaphore(%run_scoped3A : memref<!tpu.dma_semaphore, #tpu.memory_space<semaphore_mem>>)
      %dma_wait3A = tpu.memref_slice %arg3[%mul3A_9] : memref<81920xi32, #tpu.memory_space<hbm>> -> memref<2560xi32, #tpu.memory_space<hbm>>
      %dma_wait3A_148 = tpu.memref_slice %arg3[%mul3A_9] : memref<81920xi32, #tpu.memory_space<hbm>> -> memref<2560xi32, #tpu.memory_space<hbm>>
      tpu.wait_dma2 semaphore(%run_scoped3A : memref<!tpu.dma_semaphore, #tpu.memory_space<semaphore_mem>>) src(%dma_wait3A_148 : memref<2560xi32, #tpu.memory_space<hbm>>) dst(%arg8 : memref<2560xi32, #tpu.memory_space<vmem>>)
      tpu.yield
    }) : () -> ()
    %multiple_of3A = arith.constant 0 : i32
    %multiple_of3A_10 = tpu.assume_multiple %multiple_of3A, 8 : i32
    %multiple_of3A_11 = arith.constant 0 : i32
    %multiple_of3A_12 = tpu.assume_multiple %multiple_of3A_11, 8 : i32
    %add3A_13 = arith.constant 80 : i32
    %add3A_14 = arith.addi %multiple_of3A_12, %add3A_13 : i32
    %dma_start3A = arith.constant 0 : i32
    %dma_start3A_15 = arith.constant 0 : i32
    %dma_start3A_16 = arith.constant 0 : i32
    %dma_start3A_17 = tpu.memref_slice %arg9[%dma_start3A, %dma_start3A_15, %dma_start3A_16] : memref<4x32x128xf32, #tpu.memory_space<vmem>> -> memref<1x32x128xf32, #tpu.memory_space<vmem>>
    %dma_start3A_18 = tpu.memref_squeeze %dma_start3A_17 : memref<1x32x128xf32, #tpu.memory_space<vmem>> -> memref<32x128xf32, #tpu.memory_space<vmem>>
    %dma_start3A_19 = tpu.memref_slice %arg7[%multiple_of3A_10] : memref<512xi32, #tpu.memory_space<vmem>> -> memref<32xi32, #tpu.memory_space<vmem>>
    %dma_start3A_20 = arith.constant 0 : i32
    %dma_start3A_21 = arith.constant 0 : i32
    %dma_start3A_22 = tpu.memref_slice %arg4[%dma_start3A_20, %dma_start3A_21] : memref<100002x128xf32, #tpu.memory_space<hbm>> -> memref<100002x128xf32, #tpu.memory_space<hbm>>
    tpu.enqueue_indirect_dma source(%dma_start3A_22 : memref<100002x128xf32, #tpu.memory_space<hbm>>) target(%dma_start3A_18 : memref<32x128xf32, #tpu.memory_space<vmem>>) offsets(%dma_start3A_19 : memref<32xi32, #tpu.memory_space<vmem>>) semaphore(%arg12 : memref<!tpu.dma_semaphore, #tpu.memory_space<semaphore_mem>>)
    %dma_start3A_23 = arith.constant 0 : i32
    %dma_start3A_24 = arith.constant 0 : i32
    %dma_start3A_25 = arith.constant 0 : i32
    %dma_start3A_26 = tpu.memref_slice %arg10[%dma_start3A_23, %dma_start3A_24, %dma_start3A_25] : memref<4x160x128xf32, #tpu.memory_space<vmem>> -> memref<1x80x128xf32, #tpu.memory_space<vmem>>
    %dma_start3A_27 = tpu.memref_squeeze %dma_start3A_26 : memref<1x80x128xf32, #tpu.memory_space<vmem>> -> memref<80x128xf32, #tpu.memory_space<vmem>>
    %dma_start3A_28 = tpu.memref_slice %arg8[%multiple_of3A_12] : memref<2560xi32, #tpu.memory_space<vmem>> -> memref<80xi32, #tpu.memory_space<vmem>>
    %dma_start3A_29 = arith.constant 0 : i32
    %dma_start3A_30 = arith.constant 0 : i32
    %dma_start3A_31 = tpu.memref_slice %arg5[%dma_start3A_29, %dma_start3A_30] : memref<100002x128xf32, #tpu.memory_space<hbm>> -> memref<100002x128xf32, #tpu.memory_space<hbm>>
    tpu.enqueue_indirect_dma source(%dma_start3A_31 : memref<100002x128xf32, #tpu.memory_space<hbm>>) target(%dma_start3A_27 : memref<80x128xf32, #tpu.memory_space<vmem>>) offsets(%dma_start3A_28 : memref<80xi32, #tpu.memory_space<vmem>>) semaphore(%arg16 : memref<!tpu.dma_semaphore, #tpu.memory_space<semaphore_mem>>)
    %dma_start3A_32 = arith.constant 0 : i32
    %dma_start3A_33 = arith.constant 80 : i32
    %dma_start3A_34 = arith.constant 0 : i32
    %dma_start3A_35 = tpu.memref_slice %arg10[%dma_start3A_32, %dma_start3A_33, %dma_start3A_34] : memref<4x160x128xf32, #tpu.memory_space<vmem>> -> memref<1x80x128xf32, #tpu.memory_space<vmem>>
    %dma_start3A_36 = tpu.memref_squeeze %dma_start3A_35 : memref<1x80x128xf32, #tpu.memory_space<vmem>> -> memref<80x128xf32, #tpu.memory_space<vmem>>
    %dma_start3A_37 = tpu.memref_slice %arg8[%add3A_14] : memref<2560xi32, #tpu.memory_space<vmem>> -> memref<80xi32, #tpu.memory_space<vmem>>
    %dma_start3A_38 = arith.constant 0 : i32
    %dma_start3A_39 = arith.constant 0 : i32
    %dma_start3A_40 = tpu.memref_slice %arg5[%dma_start3A_38, %dma_start3A_39] : memref<100002x128xf32, #tpu.memory_space<hbm>> -> memref<100002x128xf32, #tpu.memory_space<hbm>>
    tpu.enqueue_indirect_dma source(%dma_start3A_40 : memref<100002x128xf32, #tpu.memory_space<hbm>>) target(%dma_start3A_36 : memref<80x128xf32, #tpu.memory_space<vmem>>) offsets(%dma_start3A_37 : memref<80xi32, #tpu.memory_space<vmem>>) semaphore(%arg16 : memref<!tpu.dma_semaphore, #tpu.memory_space<semaphore_mem>>)
    %multiple_of3A_41 = arith.constant 32 : i32
    %multiple_of3A_42 = tpu.assume_multiple %multiple_of3A_41, 8 : i32
    %multiple_of3A_43 = arith.constant 160 : i32
    %multiple_of3A_44 = tpu.assume_multiple %multiple_of3A_43, 8 : i32
    %add3A_45 = arith.constant 80 : i32
    %add3A_46 = arith.addi %multiple_of3A_44, %add3A_45 : i32
    %dma_start3A_47 = arith.constant 1 : i32
    %dma_start3A_48 = arith.constant 0 : i32
    %dma_start3A_49 = arith.constant 0 : i32
    %dma_start3A_50 = tpu.memref_slice %arg9[%dma_start3A_47, %dma_start3A_48, %dma_start3A_49] : memref<4x32x128xf32, #tpu.memory_space<vmem>> -> memref<1x32x128xf32, #tpu.memory_space<vmem>>
    %dma_start3A_51 = tpu.memref_squeeze %dma_start3A_50 : memref<1x32x128xf32, #tpu.memory_space<vmem>> -> memref<32x128xf32, #tpu.memory_space<vmem>>
    %dma_start3A_52 = tpu.memref_slice %arg7[%multiple_of3A_42] : memref<512xi32, #tpu.memory_space<vmem>> -> memref<32xi32, #tpu.memory_space<vmem>>
    %dma_start3A_53 = arith.constant 0 : i32
    %dma_start3A_54 = arith.constant 0 : i32
    %dma_start3A_55 = tpu.memref_slice %arg4[%dma_start3A_53, %dma_start3A_54] : memref<100002x128xf32, #tpu.memory_space<hbm>> -> memref<100002x128xf32, #tpu.memory_space<hbm>>
    tpu.enqueue_indirect_dma source(%dma_start3A_55 : memref<100002x128xf32, #tpu.memory_space<hbm>>) target(%dma_start3A_51 : memref<32x128xf32, #tpu.memory_space<vmem>>) offsets(%dma_start3A_52 : memref<32xi32, #tpu.memory_space<vmem>>) semaphore(%arg13 : memref<!tpu.dma_semaphore, #tpu.memory_space<semaphore_mem>>)
    %dma_start3A_56 = arith.constant 1 : i32
    %dma_start3A_57 = arith.constant 0 : i32
    %dma_start3A_58 = arith.constant 0 : i32
    %dma_start3A_59 = tpu.memref_slice %arg10[%dma_start3A_56, %dma_start3A_57, %dma_start3A_58] : memref<4x160x128xf32, #tpu.memory_space<vmem>> -> memref<1x80x128xf32, #tpu.memory_space<vmem>>
    %dma_start3A_60 = tpu.memref_squeeze %dma_start3A_59 : memref<1x80x128xf32, #tpu.memory_space<vmem>> -> memref<80x128xf32, #tpu.memory_space<vmem>>
    %dma_start3A_61 = tpu.memref_slice %arg8[%multiple_of3A_44] : memref<2560xi32, #tpu.memory_space<vmem>> -> memref<80xi32, #tpu.memory_space<vmem>>
    %dma_start3A_62 = arith.constant 0 : i32
    %dma_start3A_63 = arith.constant 0 : i32
    %dma_start3A_64 = tpu.memref_slice %arg5[%dma_start3A_62, %dma_start3A_63] : memref<100002x128xf32, #tpu.memory_space<hbm>> -> memref<100002x128xf32, #tpu.memory_space<hbm>>
    tpu.enqueue_indirect_dma source(%dma_start3A_64 : memref<100002x128xf32, #tpu.memory_space<hbm>>) target(%dma_start3A_60 : memref<80x128xf32, #tpu.memory_space<vmem>>) offsets(%dma_start3A_61 : memref<80xi32, #tpu.memory_space<vmem>>) semaphore(%arg17 : memref<!tpu.dma_semaphore, #tpu.memory_space<semaphore_mem>>)
    %dma_start3A_65 = arith.constant 1 : i32
    %dma_start3A_66 = arith.constant 80 : i32
    %dma_start3A_67 = arith.constant 0 : i32
    %dma_start3A_68 = tpu.memref_slice %arg10[%dma_start3A_65, %dma_start3A_66, %dma_start3A_67] : memref<4x160x128xf32, #tpu.memory_space<vmem>> -> memref<1x80x128xf32, #tpu.memory_space<vmem>>
    %dma_start3A_69 = tpu.memref_squeeze %dma_start3A_68 : memref<1x80x128xf32, #tpu.memory_space<vmem>> -> memref<80x128xf32, #tpu.memory_space<vmem>>
    %dma_start3A_70 = tpu.memref_slice %arg8[%add3A_46] : memref<2560xi32, #tpu.memory_space<vmem>> -> memref<80xi32, #tpu.memory_space<vmem>>
    %dma_start3A_71 = arith.constant 0 : i32
    %dma_start3A_72 = arith.constant 0 : i32
    %dma_start3A_73 = tpu.memref_slice %arg5[%dma_start3A_71, %dma_start3A_72] : memref<100002x128xf32, #tpu.memory_space<hbm>> -> memref<100002x128xf32, #tpu.memory_space<hbm>>
    tpu.enqueue_indirect_dma source(%dma_start3A_73 : memref<100002x128xf32, #tpu.memory_space<hbm>>) target(%dma_start3A_69 : memref<80x128xf32, #tpu.memory_space<vmem>>) offsets(%dma_start3A_70 : memref<80xi32, #tpu.memory_space<vmem>>) semaphore(%arg17 : memref<!tpu.dma_semaphore, #tpu.memory_space<semaphore_mem>>)
    %multiple_of3A_74 = arith.constant 64 : i32
    %multiple_of3A_75 = tpu.assume_multiple %multiple_of3A_74, 8 : i32
    %multiple_of3A_76 = arith.constant 320 : i32
    %multiple_of3A_77 = tpu.assume_multiple %multiple_of3A_76, 8 : i32
    %add3A_78 = arith.constant 80 : i32
    %add3A_79 = arith.addi %multiple_of3A_77, %add3A_78 : i32
    %dma_start3A_80 = arith.constant 2 : i32
    %dma_start3A_81 = arith.constant 0 : i32
    %dma_start3A_82 = arith.constant 0 : i32
    %dma_start3A_83 = tpu.memref_slice %arg9[%dma_start3A_80, %dma_start3A_81, %dma_start3A_82] : memref<4x32x128xf32, #tpu.memory_space<vmem>> -> memref<1x32x128xf32, #tpu.memory_space<vmem>>
    %dma_start3A_84 = tpu.memref_squeeze %dma_start3A_83 : memref<1x32x128xf32, #tpu.memory_space<vmem>> -> memref<32x128xf32, #tpu.memory_space<vmem>>
    %dma_start3A_85 = tpu.memref_slice %arg7[%multiple_of3A_75] : memref<512xi32, #tpu.memory_space<vmem>> -> memref<32xi32, #tpu.memory_space<vmem>>
    %dma_start3A_86 = arith.constant 0 : i32
    %dma_start3A_87 = arith.constant 0 : i32
    %dma_start3A_88 = tpu.memref_slice %arg4[%dma_start3A_86, %dma_start3A_87] : memref<100002x128xf32, #tpu.memory_space<hbm>> -> memref<100002x128xf32, #tpu.memory_space<hbm>>
    tpu.enqueue_indirect_dma source(%dma_start3A_88 : memref<100002x128xf32, #tpu.memory_space<hbm>>) target(%dma_start3A_84 : memref<32x128xf32, #tpu.memory_space<vmem>>) offsets(%dma_start3A_85 : memref<32xi32, #tpu.memory_space<vmem>>) semaphore(%arg14 : memref<!tpu.dma_semaphore, #tpu.memory_space<semaphore_mem>>)
    %dma_start3A_89 = arith.constant 2 : i32
    %dma_start3A_90 = arith.constant 0 : i32
    %dma_start3A_91 = arith.constant 0 : i32
    %dma_start3A_92 = tpu.memref_slice %arg10[%dma_start3A_89, %dma_start3A_90, %dma_start3A_91] : memref<4x160x128xf32, #tpu.memory_space<vmem>> -> memref<1x80x128xf32, #tpu.memory_space<vmem>>
    %dma_start3A_93 = tpu.memref_squeeze %dma_start3A_92 : memref<1x80x128xf32, #tpu.memory_space<vmem>> -> memref<80x128xf32, #tpu.memory_space<vmem>>
    %dma_start3A_94 = tpu.memref_slice %arg8[%multiple_of3A_77] : memref<2560xi32, #tpu.memory_space<vmem>> -> memref<80xi32, #tpu.memory_space<vmem>>
    %dma_start3A_95 = arith.constant 0 : i32
    %dma_start3A_96 = arith.constant 0 : i32
    %dma_start3A_97 = tpu.memref_slice %arg5[%dma_start3A_95, %dma_start3A_96] : memref<100002x128xf32, #tpu.memory_space<hbm>> -> memref<100002x128xf32, #tpu.memory_space<hbm>>
    tpu.enqueue_indirect_dma source(%dma_start3A_97 : memref<100002x128xf32, #tpu.memory_space<hbm>>) target(%dma_start3A_93 : memref<80x128xf32, #tpu.memory_space<vmem>>) offsets(%dma_start3A_94 : memref<80xi32, #tpu.memory_space<vmem>>) semaphore(%arg18 : memref<!tpu.dma_semaphore, #tpu.memory_space<semaphore_mem>>)
    %dma_start3A_98 = arith.constant 2 : i32
    %dma_start3A_99 = arith.constant 80 : i32
    %dma_start3A_100 = arith.constant 0 : i32
    %dma_start3A_101 = tpu.memref_slice %arg10[%dma_start3A_98, %dma_start3A_99, %dma_start3A_100] : memref<4x160x128xf32, #tpu.memory_space<vmem>> -> memref<1x80x128xf32, #tpu.memory_space<vmem>>
    %dma_start3A_102 = tpu.memref_squeeze %dma_start3A_101 : memref<1x80x128xf32, #tpu.memory_space<vmem>> -> memref<80x128xf32, #tpu.memory_space<vmem>>
    %dma_start3A_103 = tpu.memref_slice %arg8[%add3A_79] : memref<2560xi32, #tpu.memory_space<vmem>> -> memref<80xi32, #tpu.memory_space<vmem>>
    %dma_start3A_104 = arith.constant 0 : i32
    %dma_start3A_105 = arith.constant 0 : i32
    %dma_start3A_106 = tpu.memref_slice %arg5[%dma_start3A_104, %dma_start3A_105] : memref<100002x128xf32, #tpu.memory_space<hbm>> -> memref<100002x128xf32, #tpu.memory_space<hbm>>
    tpu.enqueue_indirect_dma source(%dma_start3A_106 : memref<100002x128xf32, #tpu.memory_space<hbm>>) target(%dma_start3A_102 : memref<80x128xf32, #tpu.memory_space<vmem>>) offsets(%dma_start3A_103 : memref<80xi32, #tpu.memory_space<vmem>>) semaphore(%arg18 : memref<!tpu.dma_semaphore, #tpu.memory_space<semaphore_mem>>)
    %multiple_of3A_107 = arith.constant 96 : i32
    %multiple_of3A_108 = tpu.assume_multiple %multiple_of3A_107, 8 : i32
    %multiple_of3A_109 = arith.constant 480 : i32
    %multiple_of3A_110 = tpu.assume_multiple %multiple_of3A_109, 8 : i32
    %add3A_111 = arith.constant 80 : i32
    %add3A_112 = arith.addi %multiple_of3A_110, %add3A_111 : i32
    %dma_start3A_113 = arith.constant 3 : i32
    %dma_start3A_114 = arith.constant 0 : i32
    %dma_start3A_115 = arith.constant 0 : i32
    %dma_start3A_116 = tpu.memref_slice %arg9[%dma_start3A_113, %dma_start3A_114, %dma_start3A_115] : memref<4x32x128xf32, #tpu.memory_space<vmem>> -> memref<1x32x128xf32, #tpu.memory_space<vmem>>
    %dma_start3A_117 = tpu.memref_squeeze %dma_start3A_116 : memref<1x32x128xf32, #tpu.memory_space<vmem>> -> memref<32x128xf32, #tpu.memory_space<vmem>>
    %dma_start3A_118 = tpu.memref_slice %arg7[%multiple_of3A_108] : memref<512xi32, #tpu.memory_space<vmem>> -> memref<32xi32, #tpu.memory_space<vmem>>
    %dma_start3A_119 = arith.constant 0 : i32
    %dma_start3A_120 = arith.constant 0 : i32
    %dma_start3A_121 = tpu.memref_slice %arg4[%dma_start3A_119, %dma_start3A_120] : memref<100002x128xf32, #tpu.memory_space<hbm>> -> memref<100002x128xf32, #tpu.memory_space<hbm>>
    tpu.enqueue_indirect_dma source(%dma_start3A_121 : memref<100002x128xf32, #tpu.memory_space<hbm>>) target(%dma_start3A_117 : memref<32x128xf32, #tpu.memory_space<vmem>>) offsets(%dma_start3A_118 : memref<32xi32, #tpu.memory_space<vmem>>) semaphore(%arg15 : memref<!tpu.dma_semaphore, #tpu.memory_space<semaphore_mem>>)
    %dma_start3A_122 = arith.constant 3 : i32
    %dma_start3A_123 = arith.constant 0 : i32
    %dma_start3A_124 = arith.constant 0 : i32
    %dma_start3A_125 = tpu.memref_slice %arg10[%dma_start3A_122, %dma_start3A_123, %dma_start3A_124] : memref<4x160x128xf32, #tpu.memory_space<vmem>> -> memref<1x80x128xf32, #tpu.memory_space<vmem>>
    %dma_start3A_126 = tpu.memref_squeeze %dma_start3A_125 : memref<1x80x128xf32, #tpu.memory_space<vmem>> -> memref<80x128xf32, #tpu.memory_space<vmem>>
    %dma_start3A_127 = tpu.memref_slice %arg8[%multiple_of3A_110] : memref<2560xi32, #tpu.memory_space<vmem>> -> memref<80xi32, #tpu.memory_space<vmem>>
    %dma_start3A_128 = arith.constant 0 : i32
    %dma_start3A_129 = arith.constant 0 : i32
    %dma_start3A_130 = tpu.memref_slice %arg5[%dma_start3A_128, %dma_start3A_129] : memref<100002x128xf32, #tpu.memory_space<hbm>> -> memref<100002x128xf32, #tpu.memory_space<hbm>>
    tpu.enqueue_indirect_dma source(%dma_start3A_130 : memref<100002x128xf32, #tpu.memory_space<hbm>>) target(%dma_start3A_126 : memref<80x128xf32, #tpu.memory_space<vmem>>) offsets(%dma_start3A_127 : memref<80xi32, #tpu.memory_space<vmem>>) semaphore(%arg19 : memref<!tpu.dma_semaphore, #tpu.memory_space<semaphore_mem>>)
    %dma_start3A_131 = arith.constant 3 : i32
    %dma_start3A_132 = arith.constant 80 : i32
    %dma_start3A_133 = arith.constant 0 : i32
    %dma_start3A_134 = tpu.memref_slice %arg10[%dma_start3A_131, %dma_start3A_132, %dma_start3A_133] : memref<4x160x128xf32, #tpu.memory_space<vmem>> -> memref<1x80x128xf32, #tpu.memory_space<vmem>>
    %dma_start3A_135 = tpu.memref_squeeze %dma_start3A_134 : memref<1x80x128xf32, #tpu.memory_space<vmem>> -> memref<80x128xf32, #tpu.memory_space<vmem>>
    %dma_start3A_136 = tpu.memref_slice %arg8[%add3A_112] : memref<2560xi32, #tpu.memory_space<vmem>> -> memref<80xi32, #tpu.memory_space<vmem>>
    %dma_start3A_137 = arith.constant 0 : i32
    %dma_start3A_138 = arith.constant 0 : i32
    %dma_start3A_139 = tpu.memref_slice %arg5[%dma_start3A_137, %dma_start3A_138] : memref<100002x128xf32, #tpu.memory_space<hbm>> -> memref<100002x128xf32, #tpu.memory_space<hbm>>
    tpu.enqueue_indirect_dma source(%dma_start3A_139 : memref<100002x128xf32, #tpu.memory_space<hbm>>) target(%dma_start3A_135 : memref<80x128xf32, #tpu.memory_space<vmem>>) offsets(%dma_start3A_136 : memref<80xi32, #tpu.memory_space<vmem>>) semaphore(%arg19 : memref<!tpu.dma_semaphore, #tpu.memory_space<semaphore_mem>>)
    %scan3A = arith.constant 0 : i32
    %scan3A_140 = arith.constant 4 : i32
    %scan3A_141 = arith.addi %scan3A, %scan3A_140 : i32
    %scan3A_142 = arith.constant 1 : i32
    scf.for %scan3A_146 = %scan3A to %scan3A_141 step %scan3A_142  : i32 {
      %mul3A_147 = arith.constant 4 : i32
      %mul3A_148 = arith.muli %scan3A_146, %mul3A_147 : i32
      %add3A_149 = arith.constant 0 : i32
      %add3A_150 = arith.addi %add3A_149, %mul3A_148 : i32
      %add3A_151 = arith.constant 0 : i32
      %add3A_152 = arith.addi %add3A_150, %add3A_151 : i32
      %mul3A_153 = arith.constant 32 : i32
      %mul3A_154 = arith.muli %add3A_152, %mul3A_153 : i32
      %multiple_of3A_155 = tpu.assume_multiple %mul3A_154, 8 : i32
      %mul3A_156 = arith.constant 160 : i32
      %mul3A_157 = arith.muli %add3A_152, %mul3A_156 : i32
      %multiple_of3A_158 = tpu.assume_multiple %mul3A_157, 8 : i32
      %add3A_159 = arith.constant 80 : i32
      %add3A_160 = arith.addi %multiple_of3A_158, %add3A_159 : i32
      %dma_wait3A = arith.constant 0 : i32
      %dma_wait3A_161 = arith.constant 0 : i32
      %dma_wait3A_162 = arith.constant 0 : i32
      %dma_wait3A_163 = tpu.memref_slice %arg9[%dma_wait3A, %dma_wait3A_161, %dma_wait3A_162] : memref<4x32x128xf32, #tpu.memory_space<vmem>> -> memref<1x32x128xf32, #tpu.memory_space<vmem>>
      %dma_wait3A_164 = tpu.memref_squeeze %dma_wait3A_163 : memref<1x32x128xf32, #tpu.memory_space<vmem>> -> memref<32x128xf32, #tpu.memory_space<vmem>>
      %dma_wait3A_165 = tpu.memref_slice %arg7[%multiple_of3A_155] : memref<512xi32, #tpu.memory_space<vmem>> -> memref<32xi32, #tpu.memory_space<vmem>>
      %dma_wait3A_166 = arith.constant 0 : i32
      %dma_wait3A_167 = arith.constant 0 : i32
      %dma_wait3A_168 = tpu.memref_slice %arg4[%dma_wait3A_166, %dma_wait3A_167] : memref<100002x128xf32, #tpu.memory_space<hbm>> -> memref<100002x128xf32, #tpu.memory_space<hbm>>
      tpu.wait_indirect_dma semaphore(%arg12 : memref<!tpu.dma_semaphore, #tpu.memory_space<semaphore_mem>>) src(%dma_wait3A_168 : memref<100002x128xf32, #tpu.memory_space<hbm>>) dst(%dma_wait3A_164 : memref<32x128xf32, #tpu.memory_space<vmem>>)
      %dma_wait3A_169 = arith.constant 0 : i32
      %dma_wait3A_170 = arith.constant 0 : i32
      %dma_wait3A_171 = arith.constant 0 : i32
      %dma_wait3A_172 = tpu.memref_slice %arg10[%dma_wait3A_169, %dma_wait3A_170, %dma_wait3A_171] : memref<4x160x128xf32, #tpu.memory_space<vmem>> -> memref<1x80x128xf32, #tpu.memory_space<vmem>>
      %dma_wait3A_173 = tpu.memref_squeeze %dma_wait3A_172 : memref<1x80x128xf32, #tpu.memory_space<vmem>> -> memref<80x128xf32, #tpu.memory_space<vmem>>
      %dma_wait3A_174 = tpu.memref_slice %arg8[%multiple_of3A_158] : memref<2560xi32, #tpu.memory_space<vmem>> -> memref<80xi32, #tpu.memory_space<vmem>>
      %dma_wait3A_175 = arith.constant 0 : i32
      %dma_wait3A_176 = arith.constant 0 : i32
      %dma_wait3A_177 = tpu.memref_slice %arg5[%dma_wait3A_175, %dma_wait3A_176] : memref<100002x128xf32, #tpu.memory_space<hbm>> -> memref<100002x128xf32, #tpu.memory_space<hbm>>
      tpu.wait_indirect_dma semaphore(%arg16 : memref<!tpu.dma_semaphore, #tpu.memory_space<semaphore_mem>>) src(%dma_wait3A_177 : memref<100002x128xf32, #tpu.memory_space<hbm>>) dst(%dma_wait3A_173 : memref<80x128xf32, #tpu.memory_space<vmem>>)
      %dma_wait3A_178 = arith.constant 0 : i32
      %dma_wait3A_179 = arith.constant 80 : i32
      %dma_wait3A_180 = arith.constant 0 : i32
      %dma_wait3A_181 = tpu.memref_slice %arg10[%dma_wait3A_178, %dma_wait3A_179, %dma_wait3A_180] : memref<4x160x128xf32, #tpu.memory_space<vmem>> -> memref<1x80x128xf32, #tpu.memory_space<vmem>>
      %dma_wait3A_182 = tpu.memref_squeeze %dma_wait3A_181 : memref<1x80x128xf32, #tpu.memory_space<vmem>> -> memref<80x128xf32, #tpu.memory_space<vmem>>
      %dma_wait3A_183 = tpu.memref_slice %arg8[%add3A_160] : memref<2560xi32, #tpu.memory_space<vmem>> -> memref<80xi32, #tpu.memory_space<vmem>>
      %dma_wait3A_184 = arith.constant 0 : i32
      %dma_wait3A_185 = arith.constant 0 : i32
      %dma_wait3A_186 = tpu.memref_slice %arg5[%dma_wait3A_184, %dma_wait3A_185] : memref<100002x128xf32, #tpu.memory_space<hbm>> -> memref<100002x128xf32, #tpu.memory_space<hbm>>
      tpu.wait_indirect_dma semaphore(%arg16 : memref<!tpu.dma_semaphore, #tpu.memory_space<semaphore_mem>>) src(%dma_wait3A_186 : memref<100002x128xf32, #tpu.memory_space<hbm>>) dst(%dma_wait3A_182 : memref<80x128xf32, #tpu.memory_space<vmem>>)
      %scan3A_187 = arith.constant 0 : i32
      %scan3A_188 = arith.constant 2 : i32
      %scan3A_189 = arith.addi %scan3A_187, %scan3A_188 : i32
      %scan3A_190 = arith.constant 1 : i32
      scf.for %scan3A_343 = %scan3A_187 to %scan3A_189 step %scan3A_190  : i32 {
        %mul3A_344 = arith.constant 1 : i32
        %mul3A_345 = arith.muli %scan3A_343, %mul3A_344 : i32
        %add3A_346 = arith.constant 0 : i32
        %add3A_347 = arith.addi %add3A_346, %mul3A_345 : i32
        %mul3A_348 = arith.constant 16 : i32
        %mul3A_349 = arith.muli %add3A_347, %mul3A_348 : i32
        %mul3A_350 = arith.constant 80 : i32
        %mul3A_351 = arith.muli %add3A_347, %mul3A_350 : i32
        %broadcast_in_dim3A = arith.constant 0.000000e+00 : f32
        %broadcast_in_dim3A_352 = vector.broadcast %broadcast_in_dim3A : f32 to vector<16xf32>
        %broadcast_in_dim3A_353 = arith.constant 0.000000e+00 : f32
        %broadcast_in_dim3A_354 = vector.broadcast %broadcast_in_dim3A_353 : f32 to vector<16xf32>
        %broadcast_in_dim3A_355 = arith.constant 0.000000e+00 : f32
        %broadcast_in_dim3A_356 = vector.broadcast %broadcast_in_dim3A_355 : f32 to vector<16xf32>
        %broadcast_in_dim3A_357 = arith.constant 0.000000e+00 : f32
        %broadcast_in_dim3A_358 = vector.broadcast %broadcast_in_dim3A_357 : f32 to vector<16xf32>
        %broadcast_in_dim3A_359 = arith.constant 0.000000e+00 : f32
        %broadcast_in_dim3A_360 = vector.broadcast %broadcast_in_dim3A_359 : f32 to vector<16xf32>
        %scan3A_361 = arith.constant 0 : i32
        %scan3A_362 = arith.constant 0 : i32
        %scan3A_363 = arith.constant 0 : i32
        %scan3A_364 = arith.constant 128 : i32
        %scan3A_365 = arith.addi %scan3A_363, %scan3A_364 : i32
        %scan3A_366 = arith.constant 4 : i32
        %scan3A_367:5 = scf.for %scan3A_386 = %scan3A_363 to %scan3A_365 step %scan3A_366 iter_args(%scan3A_387 = %broadcast_in_dim3A_352, %scan3A_388 = %broadcast_in_dim3A_354, %scan3A_389 = %broadcast_in_dim3A_356, %scan3A_390 = %broadcast_in_dim3A_358, %scan3A_391 = %broadcast_in_dim3A_360) -> (vector<16xf32>, vector<16xf32>, vector<16xf32>, vector<16xf32>, vector<16xf32>)  : i32 {
          %mul3A_392 = arith.constant 1 : i32
          %mul3A_393 = arith.muli %scan3A_386, %mul3A_392 : i32
          %add3A_394 = arith.constant 0 : i32
          %add3A_395 = arith.addi %add3A_394, %mul3A_393 : i32
          %add3A_396 = vector.broadcast %add3A_395 : i32 to vector<16xi32>
          %add3A_397 = arith.addi %iota3A, %add3A_396 : vector<16xi32>
          %and3A = arith.constant 127 : i32
          %and3A_398 = vector.broadcast %and3A : i32 to vector<16xi32>
          %and3A_399 = arith.andi %add3A_397, %and3A_398 : vector<16xi32>
          %gather3A = arith.constant 0 : i32
          %gather3A_400 = tpu.memref_slice %arg9[%scan3A_361, %mul3A_349, %gather3A] : memref<4x32x128xf32, #tpu.memory_space<vmem>> -> memref<1x16x128xf32, #tpu.memory_space<vmem>>
          %gather3A_401 = tpu.memref_squeeze %gather3A_400 : memref<1x16x128xf32, #tpu.memory_space<vmem>> -> memref<16x128xf32, #tpu.memory_space<vmem>>
          %gather3A_402 = tpu.vector_load_idx %gather3A_401[%iota3A, %and3A_399] : memref<16x128xf32, #tpu.memory_space<vmem>>[vector<16xi32>, vector<16xi32>], vector<16xf32>,
          %gather3A_403 = arith.constant 0 : i32
          %gather3A_404 = tpu.memref_slice %arg10[%scan3A_362, %mul3A_351, %gather3A_403] : memref<4x160x128xf32, #tpu.memory_space<vmem>> -> memref<1x80x128xf32, #tpu.memory_space<vmem>>
          %gather3A_405 = tpu.memref_squeeze %gather3A_404 : memref<1x80x128xf32, #tpu.memory_space<vmem>> -> memref<80x128xf32, #tpu.memory_space<vmem>>
          %gather3A_406 = tpu.vector_load_idx %gather3A_405[%mul3A_3, %and3A_399] : memref<80x128xf32, #tpu.memory_space<vmem>>[vector<16xi32>, vector<16xi32>], vector<16xf32>,
          %mul3A_407 = arith.mulf %gather3A_402, %gather3A_406 : vector<16xf32>
          %add3A_408 = arith.addf %scan3A_387, %mul3A_407 : vector<16xf32>
          %add3A_409 = arith.constant 1 : i32
          %add3A_410 = vector.broadcast %add3A_409 : i32 to vector<16xi32>
          %add3A_411 = arith.addi %mul3A_3, %add3A_410 : vector<16xi32>
          %gather3A_412 = arith.constant 0 : i32
          %gather3A_413 = tpu.memref_slice %arg10[%scan3A_362, %mul3A_351, %gather3A_412] : memref<4x160x128xf32, #tpu.memory_space<vmem>> -> memref<1x80x128xf32, #tpu.memory_space<vmem>>
          %gather3A_414 = tpu.memref_squeeze %gather3A_413 : memref<1x80x128xf32, #tpu.memory_space<vmem>> -> memref<80x128xf32, #tpu.memory_space<vmem>>
          %gather3A_415 = tpu.vector_load_idx %gather3A_414[%add3A_411, %and3A_399] : memref<80x128xf32, #tpu.memory_space<vmem>>[vector<16xi32>, vector<16xi32>], vector<16xf32>,
          %mul3A_416 = arith.mulf %gather3A_402, %gather3A_415 : vector<16xf32>
          %add3A_417 = arith.addf %scan3A_388, %mul3A_416 : vector<16xf32>
          %add3A_418 = arith.constant 2 : i32
          %add3A_419 = vector.broadcast %add3A_418 : i32 to vector<16xi32>
          %add3A_420 = arith.addi %mul3A_3, %add3A_419 : vector<16xi32>
          %gather3A_421 = arith.constant 0 : i32
          %gather3A_422 = tpu.memref_slice %arg10[%scan3A_362, %mul3A_351, %gather3A_421] : memref<4x160x128xf32, #tpu.memory_space<vmem>> -> memref<1x80x128xf32, #tpu.memory_space<vmem>>
          %gather3A_423 = tpu.memref_squeeze %gather3A_422 : memref<1x80x128xf32, #tpu.memory_space<vmem>> -> memref<80x128xf32, #tpu.memory_space<vmem>>
          %gather3A_424 = tpu.vector_load_idx %gather3A_423[%add3A_420, %and3A_399] : memref<80x128xf32, #tpu.memory_space<vmem>>[vector<16xi32>, vector<16xi32>], vector<16xf32>,
          %mul3A_425 = arith.mulf %gather3A_402, %gather3A_424 : vector<16xf32>
          %add3A_426 = arith.addf %scan3A_389, %mul3A_425 : vector<16xf32>
          %add3A_427 = arith.constant 3 : i32
          %add3A_428 = vector.broadcast %add3A_427 : i32 to vector<16xi32>
          %add3A_429 = arith.addi %mul3A_3, %add3A_428 : vector<16xi32>
          %gather3A_430 = arith.constant 0 : i32
          %gather3A_431 = tpu.memref_slice %arg10[%scan3A_362, %mul3A_351, %gather3A_430] : memref<4x160x128xf32, #tpu.memory_space<vmem>> -> memref<1x80x128xf32, #tpu.memory_space<vmem>>
          %gather3A_432 = tpu.memref_squeeze %gather3A_431 : memref<1x80x128xf32, #tpu.memory_space<vmem>> -> memref<80x128xf32, #tpu.memory_space<vmem>>
          %gather3A_433 = tpu.vector_load_idx %gather3A_432[%add3A_429, %and3A_399] : memref<80x128xf32, #tpu.memory_space<vmem>>[vector<16xi32>, vector<16xi32>], vector<16xf32>,
          %mul3A_434 = arith.mulf %gather3A_402, %gather3A_433 : vector<16xf32>
          %add3A_435 = arith.addf %scan3A_390, %mul3A_434 : vector<16xf32>
          %add3A_436 = arith.constant 4 : i32
          %add3A_437 = vector.broadcast %add3A_436 : i32 to vector<16xi32>
          %add3A_438 = arith.addi %mul3A_3, %add3A_437 : vector<16xi32>
          %gather3A_439 = arith.constant 0 : i32
          %gather3A_440 = tpu.memref_slice %arg10[%scan3A_362, %mul3A_351, %gather3A_439] : memref<4x160x128xf32, #tpu.memory_space<vmem>> -> memref<1x80x128xf32, #tpu.memory_space<vmem>>
          %gather3A_441 = tpu.memref_squeeze %gather3A_440 : memref<1x80x128xf32, #tpu.memory_space<vmem>> -> memref<80x128xf32, #tpu.memory_space<vmem>>
          %gather3A_442 = tpu.vector_load_idx %gather3A_441[%add3A_438, %and3A_399] : memref<80x128xf32, #tpu.memory_space<vmem>>[vector<16xi32>, vector<16xi32>], vector<16xf32>,
          %mul3A_443 = arith.mulf %gather3A_402, %gather3A_442 : vector<16xf32>
          %add3A_444 = arith.addf %scan3A_391, %mul3A_443 : vector<16xf32>
          %scan3A_445 = arith.constant 1 : i32
          %scan3A_446 = arith.addi %scan3A_386, %scan3A_445 : i32
          %mul3A_447 = arith.constant 1 : i32
          %mul3A_448 = arith.muli %scan3A_446, %mul3A_447 : i32
          %add3A_449 = arith.constant 0 : i32
          %add3A_450 = arith.addi %add3A_449, %mul3A_448 : i32
          %add3A_451 = vector.broadcast %add3A_450 : i32 to vector<16xi32>
          %add3A_452 = arith.addi %iota3A, %add3A_451 : vector<16xi32>
          %and3A_453 = arith.constant 127 : i32
          %and3A_454 = vector.broadcast %and3A_453 : i32 to vector<16xi32>
          %and3A_455 = arith.andi %add3A_452, %and3A_454 : vector<16xi32>
          %gather3A_456 = arith.constant 0 : i32
          %gather3A_457 = tpu.memref_slice %arg9[%scan3A_361, %mul3A_349, %gather3A_456] : memref<4x32x128xf32, #tpu.memory_space<vmem>> -> memref<1x16x128xf32, #tpu.memory_space<vmem>>
          %gather3A_458 = tpu.memref_squeeze %gather3A_457 : memref<1x16x128xf32, #tpu.memory_space<vmem>> -> memref<16x128xf32, #tpu.memory_space<vmem>>
          %gather3A_459 = tpu.vector_load_idx %gather3A_458[%iota3A, %and3A_455] : memref<16x128xf32, #tpu.memory_space<vmem>>[vector<16xi32>, vector<16xi32>], vector<16xf32>,
          %gather3A_460 = arith.constant 0 : i32
          %gather3A_461 = tpu.memref_slice %arg10[%scan3A_362, %mul3A_351, %gather3A_460] : memref<4x160x128xf32, #tpu.memory_space<vmem>> -> memref<1x80x128xf32, #tpu.memory_space<vmem>>
          %gather3A_462 = tpu.memref_squeeze %gather3A_461 : memref<1x80x128xf32, #tpu.memory_space<vmem>> -> memref<80x128xf32, #tpu.memory_space<vmem>>
          %gather3A_463 = tpu.vector_load_idx %gather3A_462[%mul3A_3, %and3A_455] : memref<80x128xf32, #tpu.memory_space<vmem>>[vector<16xi32>, vector<16xi32>], vector<16xf32>,
          %mul3A_464 = arith.mulf %gather3A_459, %gather3A_463 : vector<16xf32>
          %add3A_465 = arith.addf %add3A_408, %mul3A_464 : vector<16xf32>
          %add3A_466 = arith.constant 1 : i32
          %add3A_467 = vector.broadcast %add3A_466 : i32 to vector<16xi32>
          %add3A_468 = arith.addi %mul3A_3, %add3A_467 : vector<16xi32>
          %gather3A_469 = arith.constant 0 : i32
          %gather3A_470 = tpu.memref_slice %arg10[%scan3A_362, %mul3A_351, %gather3A_469] : memref<4x160x128xf32, #tpu.memory_space<vmem>> -> memref<1x80x128xf32, #tpu.memory_space<vmem>>
          %gather3A_471 = tpu.memref_squeeze %gather3A_470 : memref<1x80x128xf32, #tpu.memory_space<vmem>> -> memref<80x128xf32, #tpu.memory_space<vmem>>
          %gather3A_472 = tpu.vector_load_idx %gather3A_471[%add3A_468, %and3A_455] : memref<80x128xf32, #tpu.memory_space<vmem>>[vector<16xi32>, vector<16xi32>], vector<16xf32>,
          %mul3A_473 = arith.mulf %gather3A_459, %gather3A_472 : vector<16xf32>
          %add3A_474 = arith.addf %add3A_417, %mul3A_473 : vector<16xf32>
          %add3A_475 = arith.constant 2 : i32
          %add3A_476 = vector.broadcast %add3A_475 : i32 to vector<16xi32>
          %add3A_477 = arith.addi %mul3A_3, %add3A_476 : vector<16xi32>
          %gather3A_478 = arith.constant 0 : i32
          %gather3A_479 = tpu.memref_slice %arg10[%scan3A_362, %mul3A_351, %gather3A_478] : memref<4x160x128xf32, #tpu.memory_space<vmem>> -> memref<1x80x128xf32, #tpu.memory_space<vmem>>
          %gather3A_480 = tpu.memref_squeeze %gather3A_479 : memref<1x80x128xf32, #tpu.memory_space<vmem>> -> memref<80x128xf32, #tpu.memory_space<vmem>>
          %gather3A_481 = tpu.vector_load_idx %gather3A_480[%add3A_477, %and3A_455] : memref<80x128xf32, #tpu.memory_space<vmem>>[vector<16xi32>, vector<16xi32>], vector<16xf32>,
          %mul3A_482 = arith.mulf %gather3A_459, %gather3A_481 : vector<16xf32>
          %add3A_483 = arith.addf %add3A_426, %mul3A_482 : vector<16xf32>
          %add3A_484 = arith.constant 3 : i32
          %add3A_485 = vector.broadcast %add3A_484 : i32 to vector<16xi32>
          %add3A_486 = arith.addi %mul3A_3, %add3A_485 : vector<16xi32>
          %gather3A_487 = arith.constant 0 : i32
          %gather3A_488 = tpu.memref_slice %arg10[%scan3A_362, %mul3A_351, %gather3A_487] : memref<4x160x128xf32, #tpu.memory_space<vmem>> -> memref<1x80x128xf32, #tpu.memory_space<vmem>>
          %gather3A_489 = tpu.memref_squeeze %gather3A_488 : memref<1x80x128xf32, #tpu.memory_space<vmem>> -> memref<80x128xf32, #tpu.memory_space<vmem>>
          %gather3A_490 = tpu.vector_load_idx %gather3A_489[%add3A_486, %and3A_455] : memref<80x128xf32, #tpu.memory_space<vmem>>[vector<16xi32>, vector<16xi32>], vector<16xf32>,
          %mul3A_491 = arith.mulf %gather3A_459, %gather3A_490 : vector<16xf32>
          %add3A_492 = arith.addf %add3A_435, %mul3A_491 : vector<16xf32>
          %add3A_493 = arith.constant 4 : i32
          %add3A_494 = vector.broadcast %add3A_493 : i32 to vector<16xi32>
          %add3A_495 = arith.addi %mul3A_3, %add3A_494 : vector<16xi32>
          %gather3A_496 = arith.constant 0 : i32
          %gather3A_497 = tpu.memref_slice %arg10[%scan3A_362, %mul3A_351, %gather3A_496] : memref<4x160x128xf32, #tpu.memory_space<vmem>> -> memref<1x80x128xf32, #tpu.memory_space<vmem>>
          %gather3A_498 = tpu.memref_squeeze %gather3A_497 : memref<1x80x128xf32, #tpu.memory_space<vmem>> -> memref<80x128xf32, #tpu.memory_space<vmem>>
          %gather3A_499 = tpu.vector_load_idx %gather3A_498[%add3A_495, %and3A_455] : memref<80x128xf32, #tpu.memory_space<vmem>>[vector<16xi32>, vector<16xi32>], vector<16xf32>,
          %mul3A_500 = arith.mulf %gather3A_459, %gather3A_499 : vector<16xf32>
          %add3A_501 = arith.addf %add3A_444, %mul3A_500 : vector<16xf32>
          %scan3A_502 = arith.constant 2 : i32
          %scan3A_503 = arith.addi %scan3A_386, %scan3A_502 : i32
          %mul3A_504 = arith.constant 1 : i32
          %mul3A_505 = arith.muli %scan3A_503, %mul3A_504 : i32
          %add3A_506 = arith.constant 0 : i32
          %add3A_507 = arith.addi %add3A_506, %mul3A_505 : i32
          %add3A_508 = vector.broadcast %add3A_507 : i32 to vector<16xi32>
          %add3A_509 = arith.addi %iota3A, %add3A_508 : vector<16xi32>
          %and3A_510 = arith.constant 127 : i32
          %and3A_511 = vector.broadcast %and3A_510 : i32 to vector<16xi32>
          %and3A_512 = arith.andi %add3A_509, %and3A_511 : vector<16xi32>
          %gather3A_513 = arith.constant 0 : i32
          %gather3A_514 = tpu.memref_slice %arg9[%scan3A_361, %mul3A_349, %gather3A_513] : memref<4x32x128xf32, #tpu.memory_space<vmem>> -> memref<1x16x128xf32, #tpu.memory_space<vmem>>
          %gather3A_515 = tpu.memref_squeeze %gather3A_514 : memref<1x16x128xf32, #tpu.memory_space<vmem>> -> memref<16x128xf32, #tpu.memory_space<vmem>>
          %gather3A_516 = tpu.vector_load_idx %gather3A_515[%iota3A, %and3A_512] : memref<16x128xf32, #tpu.memory_space<vmem>>[vector<16xi32>, vector<16xi32>], vector<16xf32>,
          %gather3A_517 = arith.constant 0 : i32
          %gather3A_518 = tpu.memref_slice %arg10[%scan3A_362, %mul3A_351, %gather3A_517] : memref<4x160x128xf32, #tpu.memory_space<vmem>> -> memref<1x80x128xf32, #tpu.memory_space<vmem>>
          %gather3A_519 = tpu.memref_squeeze %gather3A_518 : memref<1x80x128xf32, #tpu.memory_space<vmem>> -> memref<80x128xf32, #tpu.memory_space<vmem>>
          %gather3A_520 = tpu.vector_load_idx %gather3A_519[%mul3A_3, %and3A_512] : memref<80x128xf32, #tpu.memory_space<vmem>>[vector<16xi32>, vector<16xi32>], vector<16xf32>,
          %mul3A_521 = arith.mulf %gather3A_516, %gather3A_520 : vector<16xf32>
          %add3A_522 = arith.addf %add3A_465, %mul3A_521 : vector<16xf32>
          %add3A_523 = arith.constant 1 : i32
          %add3A_524 = vector.broadcast %add3A_523 : i32 to vector<16xi32>
          %add3A_525 = arith.addi %mul3A_3, %add3A_524 : vector<16xi32>
          %gather3A_526 = arith.constant 0 : i32
          %gather3A_527 = tpu.memref_slice %arg10[%scan3A_362, %mul3A_351, %gather3A_526] : memref<4x160x128xf32, #tpu.memory_space<vmem>> -> memref<1x80x128xf32, #tpu.memory_space<vmem>>
          %gather3A_528 = tpu.memref_squeeze %gather3A_527 : memref<1x80x128xf32, #tpu.memory_space<vmem>> -> memref<80x128xf32, #tpu.memory_space<vmem>>
          %gather3A_529 = tpu.vector_load_idx %gather3A_528[%add3A_525, %and3A_512] : memref<80x128xf32, #tpu.memory_space<vmem>>[vector<16xi32>, vector<16xi32>], vector<16xf32>,
          %mul3A_530 = arith.mulf %gather3A_516, %gather3A_529 : vector<16xf32>
          %add3A_531 = arith.addf %add3A_474, %mul3A_530 : vector<16xf32>
          %add3A_532 = arith.constant 2 : i32
          %add3A_533 = vector.broadcast %add3A_532 : i32 to vector<16xi32>
          %add3A_534 = arith.addi %mul3A_3, %add3A_533 : vector<16xi32>
          %gather3A_535 = arith.constant 0 : i32
          %gather3A_536 = tpu.memref_slice %arg10[%scan3A_362, %mul3A_351, %gather3A_535] : memref<4x160x128xf32, #tpu.memory_space<vmem>> -> memref<1x80x128xf32, #tpu.memory_space<vmem>>
          %gather3A_537 = tpu.memref_squeeze %gather3A_536 : memref<1x80x128xf32, #tpu.memory_space<vmem>> -> memref<80x128xf32, #tpu.memory_space<vmem>>
          %gather3A_538 = tpu.vector_load_idx %gather3A_537[%add3A_534, %and3A_512] : memref<80x128xf32, #tpu.memory_space<vmem>>[vector<16xi32>, vector<16xi32>], vector<16xf32>,
          %mul3A_539 = arith.mulf %gather3A_516, %gather3A_538 : vector<16xf32>
          %add3A_540 = arith.addf %add3A_483, %mul3A_539 : vector<16xf32>
          %add3A_541 = arith.constant 3 : i32
          %add3A_542 = vector.broadcast %add3A_541 : i32 to vector<16xi32>
          %add3A_543 = arith.addi %mul3A_3, %add3A_542 : vector<16xi32>
          %gather3A_544 = arith.constant 0 : i32
          %gather3A_545 = tpu.memref_slice %arg10[%scan3A_362, %mul3A_351, %gather3A_544] : memref<4x160x128xf32, #tpu.memory_space<vmem>> -> memref<1x80x128xf32, #tpu.memory_space<vmem>>
          %gather3A_546 = tpu.memref_squeeze %gather3A_545 : memref<1x80x128xf32, #tpu.memory_space<vmem>> -> memref<80x128xf32, #tpu.memory_space<vmem>>
          %gather3A_547 = tpu.vector_load_idx %gather3A_546[%add3A_543, %and3A_512] : memref<80x128xf32, #tpu.memory_space<vmem>>[vector<16xi32>, vector<16xi32>], vector<16xf32>,
          %mul3A_548 = arith.mulf %gather3A_516, %gather3A_547 : vector<16xf32>
          %add3A_549 = arith.addf %add3A_492, %mul3A_548 : vector<16xf32>
          %add3A_550 = arith.constant 4 : i32
          %add3A_551 = vector.broadcast %add3A_550 : i32 to vector<16xi32>
          %add3A_552 = arith.addi %mul3A_3, %add3A_551 : vector<16xi32>
          %gather3A_553 = arith.constant 0 : i32
          %gather3A_554 = tpu.memref_slice %arg10[%scan3A_362, %mul3A_351, %gather3A_553] : memref<4x160x128xf32, #tpu.memory_space<vmem>> -> memref<1x80x128xf32, #tpu.memory_space<vmem>>
          %gather3A_555 = tpu.memref_squeeze %gather3A_554 : memref<1x80x128xf32, #tpu.memory_space<vmem>> -> memref<80x128xf32, #tpu.memory_space<vmem>>
          %gather3A_556 = tpu.vector_load_idx %gather3A_555[%add3A_552, %and3A_512] : memref<80x128xf32, #tpu.memory_space<vmem>>[vector<16xi32>, vector<16xi32>], vector<16xf32>,
          %mul3A_557 = arith.mulf %gather3A_516, %gather3A_556 : vector<16xf32>
          %add3A_558 = arith.addf %add3A_501, %mul3A_557 : vector<16xf32>
          %scan3A_559 = arith.constant 3 : i32
          %scan3A_560 = arith.addi %scan3A_386, %scan3A_559 : i32
          %mul3A_561 = arith.constant 1 : i32
          %mul3A_562 = arith.muli %scan3A_560, %mul3A_561 : i32
          %add3A_563 = arith.constant 0 : i32
          %add3A_564 = arith.addi %add3A_563, %mul3A_562 : i32
          %add3A_565 = vector.broadcast %add3A_564 : i32 to vector<16xi32>
          %add3A_566 = arith.addi %iota3A, %add3A_565 : vector<16xi32>
          %and3A_567 = arith.constant 127 : i32
          %and3A_568 = vector.broadcast %and3A_567 : i32 to vector<16xi32>
          %and3A_569 = arith.andi %add3A_566, %and3A_568 : vector<16xi32>
          %gather3A_570 = arith.constant 0 : i32
          %gather3A_571 = tpu.memref_slice %arg9[%scan3A_361, %mul3A_349, %gather3A_570] : memref<4x32x128xf32, #tpu.memory_space<vmem>> -> memref<1x16x128xf32, #tpu.memory_space<vmem>>
          %gather3A_572 = tpu.memref_squeeze %gather3A_571 : memref<1x16x128xf32, #tpu.memory_space<vmem>> -> memref<16x128xf32, #tpu.memory_space<vmem>>
          %gather3A_573 = tpu.vector_load_idx %gather3A_572[%iota3A, %and3A_569] : memref<16x128xf32, #tpu.memory_space<vmem>>[vector<16xi32>, vector<16xi32>], vector<16xf32>,
          %gather3A_574 = arith.constant 0 : i32
          %gather3A_575 = tpu.memref_slice %arg10[%scan3A_362, %mul3A_351, %gather3A_574] : memref<4x160x128xf32, #tpu.memory_space<vmem>> -> memref<1x80x128xf32, #tpu.memory_space<vmem>>
          %gather3A_576 = tpu.memref_squeeze %gather3A_575 : memref<1x80x128xf32, #tpu.memory_space<vmem>> -> memref<80x128xf32, #tpu.memory_space<vmem>>
          %gather3A_577 = tpu.vector_load_idx %gather3A_576[%mul3A_3, %and3A_569] : memref<80x128xf32, #tpu.memory_space<vmem>>[vector<16xi32>, vector<16xi32>], vector<16xf32>,
          %mul3A_578 = arith.mulf %gather3A_573, %gather3A_577 : vector<16xf32>
          %add3A_579 = arith.addf %add3A_522, %mul3A_578 : vector<16xf32>
          %add3A_580 = arith.constant 1 : i32
          %add3A_581 = vector.broadcast %add3A_580 : i32 to vector<16xi32>
          %add3A_582 = arith.addi %mul3A_3, %add3A_581 : vector<16xi32>
          %gather3A_583 = arith.constant 0 : i32
          %gather3A_584 = tpu.memref_slice %arg10[%scan3A_362, %mul3A_351, %gather3A_583] : memref<4x160x128xf32, #tpu.memory_space<vmem>> -> memref<1x80x128xf32, #tpu.memory_space<vmem>>
          %gather3A_585 = tpu.memref_squeeze %gather3A_584 : memref<1x80x128xf32, #tpu.memory_space<vmem>> -> memref<80x128xf32, #tpu.memory_space<vmem>>
          %gather3A_586 = tpu.vector_load_idx %gather3A_585[%add3A_582, %and3A_569] : memref<80x128xf32, #tpu.memory_space<vmem>>[vector<16xi32>, vector<16xi32>], vector<16xf32>,
          %mul3A_587 = arith.mulf %gather3A_573, %gather3A_586 : vector<16xf32>
          %add3A_588 = arith.addf %add3A_531, %mul3A_587 : vector<16xf32>
          %add3A_589 = arith.constant 2 : i32
          %add3A_590 = vector.broadcast %add3A_589 : i32 to vector<16xi32>
          %add3A_591 = arith.addi %mul3A_3, %add3A_590 : vector<16xi32>
          %gather3A_592 = arith.constant 0 : i32
          %gather3A_593 = tpu.memref_slice %arg10[%scan3A_362, %mul3A_351, %gather3A_592] : memref<4x160x128xf32, #tpu.memory_space<vmem>> -> memref<1x80x128xf32, #tpu.memory_space<vmem>>
          %gather3A_594 = tpu.memref_squeeze %gather3A_593 : memref<1x80x128xf32, #tpu.memory_space<vmem>> -> memref<80x128xf32, #tpu.memory_space<vmem>>
          %gather3A_595 = tpu.vector_load_idx %gather3A_594[%add3A_591, %and3A_569] : memref<80x128xf32, #tpu.memory_space<vmem>>[vector<16xi32>, vector<16xi32>], vector<16xf32>,
          %mul3A_596 = arith.mulf %gather3A_573, %gather3A_595 : vector<16xf32>
          %add3A_597 = arith.addf %add3A_540, %mul3A_596 : vector<16xf32>
          %add3A_598 = arith.constant 3 : i32
          %add3A_599 = vector.broadcast %add3A_598 : i32 to vector<16xi32>
          %add3A_600 = arith.addi %mul3A_3, %add3A_599 : vector<16xi32>
          %gather3A_601 = arith.constant 0 : i32
          %gather3A_602 = tpu.memref_slice %arg10[%scan3A_362, %mul3A_351, %gather3A_601] : memref<4x160x128xf32, #tpu.memory_space<vmem>> -> memref<1x80x128xf32, #tpu.memory_space<vmem>>
          %gather3A_603 = tpu.memref_squeeze %gather3A_602 : memref<1x80x128xf32, #tpu.memory_space<vmem>> -> memref<80x128xf32, #tpu.memory_space<vmem>>
          %gather3A_604 = tpu.vector_load_idx %gather3A_603[%add3A_600, %and3A_569] : memref<80x128xf32, #tpu.memory_space<vmem>>[vector<16xi32>, vector<16xi32>], vector<16xf32>,
          %mul3A_605 = arith.mulf %gather3A_573, %gather3A_604 : vector<16xf32>
          %add3A_606 = arith.addf %add3A_549, %mul3A_605 : vector<16xf32>
          %add3A_607 = arith.constant 4 : i32
          %add3A_608 = vector.broadcast %add3A_607 : i32 to vector<16xi32>
          %add3A_609 = arith.addi %mul3A_3, %add3A_608 : vector<16xi32>
          %gather3A_610 = arith.constant 0 : i32
          %gather3A_611 = tpu.memref_slice %arg10[%scan3A_362, %mul3A_351, %gather3A_610] : memref<4x160x128xf32, #tpu.memory_space<vmem>> -> memref<1x80x128xf32, #tpu.memory_space<vmem>>
          %gather3A_612 = tpu.memref_squeeze %gather3A_611 : memref<1x80x128xf32, #tpu.memory_space<vmem>> -> memref<80x128xf32, #tpu.memory_space<vmem>>
          %gather3A_613 = tpu.vector_load_idx %gather3A_612[%add3A_609, %and3A_569] : memref<80x128xf32, #tpu.memory_space<vmem>>[vector<16xi32>, vector<16xi32>], vector<16xf32>,
          %mul3A_614 = arith.mulf %gather3A_573, %gather3A_613 : vector<16xf32>
          %add3A_615 = arith.addf %add3A_558, %mul3A_614 : vector<16xf32>
          scf.yield %add3A_579, %add3A_588, %add3A_597, %add3A_606, %add3A_615 : vector<16xf32>, vector<16xf32>, vector<16xf32>, vector<16xf32>, vector<16xf32>
        }
        %scan3A_368 = arith.constant 128 : i32
        %mul3A_369 = arith.constant 32 : i32
        %mul3A_370 = arith.muli %add3A_152, %mul3A_369 : i32
        %mul3A_371 = arith.constant 16 : i32
        %mul3A_372 = arith.muli %add3A_347, %mul3A_371 : i32
        %add3A_373 = arith.addi %mul3A_370, %mul3A_372 : i32
        %add3A_374 = vector.broadcast %add3A_373 : i32 to vector<16xi32>
        %add3A_375 = arith.addi %add3A_374, %iota3A : vector<16xi32>
        %broadcast_in_dim3A_376 = arith.constant 0 : i32
        %broadcast_in_dim3A_377 = vector.broadcast %broadcast_in_dim3A_376 : i32 to vector<16xi32>
        tpu.vector_store_idx %arg11[%broadcast_in_dim3A_377, %add3A_375], %scan3A_367#0 : memref<8x512xf32, #tpu.memory_space<vmem>>[vector<16xi32>, vector<16xi32>], vector<16xf32>,
        %broadcast_in_dim3A_378 = arith.constant 1 : i32
        %broadcast_in_dim3A_379 = vector.broadcast %broadcast_in_dim3A_378 : i32 to vector<16xi32>
        tpu.vector_store_idx %arg11[%broadcast_in_dim3A_379, %add3A_375], %scan3A_367#1 : memref<8x512xf32, #tpu.memory_space<vmem>>[vector<16xi32>, vector<16xi32>], vector<16xf32>,
        %broadcast_in_dim3A_380 = arith.constant 2 : i32
        %broadcast_in_dim3A_381 = vector.broadcast %broadcast_in_dim3A_380 : i32 to vector<16xi32>
        tpu.vector_store_idx %arg11[%broadcast_in_dim3A_381, %add3A_375], %scan3A_367#2 : memref<8x512xf32, #tpu.memory_space<vmem>>[vector<16xi32>, vector<16xi32>], vector<16xf32>,
        %broadcast_in_dim3A_382 = arith.constant 3 : i32
        %broadcast_in_dim3A_383 = vector.broadcast %broadcast_in_dim3A_382 : i32 to vector<16xi32>
        tpu.vector_store_idx %arg11[%broadcast_in_dim3A_383, %add3A_375], %scan3A_367#3 : memref<8x512xf32, #tpu.memory_space<vmem>>[vector<16xi32>, vector<16xi32>], vector<16xf32>,
        %broadcast_in_dim3A_384 = arith.constant 4 : i32
        %broadcast_in_dim3A_385 = vector.broadcast %broadcast_in_dim3A_384 : i32 to vector<16xi32>
        tpu.vector_store_idx %arg11[%broadcast_in_dim3A_385, %add3A_375], %scan3A_367#4 : memref<8x512xf32, #tpu.memory_space<vmem>>[vector<16xi32>, vector<16xi32>], vector<16xf32>,
      }
      %scan3A_191 = arith.constant 2 : i32
      %add3A_192 = arith.constant 4 : i32
      %add3A_193 = arith.addi %add3A_152, %add3A_192 : i32
      %lt3A = arith.constant 16 : i32
      %lt3A_194 = arith.cmpi slt, %add3A_193, %lt3A : i32
      %convert_element_type3A = arith.extui %lt3A_194 : i1 to i32
      %cond3A = arith.constant 0 : i32
      %cond3A_195 = arith.cmpi ne, %convert_element_type3A, %cond3A : i32
      scf.if %cond3A_195 {
        %add3A_343 = arith.constant 4 : i32
        %add3A_344 = arith.addi %add3A_152, %add3A_343 : i32
        %mul3A_345 = arith.constant 32 : i32
        %mul3A_346 = arith.muli %add3A_344, %mul3A_345 : i32
        %multiple_of3A_347 = tpu.assume_multiple %mul3A_346, 8 : i32
        %mul3A_348 = arith.constant 160 : i32
        %mul3A_349 = arith.muli %add3A_344, %mul3A_348 : i32
        %multiple_of3A_350 = tpu.assume_multiple %mul3A_349, 8 : i32
        %add3A_351 = arith.constant 80 : i32
        %add3A_352 = arith.addi %multiple_of3A_350, %add3A_351 : i32
        %dma_start3A_353 = arith.constant 0 : i32
        %dma_start3A_354 = arith.constant 0 : i32
        %dma_start3A_355 = arith.constant 0 : i32
        %dma_start3A_356 = tpu.memref_slice %arg9[%dma_start3A_353, %dma_start3A_354, %dma_start3A_355] : memref<4x32x128xf32, #tpu.memory_space<vmem>> -> memref<1x32x128xf32, #tpu.memory_space<vmem>>
        %dma_start3A_357 = tpu.memref_squeeze %dma_start3A_356 : memref<1x32x128xf32, #tpu.memory_space<vmem>> -> memref<32x128xf32, #tpu.memory_space<vmem>>
        %dma_start3A_358 = tpu.memref_slice %arg7[%multiple_of3A_347] : memref<512xi32, #tpu.memory_space<vmem>> -> memref<32xi32, #tpu.memory_space<vmem>>
        %dma_start3A_359 = arith.constant 0 : i32
        %dma_start3A_360 = arith.constant 0 : i32
        %dma_start3A_361 = tpu.memref_slice %arg4[%dma_start3A_359, %dma_start3A_360] : memref<100002x128xf32, #tpu.memory_space<hbm>> -> memref<100002x128xf32, #tpu.memory_space<hbm>>
        tpu.enqueue_indirect_dma source(%dma_start3A_361 : memref<100002x128xf32, #tpu.memory_space<hbm>>) target(%dma_start3A_357 : memref<32x128xf32, #tpu.memory_space<vmem>>) offsets(%dma_start3A_358 : memref<32xi32, #tpu.memory_space<vmem>>) semaphore(%arg12 : memref<!tpu.dma_semaphore, #tpu.memory_space<semaphore_mem>>)
        %dma_start3A_362 = arith.constant 0 : i32
        %dma_start3A_363 = arith.constant 0 : i32
        %dma_start3A_364 = arith.constant 0 : i32
        %dma_start3A_365 = tpu.memref_slice %arg10[%dma_start3A_362, %dma_start3A_363, %dma_start3A_364] : memref<4x160x128xf32, #tpu.memory_space<vmem>> -> memref<1x80x128xf32, #tpu.memory_space<vmem>>
        %dma_start3A_366 = tpu.memref_squeeze %dma_start3A_365 : memref<1x80x128xf32, #tpu.memory_space<vmem>> -> memref<80x128xf32, #tpu.memory_space<vmem>>
        %dma_start3A_367 = tpu.memref_slice %arg8[%multiple_of3A_350] : memref<2560xi32, #tpu.memory_space<vmem>> -> memref<80xi32, #tpu.memory_space<vmem>>
        %dma_start3A_368 = arith.constant 0 : i32
        %dma_start3A_369 = arith.constant 0 : i32
        %dma_start3A_370 = tpu.memref_slice %arg5[%dma_start3A_368, %dma_start3A_369] : memref<100002x128xf32, #tpu.memory_space<hbm>> -> memref<100002x128xf32, #tpu.memory_space<hbm>>
        tpu.enqueue_indirect_dma source(%dma_start3A_370 : memref<100002x128xf32, #tpu.memory_space<hbm>>) target(%dma_start3A_366 : memref<80x128xf32, #tpu.memory_space<vmem>>) offsets(%dma_start3A_367 : memref<80xi32, #tpu.memory_space<vmem>>) semaphore(%arg16 : memref<!tpu.dma_semaphore, #tpu.memory_space<semaphore_mem>>)
        %dma_start3A_371 = arith.constant 0 : i32
        %dma_start3A_372 = arith.constant 80 : i32
        %dma_start3A_373 = arith.constant 0 : i32
        %dma_start3A_374 = tpu.memref_slice %arg10[%dma_start3A_371, %dma_start3A_372, %dma_start3A_373] : memref<4x160x128xf32, #tpu.memory_space<vmem>> -> memref<1x80x128xf32, #tpu.memory_space<vmem>>
        %dma_start3A_375 = tpu.memref_squeeze %dma_start3A_374 : memref<1x80x128xf32, #tpu.memory_space<vmem>> -> memref<80x128xf32, #tpu.memory_space<vmem>>
        %dma_start3A_376 = tpu.memref_slice %arg8[%add3A_352] : memref<2560xi32, #tpu.memory_space<vmem>> -> memref<80xi32, #tpu.memory_space<vmem>>
        %dma_start3A_377 = arith.constant 0 : i32
        %dma_start3A_378 = arith.constant 0 : i32
        %dma_start3A_379 = tpu.memref_slice %arg5[%dma_start3A_377, %dma_start3A_378] : memref<100002x128xf32, #tpu.memory_space<hbm>> -> memref<100002x128xf32, #tpu.memory_space<hbm>>
        tpu.enqueue_indirect_dma source(%dma_start3A_379 : memref<100002x128xf32, #tpu.memory_space<hbm>>) target(%dma_start3A_375 : memref<80x128xf32, #tpu.memory_space<vmem>>) offsets(%dma_start3A_376 : memref<80xi32, #tpu.memory_space<vmem>>) semaphore(%arg16 : memref<!tpu.dma_semaphore, #tpu.memory_space<semaphore_mem>>)
      } else {
      }
      %add3A_196 = arith.constant 1 : i32
      %add3A_197 = arith.addi %add3A_150, %add3A_196 : i32
      %mul3A_198 = arith.constant 32 : i32
      %mul3A_199 = arith.muli %add3A_197, %mul3A_198 : i32
      %multiple_of3A_200 = tpu.assume_multiple %mul3A_199, 8 : i32
      %mul3A_201 = arith.constant 160 : i32
      %mul3A_202 = arith.muli %add3A_197, %mul3A_201 : i32
      %multiple_of3A_203 = tpu.assume_multiple %mul3A_202, 8 : i32
      %add3A_204 = arith.constant 80 : i32
      %add3A_205 = arith.addi %multiple_of3A_203, %add3A_204 : i32
      %dma_wait3A_206 = arith.constant 1 : i32
      %dma_wait3A_207 = arith.constant 0 : i32
      %dma_wait3A_208 = arith.constant 0 : i32
      %dma_wait3A_209 = tpu.memref_slice %arg9[%dma_wait3A_206, %dma_wait3A_207, %dma_wait3A_208] : memref<4x32x128xf32, #tpu.memory_space<vmem>> -> memref<1x32x128xf32, #tpu.memory_space<vmem>>
      %dma_wait3A_210 = tpu.memref_squeeze %dma_wait3A_209 : memref<1x32x128xf32, #tpu.memory_space<vmem>> -> memref<32x128xf32, #tpu.memory_space<vmem>>
      %dma_wait3A_211 = tpu.memref_slice %arg7[%multiple_of3A_200] : memref<512xi32, #tpu.memory_space<vmem>> -> memref<32xi32, #tpu.memory_space<vmem>>
      %dma_wait3A_212 = arith.constant 0 : i32
      %dma_wait3A_213 = arith.constant 0 : i32
      %dma_wait3A_214 = tpu.memref_slice %arg4[%dma_wait3A_212, %dma_wait3A_213] : memref<100002x128xf32, #tpu.memory_space<hbm>> -> memref<100002x128xf32, #tpu.memory_space<hbm>>
      tpu.wait_indirect_dma semaphore(%arg13 : memref<!tpu.dma_semaphore, #tpu.memory_space<semaphore_mem>>) src(%dma_wait3A_214 : memref<100002x128xf32, #tpu.memory_space<hbm>>) dst(%dma_wait3A_210 : memref<32x128xf32, #tpu.memory_space<vmem>>)
      %dma_wait3A_215 = arith.constant 1 : i32
      %dma_wait3A_216 = arith.constant 0 : i32
      %dma_wait3A_217 = arith.constant 0 : i32
      %dma_wait3A_218 = tpu.memref_slice %arg10[%dma_wait3A_215, %dma_wait3A_216, %dma_wait3A_217] : memref<4x160x128xf32, #tpu.memory_space<vmem>> -> memref<1x80x128xf32, #tpu.memory_space<vmem>>
      %dma_wait3A_219 = tpu.memref_squeeze %dma_wait3A_218 : memref<1x80x128xf32, #tpu.memory_space<vmem>> -> memref<80x128xf32, #tpu.memory_space<vmem>>
      %dma_wait3A_220 = tpu.memref_slice %arg8[%multiple_of3A_203] : memref<2560xi32, #tpu.memory_space<vmem>> -> memref<80xi32, #tpu.memory_space<vmem>>
      %dma_wait3A_221 = arith.constant 0 : i32
      %dma_wait3A_222 = arith.constant 0 : i32
      %dma_wait3A_223 = tpu.memref_slice %arg5[%dma_wait3A_221, %dma_wait3A_222] : memref<100002x128xf32, #tpu.memory_space<hbm>> -> memref<100002x128xf32, #tpu.memory_space<hbm>>
      tpu.wait_indirect_dma semaphore(%arg17 : memref<!tpu.dma_semaphore, #tpu.memory_space<semaphore_mem>>) src(%dma_wait3A_223 : memref<100002x128xf32, #tpu.memory_space<hbm>>) dst(%dma_wait3A_219 : memref<80x128xf32, #tpu.memory_space<vmem>>)
      %dma_wait3A_224 = arith.constant 1 : i32
      %dma_wait3A_225 = arith.constant 80 : i32
      %dma_wait3A_226 = arith.constant 0 : i32
      %dma_wait3A_227 = tpu.memref_slice %arg10[%dma_wait3A_224, %dma_wait3A_225, %dma_wait3A_226] : memref<4x160x128xf32, #tpu.memory_space<vmem>> -> memref<1x80x128xf32, #tpu.memory_space<vmem>>
      %dma_wait3A_228 = tpu.memref_squeeze %dma_wait3A_227 : memref<1x80x128xf32, #tpu.memory_space<vmem>> -> memref<80x128xf32, #tpu.memory_space<vmem>>
      %dma_wait3A_229 = tpu.memref_slice %arg8[%add3A_205] : memref<2560xi32, #tpu.memory_space<vmem>> -> memref<80xi32, #tpu.memory_space<vmem>>
      %dma_wait3A_230 = arith.constant 0 : i32
      %dma_wait3A_231 = arith.constant 0 : i32
      %dma_wait3A_232 = tpu.memref_slice %arg5[%dma_wait3A_230, %dma_wait3A_231] : memref<100002x128xf32, #tpu.memory_space<hbm>> -> memref<100002x128xf32, #tpu.memory_space<hbm>>
      tpu.wait_indirect_dma semaphore(%arg17 : memref<!tpu.dma_semaphore, #tpu.memory_space<semaphore_mem>>) src(%dma_wait3A_232 : memref<100002x128xf32, #tpu.memory_space<hbm>>) dst(%dma_wait3A_228 : memref<80x128xf32, #tpu.memory_space<vmem>>)
      %scan3A_233 = arith.constant 0 : i32
      %scan3A_234 = arith.constant 2 : i32
      %scan3A_235 = arith.addi %scan3A_233, %scan3A_234 : i32
      %scan3A_236 = arith.constant 1 : i32
      scf.for %scan3A_343 = %scan3A_233 to %scan3A_235 step %scan3A_236  : i32 {
        %mul3A_344 = arith.constant 1 : i32
        %mul3A_345 = arith.muli %scan3A_343, %mul3A_344 : i32
        %add3A_346 = arith.constant 0 : i32
        %add3A_347 = arith.addi %add3A_346, %mul3A_345 : i32
        %mul3A_348 = arith.constant 16 : i32
        %mul3A_349 = arith.muli %add3A_347, %mul3A_348 : i32
        %mul3A_350 = arith.constant 80 : i32
        %mul3A_351 = arith.muli %add3A_347, %mul3A_350 : i32
        %broadcast_in_dim3A = arith.constant 0.000000e+00 : f32
        %broadcast_in_dim3A_352 = vector.broadcast %broadcast_in_dim3A : f32 to vector<16xf32>
        %broadcast_in_dim3A_353 = arith.constant 0.000000e+00 : f32
        %broadcast_in_dim3A_354 = vector.broadcast %broadcast_in_dim3A_353 : f32 to vector<16xf32>
        %broadcast_in_dim3A_355 = arith.constant 0.000000e+00 : f32
        %broadcast_in_dim3A_356 = vector.broadcast %broadcast_in_dim3A_355 : f32 to vector<16xf32>
        %broadcast_in_dim3A_357 = arith.constant 0.000000e+00 : f32
        %broadcast_in_dim3A_358 = vector.broadcast %broadcast_in_dim3A_357 : f32 to vector<16xf32>
        %broadcast_in_dim3A_359 = arith.constant 0.000000e+00 : f32
        %broadcast_in_dim3A_360 = vector.broadcast %broadcast_in_dim3A_359 : f32 to vector<16xf32>
        %scan3A_361 = arith.constant 1 : i32
        %scan3A_362 = arith.constant 1 : i32
        %scan3A_363 = arith.constant 0 : i32
        %scan3A_364 = arith.constant 128 : i32
        %scan3A_365 = arith.addi %scan3A_363, %scan3A_364 : i32
        %scan3A_366 = arith.constant 4 : i32
        %scan3A_367:5 = scf.for %scan3A_386 = %scan3A_363 to %scan3A_365 step %scan3A_366 iter_args(%scan3A_387 = %broadcast_in_dim3A_352, %scan3A_388 = %broadcast_in_dim3A_354, %scan3A_389 = %broadcast_in_dim3A_356, %scan3A_390 = %broadcast_in_dim3A_358, %scan3A_391 = %broadcast_in_dim3A_360) -> (vector<16xf32>, vector<16xf32>, vector<16xf32>, vector<16xf32>, vector<16xf32>)  : i32 {
          %mul3A_392 = arith.constant 1 : i32
          %mul3A_393 = arith.muli %scan3A_386, %mul3A_392 : i32
          %add3A_394 = arith.constant 0 : i32
          %add3A_395 = arith.addi %add3A_394, %mul3A_393 : i32
          %add3A_396 = vector.broadcast %add3A_395 : i32 to vector<16xi32>
          %add3A_397 = arith.addi %iota3A, %add3A_396 : vector<16xi32>
          %and3A = arith.constant 127 : i32
          %and3A_398 = vector.broadcast %and3A : i32 to vector<16xi32>
          %and3A_399 = arith.andi %add3A_397, %and3A_398 : vector<16xi32>
          %gather3A = arith.constant 0 : i32
          %gather3A_400 = tpu.memref_slice %arg9[%scan3A_361, %mul3A_349, %gather3A] : memref<4x32x128xf32, #tpu.memory_space<vmem>> -> memref<1x16x128xf32, #tpu.memory_space<vmem>>
          %gather3A_401 = tpu.memref_squeeze %gather3A_400 : memref<1x16x128xf32, #tpu.memory_space<vmem>> -> memref<16x128xf32, #tpu.memory_space<vmem>>
          %gather3A_402 = tpu.vector_load_idx %gather3A_401[%iota3A, %and3A_399] : memref<16x128xf32, #tpu.memory_space<vmem>>[vector<16xi32>, vector<16xi32>], vector<16xf32>,
          %gather3A_403 = arith.constant 0 : i32
          %gather3A_404 = tpu.memref_slice %arg10[%scan3A_362, %mul3A_351, %gather3A_403] : memref<4x160x128xf32, #tpu.memory_space<vmem>> -> memref<1x80x128xf32, #tpu.memory_space<vmem>>
          %gather3A_405 = tpu.memref_squeeze %gather3A_404 : memref<1x80x128xf32, #tpu.memory_space<vmem>> -> memref<80x128xf32, #tpu.memory_space<vmem>>
          %gather3A_406 = tpu.vector_load_idx %gather3A_405[%mul3A_3, %and3A_399] : memref<80x128xf32, #tpu.memory_space<vmem>>[vector<16xi32>, vector<16xi32>], vector<16xf32>,
          %mul3A_407 = arith.mulf %gather3A_402, %gather3A_406 : vector<16xf32>
          %add3A_408 = arith.addf %scan3A_387, %mul3A_407 : vector<16xf32>
          %add3A_409 = arith.constant 1 : i32
          %add3A_410 = vector.broadcast %add3A_409 : i32 to vector<16xi32>
          %add3A_411 = arith.addi %mul3A_3, %add3A_410 : vector<16xi32>
          %gather3A_412 = arith.constant 0 : i32
          %gather3A_413 = tpu.memref_slice %arg10[%scan3A_362, %mul3A_351, %gather3A_412] : memref<4x160x128xf32, #tpu.memory_space<vmem>> -> memref<1x80x128xf32, #tpu.memory_space<vmem>>
          %gather3A_414 = tpu.memref_squeeze %gather3A_413 : memref<1x80x128xf32, #tpu.memory_space<vmem>> -> memref<80x128xf32, #tpu.memory_space<vmem>>
          %gather3A_415 = tpu.vector_load_idx %gather3A_414[%add3A_411, %and3A_399] : memref<80x128xf32, #tpu.memory_space<vmem>>[vector<16xi32>, vector<16xi32>], vector<16xf32>,
          %mul3A_416 = arith.mulf %gather3A_402, %gather3A_415 : vector<16xf32>
          %add3A_417 = arith.addf %scan3A_388, %mul3A_416 : vector<16xf32>
          %add3A_418 = arith.constant 2 : i32
          %add3A_419 = vector.broadcast %add3A_418 : i32 to vector<16xi32>
          %add3A_420 = arith.addi %mul3A_3, %add3A_419 : vector<16xi32>
          %gather3A_421 = arith.constant 0 : i32
          %gather3A_422 = tpu.memref_slice %arg10[%scan3A_362, %mul3A_351, %gather3A_421] : memref<4x160x128xf32, #tpu.memory_space<vmem>> -> memref<1x80x128xf32, #tpu.memory_space<vmem>>
          %gather3A_423 = tpu.memref_squeeze %gather3A_422 : memref<1x80x128xf32, #tpu.memory_space<vmem>> -> memref<80x128xf32, #tpu.memory_space<vmem>>
          %gather3A_424 = tpu.vector_load_idx %gather3A_423[%add3A_420, %and3A_399] : memref<80x128xf32, #tpu.memory_space<vmem>>[vector<16xi32>, vector<16xi32>], vector<16xf32>,
          %mul3A_425 = arith.mulf %gather3A_402, %gather3A_424 : vector<16xf32>
          %add3A_426 = arith.addf %scan3A_389, %mul3A_425 : vector<16xf32>
          %add3A_427 = arith.constant 3 : i32
          %add3A_428 = vector.broadcast %add3A_427 : i32 to vector<16xi32>
          %add3A_429 = arith.addi %mul3A_3, %add3A_428 : vector<16xi32>
          %gather3A_430 = arith.constant 0 : i32
          %gather3A_431 = tpu.memref_slice %arg10[%scan3A_362, %mul3A_351, %gather3A_430] : memref<4x160x128xf32, #tpu.memory_space<vmem>> -> memref<1x80x128xf32, #tpu.memory_space<vmem>>
          %gather3A_432 = tpu.memref_squeeze %gather3A_431 : memref<1x80x128xf32, #tpu.memory_space<vmem>> -> memref<80x128xf32, #tpu.memory_space<vmem>>
          %gather3A_433 = tpu.vector_load_idx %gather3A_432[%add3A_429, %and3A_399] : memref<80x128xf32, #tpu.memory_space<vmem>>[vector<16xi32>, vector<16xi32>], vector<16xf32>,
          %mul3A_434 = arith.mulf %gather3A_402, %gather3A_433 : vector<16xf32>
          %add3A_435 = arith.addf %scan3A_390, %mul3A_434 : vector<16xf32>
          %add3A_436 = arith.constant 4 : i32
          %add3A_437 = vector.broadcast %add3A_436 : i32 to vector<16xi32>
          %add3A_438 = arith.addi %mul3A_3, %add3A_437 : vector<16xi32>
          %gather3A_439 = arith.constant 0 : i32
          %gather3A_440 = tpu.memref_slice %arg10[%scan3A_362, %mul3A_351, %gather3A_439] : memref<4x160x128xf32, #tpu.memory_space<vmem>> -> memref<1x80x128xf32, #tpu.memory_space<vmem>>
          %gather3A_441 = tpu.memref_squeeze %gather3A_440 : memref<1x80x128xf32, #tpu.memory_space<vmem>> -> memref<80x128xf32, #tpu.memory_space<vmem>>
          %gather3A_442 = tpu.vector_load_idx %gather3A_441[%add3A_438, %and3A_399] : memref<80x128xf32, #tpu.memory_space<vmem>>[vector<16xi32>, vector<16xi32>], vector<16xf32>,
          %mul3A_443 = arith.mulf %gather3A_402, %gather3A_442 : vector<16xf32>
          %add3A_444 = arith.addf %scan3A_391, %mul3A_443 : vector<16xf32>
          %scan3A_445 = arith.constant 1 : i32
          %scan3A_446 = arith.addi %scan3A_386, %scan3A_445 : i32
          %mul3A_447 = arith.constant 1 : i32
          %mul3A_448 = arith.muli %scan3A_446, %mul3A_447 : i32
          %add3A_449 = arith.constant 0 : i32
          %add3A_450 = arith.addi %add3A_449, %mul3A_448 : i32
          %add3A_451 = vector.broadcast %add3A_450 : i32 to vector<16xi32>
          %add3A_452 = arith.addi %iota3A, %add3A_451 : vector<16xi32>
          %and3A_453 = arith.constant 127 : i32
          %and3A_454 = vector.broadcast %and3A_453 : i32 to vector<16xi32>
          %and3A_455 = arith.andi %add3A_452, %and3A_454 : vector<16xi32>
          %gather3A_456 = arith.constant 0 : i32
          %gather3A_457 = tpu.memref_slice %arg9[%scan3A_361, %mul3A_349, %gather3A_456] : memref<4x32x128xf32, #tpu.memory_space<vmem>> -> memref<1x16x128xf32, #tpu.memory_space<vmem>>
          %gather3A_458 = tpu.memref_squeeze %gather3A_457 : memref<1x16x128xf32, #tpu.memory_space<vmem>> -> memref<16x128xf32, #tpu.memory_space<vmem>>
          %gather3A_459 = tpu.vector_load_idx %gather3A_458[%iota3A, %and3A_455] : memref<16x128xf32, #tpu.memory_space<vmem>>[vector<16xi32>, vector<16xi32>], vector<16xf32>,
          %gather3A_460 = arith.constant 0 : i32
          %gather3A_461 = tpu.memref_slice %arg10[%scan3A_362, %mul3A_351, %gather3A_460] : memref<4x160x128xf32, #tpu.memory_space<vmem>> -> memref<1x80x128xf32, #tpu.memory_space<vmem>>
          %gather3A_462 = tpu.memref_squeeze %gather3A_461 : memref<1x80x128xf32, #tpu.memory_space<vmem>> -> memref<80x128xf32, #tpu.memory_space<vmem>>
          %gather3A_463 = tpu.vector_load_idx %gather3A_462[%mul3A_3, %and3A_455] : memref<80x128xf32, #tpu.memory_space<vmem>>[vector<16xi32>, vector<16xi32>], vector<16xf32>,
          %mul3A_464 = arith.mulf %gather3A_459, %gather3A_463 : vector<16xf32>
          %add3A_465 = arith.addf %add3A_408, %mul3A_464 : vector<16xf32>
          %add3A_466 = arith.constant 1 : i32
          %add3A_467 = vector.broadcast %add3A_466 : i32 to vector<16xi32>
          %add3A_468 = arith.addi %mul3A_3, %add3A_467 : vector<16xi32>
          %gather3A_469 = arith.constant 0 : i32
          %gather3A_470 = tpu.memref_slice %arg10[%scan3A_362, %mul3A_351, %gather3A_469] : memref<4x160x128xf32, #tpu.memory_space<vmem>> -> memref<1x80x128xf32, #tpu.memory_space<vmem>>
          %gather3A_471 = tpu.memref_squeeze %gather3A_470 : memref<1x80x128xf32, #tpu.memory_space<vmem>> -> memref<80x128xf32, #tpu.memory_space<vmem>>
          %gather3A_472 = tpu.vector_load_idx %gather3A_471[%add3A_468, %and3A_455] : memref<80x128xf32, #tpu.memory_space<vmem>>[vector<16xi32>, vector<16xi32>], vector<16xf32>,
          %mul3A_473 = arith.mulf %gather3A_459, %gather3A_472 : vector<16xf32>
          %add3A_474 = arith.addf %add3A_417, %mul3A_473 : vector<16xf32>
          %add3A_475 = arith.constant 2 : i32
          %add3A_476 = vector.broadcast %add3A_475 : i32 to vector<16xi32>
          %add3A_477 = arith.addi %mul3A_3, %add3A_476 : vector<16xi32>
          %gather3A_478 = arith.constant 0 : i32
          %gather3A_479 = tpu.memref_slice %arg10[%scan3A_362, %mul3A_351, %gather3A_478] : memref<4x160x128xf32, #tpu.memory_space<vmem>> -> memref<1x80x128xf32, #tpu.memory_space<vmem>>
          %gather3A_480 = tpu.memref_squeeze %gather3A_479 : memref<1x80x128xf32, #tpu.memory_space<vmem>> -> memref<80x128xf32, #tpu.memory_space<vmem>>
          %gather3A_481 = tpu.vector_load_idx %gather3A_480[%add3A_477, %and3A_455] : memref<80x128xf32, #tpu.memory_space<vmem>>[vector<16xi32>, vector<16xi32>], vector<16xf32>,
          %mul3A_482 = arith.mulf %gather3A_459, %gather3A_481 : vector<16xf32>
          %add3A_483 = arith.addf %add3A_426, %mul3A_482 : vector<16xf32>
          %add3A_484 = arith.constant 3 : i32
          %add3A_485 = vector.broadcast %add3A_484 : i32 to vector<16xi32>
          %add3A_486 = arith.addi %mul3A_3, %add3A_485 : vector<16xi32>
          %gather3A_487 = arith.constant 0 : i32
          %gather3A_488 = tpu.memref_slice %arg10[%scan3A_362, %mul3A_351, %gather3A_487] : memref<4x160x128xf32, #tpu.memory_space<vmem>> -> memref<1x80x128xf32, #tpu.memory_space<vmem>>
          %gather3A_489 = tpu.memref_squeeze %gather3A_488 : memref<1x80x128xf32, #tpu.memory_space<vmem>> -> memref<80x128xf32, #tpu.memory_space<vmem>>
          %gather3A_490 = tpu.vector_load_idx %gather3A_489[%add3A_486, %and3A_455] : memref<80x128xf32, #tpu.memory_space<vmem>>[vector<16xi32>, vector<16xi32>], vector<16xf32>,
          %mul3A_491 = arith.mulf %gather3A_459, %gather3A_490 : vector<16xf32>
          %add3A_492 = arith.addf %add3A_435, %mul3A_491 : vector<16xf32>
          %add3A_493 = arith.constant 4 : i32
          %add3A_494 = vector.broadcast %add3A_493 : i32 to vector<16xi32>
          %add3A_495 = arith.addi %mul3A_3, %add3A_494 : vector<16xi32>
          %gather3A_496 = arith.constant 0 : i32
          %gather3A_497 = tpu.memref_slice %arg10[%scan3A_362, %mul3A_351, %gather3A_496] : memref<4x160x128xf32, #tpu.memory_space<vmem>> -> memref<1x80x128xf32, #tpu.memory_space<vmem>>
          %gather3A_498 = tpu.memref_squeeze %gather3A_497 : memref<1x80x128xf32, #tpu.memory_space<vmem>> -> memref<80x128xf32, #tpu.memory_space<vmem>>
          %gather3A_499 = tpu.vector_load_idx %gather3A_498[%add3A_495, %and3A_455] : memref<80x128xf32, #tpu.memory_space<vmem>>[vector<16xi32>, vector<16xi32>], vector<16xf32>,
          %mul3A_500 = arith.mulf %gather3A_459, %gather3A_499 : vector<16xf32>
          %add3A_501 = arith.addf %add3A_444, %mul3A_500 : vector<16xf32>
          %scan3A_502 = arith.constant 2 : i32
          %scan3A_503 = arith.addi %scan3A_386, %scan3A_502 : i32
          %mul3A_504 = arith.constant 1 : i32
          %mul3A_505 = arith.muli %scan3A_503, %mul3A_504 : i32
          %add3A_506 = arith.constant 0 : i32
          %add3A_507 = arith.addi %add3A_506, %mul3A_505 : i32
          %add3A_508 = vector.broadcast %add3A_507 : i32 to vector<16xi32>
          %add3A_509 = arith.addi %iota3A, %add3A_508 : vector<16xi32>
          %and3A_510 = arith.constant 127 : i32
          %and3A_511 = vector.broadcast %and3A_510 : i32 to vector<16xi32>
          %and3A_512 = arith.andi %add3A_509, %and3A_511 : vector<16xi32>
          %gather3A_513 = arith.constant 0 : i32
          %gather3A_514 = tpu.memref_slice %arg9[%scan3A_361, %mul3A_349, %gather3A_513] : memref<4x32x128xf32, #tpu.memory_space<vmem>> -> memref<1x16x128xf32, #tpu.memory_space<vmem>>
          %gather3A_515 = tpu.memref_squeeze %gather3A_514 : memref<1x16x128xf32, #tpu.memory_space<vmem>> -> memref<16x128xf32, #tpu.memory_space<vmem>>
          %gather3A_516 = tpu.vector_load_idx %gather3A_515[%iota3A, %and3A_512] : memref<16x128xf32, #tpu.memory_space<vmem>>[vector<16xi32>, vector<16xi32>], vector<16xf32>,
          %gather3A_517 = arith.constant 0 : i32
          %gather3A_518 = tpu.memref_slice %arg10[%scan3A_362, %mul3A_351, %gather3A_517] : memref<4x160x128xf32, #tpu.memory_space<vmem>> -> memref<1x80x128xf32, #tpu.memory_space<vmem>>
          %gather3A_519 = tpu.memref_squeeze %gather3A_518 : memref<1x80x128xf32, #tpu.memory_space<vmem>> -> memref<80x128xf32, #tpu.memory_space<vmem>>
          %gather3A_520 = tpu.vector_load_idx %gather3A_519[%mul3A_3, %and3A_512] : memref<80x128xf32, #tpu.memory_space<vmem>>[vector<16xi32>, vector<16xi32>], vector<16xf32>,
          %mul3A_521 = arith.mulf %gather3A_516, %gather3A_520 : vector<16xf32>
          %add3A_522 = arith.addf %add3A_465, %mul3A_521 : vector<16xf32>
          %add3A_523 = arith.constant 1 : i32
          %add3A_524 = vector.broadcast %add3A_523 : i32 to vector<16xi32>
          %add3A_525 = arith.addi %mul3A_3, %add3A_524 : vector<16xi32>
          %gather3A_526 = arith.constant 0 : i32
          %gather3A_527 = tpu.memref_slice %arg10[%scan3A_362, %mul3A_351, %gather3A_526] : memref<4x160x128xf32, #tpu.memory_space<vmem>> -> memref<1x80x128xf32, #tpu.memory_space<vmem>>
          %gather3A_528 = tpu.memref_squeeze %gather3A_527 : memref<1x80x128xf32, #tpu.memory_space<vmem>> -> memref<80x128xf32, #tpu.memory_space<vmem>>
          %gather3A_529 = tpu.vector_load_idx %gather3A_528[%add3A_525, %and3A_512] : memref<80x128xf32, #tpu.memory_space<vmem>>[vector<16xi32>, vector<16xi32>], vector<16xf32>,
          %mul3A_530 = arith.mulf %gather3A_516, %gather3A_529 : vector<16xf32>
          %add3A_531 = arith.addf %add3A_474, %mul3A_530 : vector<16xf32>
          %add3A_532 = arith.constant 2 : i32
          %add3A_533 = vector.broadcast %add3A_532 : i32 to vector<16xi32>
          %add3A_534 = arith.addi %mul3A_3, %add3A_533 : vector<16xi32>
          %gather3A_535 = arith.constant 0 : i32
          %gather3A_536 = tpu.memref_slice %arg10[%scan3A_362, %mul3A_351, %gather3A_535] : memref<4x160x128xf32, #tpu.memory_space<vmem>> -> memref<1x80x128xf32, #tpu.memory_space<vmem>>
          %gather3A_537 = tpu.memref_squeeze %gather3A_536 : memref<1x80x128xf32, #tpu.memory_space<vmem>> -> memref<80x128xf32, #tpu.memory_space<vmem>>
          %gather3A_538 = tpu.vector_load_idx %gather3A_537[%add3A_534, %and3A_512] : memref<80x128xf32, #tpu.memory_space<vmem>>[vector<16xi32>, vector<16xi32>], vector<16xf32>,
          %mul3A_539 = arith.mulf %gather3A_516, %gather3A_538 : vector<16xf32>
          %add3A_540 = arith.addf %add3A_483, %mul3A_539 : vector<16xf32>
          %add3A_541 = arith.constant 3 : i32
          %add3A_542 = vector.broadcast %add3A_541 : i32 to vector<16xi32>
          %add3A_543 = arith.addi %mul3A_3, %add3A_542 : vector<16xi32>
          %gather3A_544 = arith.constant 0 : i32
          %gather3A_545 = tpu.memref_slice %arg10[%scan3A_362, %mul3A_351, %gather3A_544] : memref<4x160x128xf32, #tpu.memory_space<vmem>> -> memref<1x80x128xf32, #tpu.memory_space<vmem>>
          %gather3A_546 = tpu.memref_squeeze %gather3A_545 : memref<1x80x128xf32, #tpu.memory_space<vmem>> -> memref<80x128xf32, #tpu.memory_space<vmem>>
          %gather3A_547 = tpu.vector_load_idx %gather3A_546[%add3A_543, %and3A_512] : memref<80x128xf32, #tpu.memory_space<vmem>>[vector<16xi32>, vector<16xi32>], vector<16xf32>,
          %mul3A_548 = arith.mulf %gather3A_516, %gather3A_547 : vector<16xf32>
          %add3A_549 = arith.addf %add3A_492, %mul3A_548 : vector<16xf32>
          %add3A_550 = arith.constant 4 : i32
          %add3A_551 = vector.broadcast %add3A_550 : i32 to vector<16xi32>
          %add3A_552 = arith.addi %mul3A_3, %add3A_551 : vector<16xi32>
          %gather3A_553 = arith.constant 0 : i32
          %gather3A_554 = tpu.memref_slice %arg10[%scan3A_362, %mul3A_351, %gather3A_553] : memref<4x160x128xf32, #tpu.memory_space<vmem>> -> memref<1x80x128xf32, #tpu.memory_space<vmem>>
          %gather3A_555 = tpu.memref_squeeze %gather3A_554 : memref<1x80x128xf32, #tpu.memory_space<vmem>> -> memref<80x128xf32, #tpu.memory_space<vmem>>
          %gather3A_556 = tpu.vector_load_idx %gather3A_555[%add3A_552, %and3A_512] : memref<80x128xf32, #tpu.memory_space<vmem>>[vector<16xi32>, vector<16xi32>], vector<16xf32>,
          %mul3A_557 = arith.mulf %gather3A_516, %gather3A_556 : vector<16xf32>
          %add3A_558 = arith.addf %add3A_501, %mul3A_557 : vector<16xf32>
          %scan3A_559 = arith.constant 3 : i32
          %scan3A_560 = arith.addi %scan3A_386, %scan3A_559 : i32
          %mul3A_561 = arith.constant 1 : i32
          %mul3A_562 = arith.muli %scan3A_560, %mul3A_561 : i32
          %add3A_563 = arith.constant 0 : i32
          %add3A_564 = arith.addi %add3A_563, %mul3A_562 : i32
          %add3A_565 = vector.broadcast %add3A_564 : i32 to vector<16xi32>
          %add3A_566 = arith.addi %iota3A, %add3A_565 : vector<16xi32>
          %and3A_567 = arith.constant 127 : i32
          %and3A_568 = vector.broadcast %and3A_567 : i32 to vector<16xi32>
          %and3A_569 = arith.andi %add3A_566, %and3A_568 : vector<16xi32>
          %gather3A_570 = arith.constant 0 : i32
          %gather3A_571 = tpu.memref_slice %arg9[%scan3A_361, %mul3A_349, %gather3A_570] : memref<4x32x128xf32, #tpu.memory_space<vmem>> -> memref<1x16x128xf32, #tpu.memory_space<vmem>>
          %gather3A_572 = tpu.memref_squeeze %gather3A_571 : memref<1x16x128xf32, #tpu.memory_space<vmem>> -> memref<16x128xf32, #tpu.memory_space<vmem>>
          %gather3A_573 = tpu.vector_load_idx %gather3A_572[%iota3A, %and3A_569] : memref<16x128xf32, #tpu.memory_space<vmem>>[vector<16xi32>, vector<16xi32>], vector<16xf32>,
          %gather3A_574 = arith.constant 0 : i32
          %gather3A_575 = tpu.memref_slice %arg10[%scan3A_362, %mul3A_351, %gather3A_574] : memref<4x160x128xf32, #tpu.memory_space<vmem>> -> memref<1x80x128xf32, #tpu.memory_space<vmem>>
          %gather3A_576 = tpu.memref_squeeze %gather3A_575 : memref<1x80x128xf32, #tpu.memory_space<vmem>> -> memref<80x128xf32, #tpu.memory_space<vmem>>
          %gather3A_577 = tpu.vector_load_idx %gather3A_576[%mul3A_3, %and3A_569] : memref<80x128xf32, #tpu.memory_space<vmem>>[vector<16xi32>, vector<16xi32>], vector<16xf32>,
          %mul3A_578 = arith.mulf %gather3A_573, %gather3A_577 : vector<16xf32>
          %add3A_579 = arith.addf %add3A_522, %mul3A_578 : vector<16xf32>
          %add3A_580 = arith.constant 1 : i32
          %add3A_581 = vector.broadcast %add3A_580 : i32 to vector<16xi32>
          %add3A_582 = arith.addi %mul3A_3, %add3A_581 : vector<16xi32>
          %gather3A_583 = arith.constant 0 : i32
          %gather3A_584 = tpu.memref_slice %arg10[%scan3A_362, %mul3A_351, %gather3A_583] : memref<4x160x128xf32, #tpu.memory_space<vmem>> -> memref<1x80x128xf32, #tpu.memory_space<vmem>>
          %gather3A_585 = tpu.memref_squeeze %gather3A_584 : memref<1x80x128xf32, #tpu.memory_space<vmem>> -> memref<80x128xf32, #tpu.memory_space<vmem>>
          %gather3A_586 = tpu.vector_load_idx %gather3A_585[%add3A_582, %and3A_569] : memref<80x128xf32, #tpu.memory_space<vmem>>[vector<16xi32>, vector<16xi32>], vector<16xf32>,
          %mul3A_587 = arith.mulf %gather3A_573, %gather3A_586 : vector<16xf32>
          %add3A_588 = arith.addf %add3A_531, %mul3A_587 : vector<16xf32>
          %add3A_589 = arith.constant 2 : i32
          %add3A_590 = vector.broadcast %add3A_589 : i32 to vector<16xi32>
          %add3A_591 = arith.addi %mul3A_3, %add3A_590 : vector<16xi32>
          %gather3A_592 = arith.constant 0 : i32
          %gather3A_593 = tpu.memref_slice %arg10[%scan3A_362, %mul3A_351, %gather3A_592] : memref<4x160x128xf32, #tpu.memory_space<vmem>> -> memref<1x80x128xf32, #tpu.memory_space<vmem>>
          %gather3A_594 = tpu.memref_squeeze %gather3A_593 : memref<1x80x128xf32, #tpu.memory_space<vmem>> -> memref<80x128xf32, #tpu.memory_space<vmem>>
          %gather3A_595 = tpu.vector_load_idx %gather3A_594[%add3A_591, %and3A_569] : memref<80x128xf32, #tpu.memory_space<vmem>>[vector<16xi32>, vector<16xi32>], vector<16xf32>,
          %mul3A_596 = arith.mulf %gather3A_573, %gather3A_595 : vector<16xf32>
          %add3A_597 = arith.addf %add3A_540, %mul3A_596 : vector<16xf32>
          %add3A_598 = arith.constant 3 : i32
          %add3A_599 = vector.broadcast %add3A_598 : i32 to vector<16xi32>
          %add3A_600 = arith.addi %mul3A_3, %add3A_599 : vector<16xi32>
          %gather3A_601 = arith.constant 0 : i32
          %gather3A_602 = tpu.memref_slice %arg10[%scan3A_362, %mul3A_351, %gather3A_601] : memref<4x160x128xf32, #tpu.memory_space<vmem>> -> memref<1x80x128xf32, #tpu.memory_space<vmem>>
          %gather3A_603 = tpu.memref_squeeze %gather3A_602 : memref<1x80x128xf32, #tpu.memory_space<vmem>> -> memref<80x128xf32, #tpu.memory_space<vmem>>
          %gather3A_604 = tpu.vector_load_idx %gather3A_603[%add3A_600, %and3A_569] : memref<80x128xf32, #tpu.memory_space<vmem>>[vector<16xi32>, vector<16xi32>], vector<16xf32>,
          %mul3A_605 = arith.mulf %gather3A_573, %gather3A_604 : vector<16xf32>
          %add3A_606 = arith.addf %add3A_549, %mul3A_605 : vector<16xf32>
          %add3A_607 = arith.constant 4 : i32
          %add3A_608 = vector.broadcast %add3A_607 : i32 to vector<16xi32>
          %add3A_609 = arith.addi %mul3A_3, %add3A_608 : vector<16xi32>
          %gather3A_610 = arith.constant 0 : i32
          %gather3A_611 = tpu.memref_slice %arg10[%scan3A_362, %mul3A_351, %gather3A_610] : memref<4x160x128xf32, #tpu.memory_space<vmem>> -> memref<1x80x128xf32, #tpu.memory_space<vmem>>
          %gather3A_612 = tpu.memref_squeeze %gather3A_611 : memref<1x80x128xf32, #tpu.memory_space<vmem>> -> memref<80x128xf32, #tpu.memory_space<vmem>>
          %gather3A_613 = tpu.vector_load_idx %gather3A_612[%add3A_609, %and3A_569] : memref<80x128xf32, #tpu.memory_space<vmem>>[vector<16xi32>, vector<16xi32>], vector<16xf32>,
          %mul3A_614 = arith.mulf %gather3A_573, %gather3A_613 : vector<16xf32>
          %add3A_615 = arith.addf %add3A_558, %mul3A_614 : vector<16xf32>
          scf.yield %add3A_579, %add3A_588, %add3A_597, %add3A_606, %add3A_615 : vector<16xf32>, vector<16xf32>, vector<16xf32>, vector<16xf32>, vector<16xf32>
        }
        %scan3A_368 = arith.constant 128 : i32
        %mul3A_369 = arith.constant 32 : i32
        %mul3A_370 = arith.muli %add3A_197, %mul3A_369 : i32
        %mul3A_371 = arith.constant 16 : i32
        %mul3A_372 = arith.muli %add3A_347, %mul3A_371 : i32
        %add3A_373 = arith.addi %mul3A_370, %mul3A_372 : i32
        %add3A_374 = vector.broadcast %add3A_373 : i32 to vector<16xi32>
        %add3A_375 = arith.addi %add3A_374, %iota3A : vector<16xi32>
        %broadcast_in_dim3A_376 = arith.constant 0 : i32
        %broadcast_in_dim3A_377 = vector.broadcast %broadcast_in_dim3A_376 : i32 to vector<16xi32>
        tpu.vector_store_idx %arg11[%broadcast_in_dim3A_377, %add3A_375], %scan3A_367#0 : memref<8x512xf32, #tpu.memory_space<vmem>>[vector<16xi32>, vector<16xi32>], vector<16xf32>,
        %broadcast_in_dim3A_378 = arith.constant 1 : i32
        %broadcast_in_dim3A_379 = vector.broadcast %broadcast_in_dim3A_378 : i32 to vector<16xi32>
        tpu.vector_store_idx %arg11[%broadcast_in_dim3A_379, %add3A_375], %scan3A_367#1 : memref<8x512xf32, #tpu.memory_space<vmem>>[vector<16xi32>, vector<16xi32>], vector<16xf32>,
        %broadcast_in_dim3A_380 = arith.constant 2 : i32
        %broadcast_in_dim3A_381 = vector.broadcast %broadcast_in_dim3A_380 : i32 to vector<16xi32>
        tpu.vector_store_idx %arg11[%broadcast_in_dim3A_381, %add3A_375], %scan3A_367#2 : memref<8x512xf32, #tpu.memory_space<vmem>>[vector<16xi32>, vector<16xi32>], vector<16xf32>,
        %broadcast_in_dim3A_382 = arith.constant 3 : i32
        %broadcast_in_dim3A_383 = vector.broadcast %broadcast_in_dim3A_382 : i32 to vector<16xi32>
        tpu.vector_store_idx %arg11[%broadcast_in_dim3A_383, %add3A_375], %scan3A_367#3 : memref<8x512xf32, #tpu.memory_space<vmem>>[vector<16xi32>, vector<16xi32>], vector<16xf32>,
        %broadcast_in_dim3A_384 = arith.constant 4 : i32
        %broadcast_in_dim3A_385 = vector.broadcast %broadcast_in_dim3A_384 : i32 to vector<16xi32>
        tpu.vector_store_idx %arg11[%broadcast_in_dim3A_385, %add3A_375], %scan3A_367#4 : memref<8x512xf32, #tpu.memory_space<vmem>>[vector<16xi32>, vector<16xi32>], vector<16xf32>,
      }
      %scan3A_237 = arith.constant 2 : i32
      %add3A_238 = arith.constant 4 : i32
      %add3A_239 = arith.addi %add3A_197, %add3A_238 : i32
      %lt3A_240 = arith.constant 16 : i32
      %lt3A_241 = arith.cmpi slt, %add3A_239, %lt3A_240 : i32
      %convert_element_type3A_242 = arith.extui %lt3A_241 : i1 to i32
      %cond3A_243 = arith.constant 0 : i32
      %cond3A_244 = arith.cmpi ne, %convert_element_type3A_242, %cond3A_243 : i32
      scf.if %cond3A_244 {
        %add3A_343 = arith.constant 4 : i32
        %add3A_344 = arith.addi %add3A_197, %add3A_343 : i32
        %mul3A_345 = arith.constant 32 : i32
        %mul3A_346 = arith.muli %add3A_344, %mul3A_345 : i32
        %multiple_of3A_347 = tpu.assume_multiple %mul3A_346, 8 : i32
        %mul3A_348 = arith.constant 160 : i32
        %mul3A_349 = arith.muli %add3A_344, %mul3A_348 : i32
        %multiple_of3A_350 = tpu.assume_multiple %mul3A_349, 8 : i32
        %add3A_351 = arith.constant 80 : i32
        %add3A_352 = arith.addi %multiple_of3A_350, %add3A_351 : i32
        %dma_start3A_353 = arith.constant 1 : i32
        %dma_start3A_354 = arith.constant 0 : i32
        %dma_start3A_355 = arith.constant 0 : i32
        %dma_start3A_356 = tpu.memref_slice %arg9[%dma_start3A_353, %dma_start3A_354, %dma_start3A_355] : memref<4x32x128xf32, #tpu.memory_space<vmem>> -> memref<1x32x128xf32, #tpu.memory_space<vmem>>
        %dma_start3A_357 = tpu.memref_squeeze %dma_start3A_356 : memref<1x32x128xf32, #tpu.memory_space<vmem>> -> memref<32x128xf32, #tpu.memory_space<vmem>>
        %dma_start3A_358 = tpu.memref_slice %arg7[%multiple_of3A_347] : memref<512xi32, #tpu.memory_space<vmem>> -> memref<32xi32, #tpu.memory_space<vmem>>
        %dma_start3A_359 = arith.constant 0 : i32
        %dma_start3A_360 = arith.constant 0 : i32
        %dma_start3A_361 = tpu.memref_slice %arg4[%dma_start3A_359, %dma_start3A_360] : memref<100002x128xf32, #tpu.memory_space<hbm>> -> memref<100002x128xf32, #tpu.memory_space<hbm>>
        tpu.enqueue_indirect_dma source(%dma_start3A_361 : memref<100002x128xf32, #tpu.memory_space<hbm>>) target(%dma_start3A_357 : memref<32x128xf32, #tpu.memory_space<vmem>>) offsets(%dma_start3A_358 : memref<32xi32, #tpu.memory_space<vmem>>) semaphore(%arg13 : memref<!tpu.dma_semaphore, #tpu.memory_space<semaphore_mem>>)
        %dma_start3A_362 = arith.constant 1 : i32
        %dma_start3A_363 = arith.constant 0 : i32
        %dma_start3A_364 = arith.constant 0 : i32
        %dma_start3A_365 = tpu.memref_slice %arg10[%dma_start3A_362, %dma_start3A_363, %dma_start3A_364] : memref<4x160x128xf32, #tpu.memory_space<vmem>> -> memref<1x80x128xf32, #tpu.memory_space<vmem>>
        %dma_start3A_366 = tpu.memref_squeeze %dma_start3A_365 : memref<1x80x128xf32, #tpu.memory_space<vmem>> -> memref<80x128xf32, #tpu.memory_space<vmem>>
        %dma_start3A_367 = tpu.memref_slice %arg8[%multiple_of3A_350] : memref<2560xi32, #tpu.memory_space<vmem>> -> memref<80xi32, #tpu.memory_space<vmem>>
        %dma_start3A_368 = arith.constant 0 : i32
        %dma_start3A_369 = arith.constant 0 : i32
        %dma_start3A_370 = tpu.memref_slice %arg5[%dma_start3A_368, %dma_start3A_369] : memref<100002x128xf32, #tpu.memory_space<hbm>> -> memref<100002x128xf32, #tpu.memory_space<hbm>>
        tpu.enqueue_indirect_dma source(%dma_start3A_370 : memref<100002x128xf32, #tpu.memory_space<hbm>>) target(%dma_start3A_366 : memref<80x128xf32, #tpu.memory_space<vmem>>) offsets(%dma_start3A_367 : memref<80xi32, #tpu.memory_space<vmem>>) semaphore(%arg17 : memref<!tpu.dma_semaphore, #tpu.memory_space<semaphore_mem>>)
        %dma_start3A_371 = arith.constant 1 : i32
        %dma_start3A_372 = arith.constant 80 : i32
        %dma_start3A_373 = arith.constant 0 : i32
        %dma_start3A_374 = tpu.memref_slice %arg10[%dma_start3A_371, %dma_start3A_372, %dma_start3A_373] : memref<4x160x128xf32, #tpu.memory_space<vmem>> -> memref<1x80x128xf32, #tpu.memory_space<vmem>>
        %dma_start3A_375 = tpu.memref_squeeze %dma_start3A_374 : memref<1x80x128xf32, #tpu.memory_space<vmem>> -> memref<80x128xf32, #tpu.memory_space<vmem>>
        %dma_start3A_376 = tpu.memref_slice %arg8[%add3A_352] : memref<2560xi32, #tpu.memory_space<vmem>> -> memref<80xi32, #tpu.memory_space<vmem>>
        %dma_start3A_377 = arith.constant 0 : i32
        %dma_start3A_378 = arith.constant 0 : i32
        %dma_start3A_379 = tpu.memref_slice %arg5[%dma_start3A_377, %dma_start3A_378] : memref<100002x128xf32, #tpu.memory_space<hbm>> -> memref<100002x128xf32, #tpu.memory_space<hbm>>
        tpu.enqueue_indirect_dma source(%dma_start3A_379 : memref<100002x128xf32, #tpu.memory_space<hbm>>) target(%dma_start3A_375 : memref<80x128xf32, #tpu.memory_space<vmem>>) offsets(%dma_start3A_376 : memref<80xi32, #tpu.memory_space<vmem>>) semaphore(%arg17 : memref<!tpu.dma_semaphore, #tpu.memory_space<semaphore_mem>>)
      } else {
      }
      %add3A_245 = arith.constant 2 : i32
      %add3A_246 = arith.addi %add3A_150, %add3A_245 : i32
      %mul3A_247 = arith.constant 32 : i32
      %mul3A_248 = arith.muli %add3A_246, %mul3A_247 : i32
      %multiple_of3A_249 = tpu.assume_multiple %mul3A_248, 8 : i32
      %mul3A_250 = arith.constant 160 : i32
      %mul3A_251 = arith.muli %add3A_246, %mul3A_250 : i32
      %multiple_of3A_252 = tpu.assume_multiple %mul3A_251, 8 : i32
      %add3A_253 = arith.constant 80 : i32
      %add3A_254 = arith.addi %multiple_of3A_252, %add3A_253 : i32
      %dma_wait3A_255 = arith.constant 2 : i32
      %dma_wait3A_256 = arith.constant 0 : i32
      %dma_wait3A_257 = arith.constant 0 : i32
      %dma_wait3A_258 = tpu.memref_slice %arg9[%dma_wait3A_255, %dma_wait3A_256, %dma_wait3A_257] : memref<4x32x128xf32, #tpu.memory_space<vmem>> -> memref<1x32x128xf32, #tpu.memory_space<vmem>>
      %dma_wait3A_259 = tpu.memref_squeeze %dma_wait3A_258 : memref<1x32x128xf32, #tpu.memory_space<vmem>> -> memref<32x128xf32, #tpu.memory_space<vmem>>
      %dma_wait3A_260 = tpu.memref_slice %arg7[%multiple_of3A_249] : memref<512xi32, #tpu.memory_space<vmem>> -> memref<32xi32, #tpu.memory_space<vmem>>
      %dma_wait3A_261 = arith.constant 0 : i32
      %dma_wait3A_262 = arith.constant 0 : i32
      %dma_wait3A_263 = tpu.memref_slice %arg4[%dma_wait3A_261, %dma_wait3A_262] : memref<100002x128xf32, #tpu.memory_space<hbm>> -> memref<100002x128xf32, #tpu.memory_space<hbm>>
      tpu.wait_indirect_dma semaphore(%arg14 : memref<!tpu.dma_semaphore, #tpu.memory_space<semaphore_mem>>) src(%dma_wait3A_263 : memref<100002x128xf32, #tpu.memory_space<hbm>>) dst(%dma_wait3A_259 : memref<32x128xf32, #tpu.memory_space<vmem>>)
      %dma_wait3A_264 = arith.constant 2 : i32
      %dma_wait3A_265 = arith.constant 0 : i32
      %dma_wait3A_266 = arith.constant 0 : i32
      %dma_wait3A_267 = tpu.memref_slice %arg10[%dma_wait3A_264, %dma_wait3A_265, %dma_wait3A_266] : memref<4x160x128xf32, #tpu.memory_space<vmem>> -> memref<1x80x128xf32, #tpu.memory_space<vmem>>
      %dma_wait3A_268 = tpu.memref_squeeze %dma_wait3A_267 : memref<1x80x128xf32, #tpu.memory_space<vmem>> -> memref<80x128xf32, #tpu.memory_space<vmem>>
      %dma_wait3A_269 = tpu.memref_slice %arg8[%multiple_of3A_252] : memref<2560xi32, #tpu.memory_space<vmem>> -> memref<80xi32, #tpu.memory_space<vmem>>
      %dma_wait3A_270 = arith.constant 0 : i32
      %dma_wait3A_271 = arith.constant 0 : i32
      %dma_wait3A_272 = tpu.memref_slice %arg5[%dma_wait3A_270, %dma_wait3A_271] : memref<100002x128xf32, #tpu.memory_space<hbm>> -> memref<100002x128xf32, #tpu.memory_space<hbm>>
      tpu.wait_indirect_dma semaphore(%arg18 : memref<!tpu.dma_semaphore, #tpu.memory_space<semaphore_mem>>) src(%dma_wait3A_272 : memref<100002x128xf32, #tpu.memory_space<hbm>>) dst(%dma_wait3A_268 : memref<80x128xf32, #tpu.memory_space<vmem>>)
      %dma_wait3A_273 = arith.constant 2 : i32
      %dma_wait3A_274 = arith.constant 80 : i32
      %dma_wait3A_275 = arith.constant 0 : i32
      %dma_wait3A_276 = tpu.memref_slice %arg10[%dma_wait3A_273, %dma_wait3A_274, %dma_wait3A_275] : memref<4x160x128xf32, #tpu.memory_space<vmem>> -> memref<1x80x128xf32, #tpu.memory_space<vmem>>
      %dma_wait3A_277 = tpu.memref_squeeze %dma_wait3A_276 : memref<1x80x128xf32, #tpu.memory_space<vmem>> -> memref<80x128xf32, #tpu.memory_space<vmem>>
      %dma_wait3A_278 = tpu.memref_slice %arg8[%add3A_254] : memref<2560xi32, #tpu.memory_space<vmem>> -> memref<80xi32, #tpu.memory_space<vmem>>
      %dma_wait3A_279 = arith.constant 0 : i32
      %dma_wait3A_280 = arith.constant 0 : i32
      %dma_wait3A_281 = tpu.memref_slice %arg5[%dma_wait3A_279, %dma_wait3A_280] : memref<100002x128xf32, #tpu.memory_space<hbm>> -> memref<100002x128xf32, #tpu.memory_space<hbm>>
      tpu.wait_indirect_dma semaphore(%arg18 : memref<!tpu.dma_semaphore, #tpu.memory_space<semaphore_mem>>) src(%dma_wait3A_281 : memref<100002x128xf32, #tpu.memory_space<hbm>>) dst(%dma_wait3A_277 : memref<80x128xf32, #tpu.memory_space<vmem>>)
      %scan3A_282 = arith.constant 0 : i32
      %scan3A_283 = arith.constant 2 : i32
      %scan3A_284 = arith.addi %scan3A_282, %scan3A_283 : i32
      %scan3A_285 = arith.constant 1 : i32
      scf.for %scan3A_343 = %scan3A_282 to %scan3A_284 step %scan3A_285  : i32 {
        %mul3A_344 = arith.constant 1 : i32
        %mul3A_345 = arith.muli %scan3A_343, %mul3A_344 : i32
        %add3A_346 = arith.constant 0 : i32
        %add3A_347 = arith.addi %add3A_346, %mul3A_345 : i32
        %mul3A_348 = arith.constant 16 : i32
        %mul3A_349 = arith.muli %add3A_347, %mul3A_348 : i32
        %mul3A_350 = arith.constant 80 : i32
        %mul3A_351 = arith.muli %add3A_347, %mul3A_350 : i32
        %broadcast_in_dim3A = arith.constant 0.000000e+00 : f32
        %broadcast_in_dim3A_352 = vector.broadcast %broadcast_in_dim3A : f32 to vector<16xf32>
        %broadcast_in_dim3A_353 = arith.constant 0.000000e+00 : f32
        %broadcast_in_dim3A_354 = vector.broadcast %broadcast_in_dim3A_353 : f32 to vector<16xf32>
        %broadcast_in_dim3A_355 = arith.constant 0.000000e+00 : f32
        %broadcast_in_dim3A_356 = vector.broadcast %broadcast_in_dim3A_355 : f32 to vector<16xf32>
        %broadcast_in_dim3A_357 = arith.constant 0.000000e+00 : f32
        %broadcast_in_dim3A_358 = vector.broadcast %broadcast_in_dim3A_357 : f32 to vector<16xf32>
        %broadcast_in_dim3A_359 = arith.constant 0.000000e+00 : f32
        %broadcast_in_dim3A_360 = vector.broadcast %broadcast_in_dim3A_359 : f32 to vector<16xf32>
        %scan3A_361 = arith.constant 2 : i32
        %scan3A_362 = arith.constant 2 : i32
        %scan3A_363 = arith.constant 0 : i32
        %scan3A_364 = arith.constant 128 : i32
        %scan3A_365 = arith.addi %scan3A_363, %scan3A_364 : i32
        %scan3A_366 = arith.constant 4 : i32
        %scan3A_367:5 = scf.for %scan3A_386 = %scan3A_363 to %scan3A_365 step %scan3A_366 iter_args(%scan3A_387 = %broadcast_in_dim3A_352, %scan3A_388 = %broadcast_in_dim3A_354, %scan3A_389 = %broadcast_in_dim3A_356, %scan3A_390 = %broadcast_in_dim3A_358, %scan3A_391 = %broadcast_in_dim3A_360) -> (vector<16xf32>, vector<16xf32>, vector<16xf32>, vector<16xf32>, vector<16xf32>)  : i32 {
          %mul3A_392 = arith.constant 1 : i32
          %mul3A_393 = arith.muli %scan3A_386, %mul3A_392 : i32
          %add3A_394 = arith.constant 0 : i32
          %add3A_395 = arith.addi %add3A_394, %mul3A_393 : i32
          %add3A_396 = vector.broadcast %add3A_395 : i32 to vector<16xi32>
          %add3A_397 = arith.addi %iota3A, %add3A_396 : vector<16xi32>
          %and3A = arith.constant 127 : i32
          %and3A_398 = vector.broadcast %and3A : i32 to vector<16xi32>
          %and3A_399 = arith.andi %add3A_397, %and3A_398 : vector<16xi32>
          %gather3A = arith.constant 0 : i32
          %gather3A_400 = tpu.memref_slice %arg9[%scan3A_361, %mul3A_349, %gather3A] : memref<4x32x128xf32, #tpu.memory_space<vmem>> -> memref<1x16x128xf32, #tpu.memory_space<vmem>>
          %gather3A_401 = tpu.memref_squeeze %gather3A_400 : memref<1x16x128xf32, #tpu.memory_space<vmem>> -> memref<16x128xf32, #tpu.memory_space<vmem>>
          %gather3A_402 = tpu.vector_load_idx %gather3A_401[%iota3A, %and3A_399] : memref<16x128xf32, #tpu.memory_space<vmem>>[vector<16xi32>, vector<16xi32>], vector<16xf32>,
          %gather3A_403 = arith.constant 0 : i32
          %gather3A_404 = tpu.memref_slice %arg10[%scan3A_362, %mul3A_351, %gather3A_403] : memref<4x160x128xf32, #tpu.memory_space<vmem>> -> memref<1x80x128xf32, #tpu.memory_space<vmem>>
          %gather3A_405 = tpu.memref_squeeze %gather3A_404 : memref<1x80x128xf32, #tpu.memory_space<vmem>> -> memref<80x128xf32, #tpu.memory_space<vmem>>
          %gather3A_406 = tpu.vector_load_idx %gather3A_405[%mul3A_3, %and3A_399] : memref<80x128xf32, #tpu.memory_space<vmem>>[vector<16xi32>, vector<16xi32>], vector<16xf32>,
          %mul3A_407 = arith.mulf %gather3A_402, %gather3A_406 : vector<16xf32>
          %add3A_408 = arith.addf %scan3A_387, %mul3A_407 : vector<16xf32>
          %add3A_409 = arith.constant 1 : i32
          %add3A_410 = vector.broadcast %add3A_409 : i32 to vector<16xi32>
          %add3A_411 = arith.addi %mul3A_3, %add3A_410 : vector<16xi32>
          %gather3A_412 = arith.constant 0 : i32
          %gather3A_413 = tpu.memref_slice %arg10[%scan3A_362, %mul3A_351, %gather3A_412] : memref<4x160x128xf32, #tpu.memory_space<vmem>> -> memref<1x80x128xf32, #tpu.memory_space<vmem>>
          %gather3A_414 = tpu.memref_squeeze %gather3A_413 : memref<1x80x128xf32, #tpu.memory_space<vmem>> -> memref<80x128xf32, #tpu.memory_space<vmem>>
          %gather3A_415 = tpu.vector_load_idx %gather3A_414[%add3A_411, %and3A_399] : memref<80x128xf32, #tpu.memory_space<vmem>>[vector<16xi32>, vector<16xi32>], vector<16xf32>,
          %mul3A_416 = arith.mulf %gather3A_402, %gather3A_415 : vector<16xf32>
          %add3A_417 = arith.addf %scan3A_388, %mul3A_416 : vector<16xf32>
          %add3A_418 = arith.constant 2 : i32
          %add3A_419 = vector.broadcast %add3A_418 : i32 to vector<16xi32>
          %add3A_420 = arith.addi %mul3A_3, %add3A_419 : vector<16xi32>
          %gather3A_421 = arith.constant 0 : i32
          %gather3A_422 = tpu.memref_slice %arg10[%scan3A_362, %mul3A_351, %gather3A_421] : memref<4x160x128xf32, #tpu.memory_space<vmem>> -> memref<1x80x128xf32, #tpu.memory_space<vmem>>
          %gather3A_423 = tpu.memref_squeeze %gather3A_422 : memref<1x80x128xf32, #tpu.memory_space<vmem>> -> memref<80x128xf32, #tpu.memory_space<vmem>>
          %gather3A_424 = tpu.vector_load_idx %gather3A_423[%add3A_420, %and3A_399] : memref<80x128xf32, #tpu.memory_space<vmem>>[vector<16xi32>, vector<16xi32>], vector<16xf32>,
          %mul3A_425 = arith.mulf %gather3A_402, %gather3A_424 : vector<16xf32>
          %add3A_426 = arith.addf %scan3A_389, %mul3A_425 : vector<16xf32>
          %add3A_427 = arith.constant 3 : i32
          %add3A_428 = vector.broadcast %add3A_427 : i32 to vector<16xi32>
          %add3A_429 = arith.addi %mul3A_3, %add3A_428 : vector<16xi32>
          %gather3A_430 = arith.constant 0 : i32
          %gather3A_431 = tpu.memref_slice %arg10[%scan3A_362, %mul3A_351, %gather3A_430] : memref<4x160x128xf32, #tpu.memory_space<vmem>> -> memref<1x80x128xf32, #tpu.memory_space<vmem>>
          %gather3A_432 = tpu.memref_squeeze %gather3A_431 : memref<1x80x128xf32, #tpu.memory_space<vmem>> -> memref<80x128xf32, #tpu.memory_space<vmem>>
          %gather3A_433 = tpu.vector_load_idx %gather3A_432[%add3A_429, %and3A_399] : memref<80x128xf32, #tpu.memory_space<vmem>>[vector<16xi32>, vector<16xi32>], vector<16xf32>,
          %mul3A_434 = arith.mulf %gather3A_402, %gather3A_433 : vector<16xf32>
          %add3A_435 = arith.addf %scan3A_390, %mul3A_434 : vector<16xf32>
          %add3A_436 = arith.constant 4 : i32
          %add3A_437 = vector.broadcast %add3A_436 : i32 to vector<16xi32>
          %add3A_438 = arith.addi %mul3A_3, %add3A_437 : vector<16xi32>
          %gather3A_439 = arith.constant 0 : i32
          %gather3A_440 = tpu.memref_slice %arg10[%scan3A_362, %mul3A_351, %gather3A_439] : memref<4x160x128xf32, #tpu.memory_space<vmem>> -> memref<1x80x128xf32, #tpu.memory_space<vmem>>
          %gather3A_441 = tpu.memref_squeeze %gather3A_440 : memref<1x80x128xf32, #tpu.memory_space<vmem>> -> memref<80x128xf32, #tpu.memory_space<vmem>>
          %gather3A_442 = tpu.vector_load_idx %gather3A_441[%add3A_438, %and3A_399] : memref<80x128xf32, #tpu.memory_space<vmem>>[vector<16xi32>, vector<16xi32>], vector<16xf32>,
          %mul3A_443 = arith.mulf %gather3A_402, %gather3A_442 : vector<16xf32>
          %add3A_444 = arith.addf %scan3A_391, %mul3A_443 : vector<16xf32>
          %scan3A_445 = arith.constant 1 : i32
          %scan3A_446 = arith.addi %scan3A_386, %scan3A_445 : i32
          %mul3A_447 = arith.constant 1 : i32
          %mul3A_448 = arith.muli %scan3A_446, %mul3A_447 : i32
          %add3A_449 = arith.constant 0 : i32
          %add3A_450 = arith.addi %add3A_449, %mul3A_448 : i32
          %add3A_451 = vector.broadcast %add3A_450 : i32 to vector<16xi32>
          %add3A_452 = arith.addi %iota3A, %add3A_451 : vector<16xi32>
          %and3A_453 = arith.constant 127 : i32
          %and3A_454 = vector.broadcast %and3A_453 : i32 to vector<16xi32>
          %and3A_455 = arith.andi %add3A_452, %and3A_454 : vector<16xi32>
          %gather3A_456 = arith.constant 0 : i32
          %gather3A_457 = tpu.memref_slice %arg9[%scan3A_361, %mul3A_349, %gather3A_456] : memref<4x32x128xf32, #tpu.memory_space<vmem>> -> memref<1x16x128xf32, #tpu.memory_space<vmem>>
          %gather3A_458 = tpu.memref_squeeze %gather3A_457 : memref<1x16x128xf32, #tpu.memory_space<vmem>> -> memref<16x128xf32, #tpu.memory_space<vmem>>
          %gather3A_459 = tpu.vector_load_idx %gather3A_458[%iota3A, %and3A_455] : memref<16x128xf32, #tpu.memory_space<vmem>>[vector<16xi32>, vector<16xi32>], vector<16xf32>,
          %gather3A_460 = arith.constant 0 : i32
          %gather3A_461 = tpu.memref_slice %arg10[%scan3A_362, %mul3A_351, %gather3A_460] : memref<4x160x128xf32, #tpu.memory_space<vmem>> -> memref<1x80x128xf32, #tpu.memory_space<vmem>>
          %gather3A_462 = tpu.memref_squeeze %gather3A_461 : memref<1x80x128xf32, #tpu.memory_space<vmem>> -> memref<80x128xf32, #tpu.memory_space<vmem>>
          %gather3A_463 = tpu.vector_load_idx %gather3A_462[%mul3A_3, %and3A_455] : memref<80x128xf32, #tpu.memory_space<vmem>>[vector<16xi32>, vector<16xi32>], vector<16xf32>,
          %mul3A_464 = arith.mulf %gather3A_459, %gather3A_463 : vector<16xf32>
          %add3A_465 = arith.addf %add3A_408, %mul3A_464 : vector<16xf32>
          %add3A_466 = arith.constant 1 : i32
          %add3A_467 = vector.broadcast %add3A_466 : i32 to vector<16xi32>
          %add3A_468 = arith.addi %mul3A_3, %add3A_467 : vector<16xi32>
          %gather3A_469 = arith.constant 0 : i32
          %gather3A_470 = tpu.memref_slice %arg10[%scan3A_362, %mul3A_351, %gather3A_469] : memref<4x160x128xf32, #tpu.memory_space<vmem>> -> memref<1x80x128xf32, #tpu.memory_space<vmem>>
          %gather3A_471 = tpu.memref_squeeze %gather3A_470 : memref<1x80x128xf32, #tpu.memory_space<vmem>> -> memref<80x128xf32, #tpu.memory_space<vmem>>
          %gather3A_472 = tpu.vector_load_idx %gather3A_471[%add3A_468, %and3A_455] : memref<80x128xf32, #tpu.memory_space<vmem>>[vector<16xi32>, vector<16xi32>], vector<16xf32>,
          %mul3A_473 = arith.mulf %gather3A_459, %gather3A_472 : vector<16xf32>
          %add3A_474 = arith.addf %add3A_417, %mul3A_473 : vector<16xf32>
          %add3A_475 = arith.constant 2 : i32
          %add3A_476 = vector.broadcast %add3A_475 : i32 to vector<16xi32>
          %add3A_477 = arith.addi %mul3A_3, %add3A_476 : vector<16xi32>
          %gather3A_478 = arith.constant 0 : i32
          %gather3A_479 = tpu.memref_slice %arg10[%scan3A_362, %mul3A_351, %gather3A_478] : memref<4x160x128xf32, #tpu.memory_space<vmem>> -> memref<1x80x128xf32, #tpu.memory_space<vmem>>
          %gather3A_480 = tpu.memref_squeeze %gather3A_479 : memref<1x80x128xf32, #tpu.memory_space<vmem>> -> memref<80x128xf32, #tpu.memory_space<vmem>>
          %gather3A_481 = tpu.vector_load_idx %gather3A_480[%add3A_477, %and3A_455] : memref<80x128xf32, #tpu.memory_space<vmem>>[vector<16xi32>, vector<16xi32>], vector<16xf32>,
          %mul3A_482 = arith.mulf %gather3A_459, %gather3A_481 : vector<16xf32>
          %add3A_483 = arith.addf %add3A_426, %mul3A_482 : vector<16xf32>
          %add3A_484 = arith.constant 3 : i32
          %add3A_485 = vector.broadcast %add3A_484 : i32 to vector<16xi32>
          %add3A_486 = arith.addi %mul3A_3, %add3A_485 : vector<16xi32>
          %gather3A_487 = arith.constant 0 : i32
          %gather3A_488 = tpu.memref_slice %arg10[%scan3A_362, %mul3A_351, %gather3A_487] : memref<4x160x128xf32, #tpu.memory_space<vmem>> -> memref<1x80x128xf32, #tpu.memory_space<vmem>>
          %gather3A_489 = tpu.memref_squeeze %gather3A_488 : memref<1x80x128xf32, #tpu.memory_space<vmem>> -> memref<80x128xf32, #tpu.memory_space<vmem>>
          %gather3A_490 = tpu.vector_load_idx %gather3A_489[%add3A_486, %and3A_455] : memref<80x128xf32, #tpu.memory_space<vmem>>[vector<16xi32>, vector<16xi32>], vector<16xf32>,
          %mul3A_491 = arith.mulf %gather3A_459, %gather3A_490 : vector<16xf32>
          %add3A_492 = arith.addf %add3A_435, %mul3A_491 : vector<16xf32>
          %add3A_493 = arith.constant 4 : i32
          %add3A_494 = vector.broadcast %add3A_493 : i32 to vector<16xi32>
          %add3A_495 = arith.addi %mul3A_3, %add3A_494 : vector<16xi32>
          %gather3A_496 = arith.constant 0 : i32
          %gather3A_497 = tpu.memref_slice %arg10[%scan3A_362, %mul3A_351, %gather3A_496] : memref<4x160x128xf32, #tpu.memory_space<vmem>> -> memref<1x80x128xf32, #tpu.memory_space<vmem>>
          %gather3A_498 = tpu.memref_squeeze %gather3A_497 : memref<1x80x128xf32, #tpu.memory_space<vmem>> -> memref<80x128xf32, #tpu.memory_space<vmem>>
          %gather3A_499 = tpu.vector_load_idx %gather3A_498[%add3A_495, %and3A_455] : memref<80x128xf32, #tpu.memory_space<vmem>>[vector<16xi32>, vector<16xi32>], vector<16xf32>,
          %mul3A_500 = arith.mulf %gather3A_459, %gather3A_499 : vector<16xf32>
          %add3A_501 = arith.addf %add3A_444, %mul3A_500 : vector<16xf32>
          %scan3A_502 = arith.constant 2 : i32
          %scan3A_503 = arith.addi %scan3A_386, %scan3A_502 : i32
          %mul3A_504 = arith.constant 1 : i32
          %mul3A_505 = arith.muli %scan3A_503, %mul3A_504 : i32
          %add3A_506 = arith.constant 0 : i32
          %add3A_507 = arith.addi %add3A_506, %mul3A_505 : i32
          %add3A_508 = vector.broadcast %add3A_507 : i32 to vector<16xi32>
          %add3A_509 = arith.addi %iota3A, %add3A_508 : vector<16xi32>
          %and3A_510 = arith.constant 127 : i32
          %and3A_511 = vector.broadcast %and3A_510 : i32 to vector<16xi32>
          %and3A_512 = arith.andi %add3A_509, %and3A_511 : vector<16xi32>
          %gather3A_513 = arith.constant 0 : i32
          %gather3A_514 = tpu.memref_slice %arg9[%scan3A_361, %mul3A_349, %gather3A_513] : memref<4x32x128xf32, #tpu.memory_space<vmem>> -> memref<1x16x128xf32, #tpu.memory_space<vmem>>
          %gather3A_515 = tpu.memref_squeeze %gather3A_514 : memref<1x16x128xf32, #tpu.memory_space<vmem>> -> memref<16x128xf32, #tpu.memory_space<vmem>>
          %gather3A_516 = tpu.vector_load_idx %gather3A_515[%iota3A, %and3A_512] : memref<16x128xf32, #tpu.memory_space<vmem>>[vector<16xi32>, vector<16xi32>], vector<16xf32>,
          %gather3A_517 = arith.constant 0 : i32
          %gather3A_518 = tpu.memref_slice %arg10[%scan3A_362, %mul3A_351, %gather3A_517] : memref<4x160x128xf32, #tpu.memory_space<vmem>> -> memref<1x80x128xf32, #tpu.memory_space<vmem>>
          %gather3A_519 = tpu.memref_squeeze %gather3A_518 : memref<1x80x128xf32, #tpu.memory_space<vmem>> -> memref<80x128xf32, #tpu.memory_space<vmem>>
          %gather3A_520 = tpu.vector_load_idx %gather3A_519[%mul3A_3, %and3A_512] : memref<80x128xf32, #tpu.memory_space<vmem>>[vector<16xi32>, vector<16xi32>], vector<16xf32>,
          %mul3A_521 = arith.mulf %gather3A_516, %gather3A_520 : vector<16xf32>
          %add3A_522 = arith.addf %add3A_465, %mul3A_521 : vector<16xf32>
          %add3A_523 = arith.constant 1 : i32
          %add3A_524 = vector.broadcast %add3A_523 : i32 to vector<16xi32>
          %add3A_525 = arith.addi %mul3A_3, %add3A_524 : vector<16xi32>
          %gather3A_526 = arith.constant 0 : i32
          %gather3A_527 = tpu.memref_slice %arg10[%scan3A_362, %mul3A_351, %gather3A_526] : memref<4x160x128xf32, #tpu.memory_space<vmem>> -> memref<1x80x128xf32, #tpu.memory_space<vmem>>
          %gather3A_528 = tpu.memref_squeeze %gather3A_527 : memref<1x80x128xf32, #tpu.memory_space<vmem>> -> memref<80x128xf32, #tpu.memory_space<vmem>>
          %gather3A_529 = tpu.vector_load_idx %gather3A_528[%add3A_525, %and3A_512] : memref<80x128xf32, #tpu.memory_space<vmem>>[vector<16xi32>, vector<16xi32>], vector<16xf32>,
          %mul3A_530 = arith.mulf %gather3A_516, %gather3A_529 : vector<16xf32>
          %add3A_531 = arith.addf %add3A_474, %mul3A_530 : vector<16xf32>
          %add3A_532 = arith.constant 2 : i32
          %add3A_533 = vector.broadcast %add3A_532 : i32 to vector<16xi32>
          %add3A_534 = arith.addi %mul3A_3, %add3A_533 : vector<16xi32>
          %gather3A_535 = arith.constant 0 : i32
          %gather3A_536 = tpu.memref_slice %arg10[%scan3A_362, %mul3A_351, %gather3A_535] : memref<4x160x128xf32, #tpu.memory_space<vmem>> -> memref<1x80x128xf32, #tpu.memory_space<vmem>>
          %gather3A_537 = tpu.memref_squeeze %gather3A_536 : memref<1x80x128xf32, #tpu.memory_space<vmem>> -> memref<80x128xf32, #tpu.memory_space<vmem>>
          %gather3A_538 = tpu.vector_load_idx %gather3A_537[%add3A_534, %and3A_512] : memref<80x128xf32, #tpu.memory_space<vmem>>[vector<16xi32>, vector<16xi32>], vector<16xf32>,
          %mul3A_539 = arith.mulf %gather3A_516, %gather3A_538 : vector<16xf32>
          %add3A_540 = arith.addf %add3A_483, %mul3A_539 : vector<16xf32>
          %add3A_541 = arith.constant 3 : i32
          %add3A_542 = vector.broadcast %add3A_541 : i32 to vector<16xi32>
          %add3A_543 = arith.addi %mul3A_3, %add3A_542 : vector<16xi32>
          %gather3A_544 = arith.constant 0 : i32
          %gather3A_545 = tpu.memref_slice %arg10[%scan3A_362, %mul3A_351, %gather3A_544] : memref<4x160x128xf32, #tpu.memory_space<vmem>> -> memref<1x80x128xf32, #tpu.memory_space<vmem>>
          %gather3A_546 = tpu.memref_squeeze %gather3A_545 : memref<1x80x128xf32, #tpu.memory_space<vmem>> -> memref<80x128xf32, #tpu.memory_space<vmem>>
          %gather3A_547 = tpu.vector_load_idx %gather3A_546[%add3A_543, %and3A_512] : memref<80x128xf32, #tpu.memory_space<vmem>>[vector<16xi32>, vector<16xi32>], vector<16xf32>,
          %mul3A_548 = arith.mulf %gather3A_516, %gather3A_547 : vector<16xf32>
          %add3A_549 = arith.addf %add3A_492, %mul3A_548 : vector<16xf32>
          %add3A_550 = arith.constant 4 : i32
          %add3A_551 = vector.broadcast %add3A_550 : i32 to vector<16xi32>
          %add3A_552 = arith.addi %mul3A_3, %add3A_551 : vector<16xi32>
          %gather3A_553 = arith.constant 0 : i32
          %gather3A_554 = tpu.memref_slice %arg10[%scan3A_362, %mul3A_351, %gather3A_553] : memref<4x160x128xf32, #tpu.memory_space<vmem>> -> memref<1x80x128xf32, #tpu.memory_space<vmem>>
          %gather3A_555 = tpu.memref_squeeze %gather3A_554 : memref<1x80x128xf32, #tpu.memory_space<vmem>> -> memref<80x128xf32, #tpu.memory_space<vmem>>
          %gather3A_556 = tpu.vector_load_idx %gather3A_555[%add3A_552, %and3A_512] : memref<80x128xf32, #tpu.memory_space<vmem>>[vector<16xi32>, vector<16xi32>], vector<16xf32>,
          %mul3A_557 = arith.mulf %gather3A_516, %gather3A_556 : vector<16xf32>
          %add3A_558 = arith.addf %add3A_501, %mul3A_557 : vector<16xf32>
          %scan3A_559 = arith.constant 3 : i32
          %scan3A_560 = arith.addi %scan3A_386, %scan3A_559 : i32
          %mul3A_561 = arith.constant 1 : i32
          %mul3A_562 = arith.muli %scan3A_560, %mul3A_561 : i32
          %add3A_563 = arith.constant 0 : i32
          %add3A_564 = arith.addi %add3A_563, %mul3A_562 : i32
          %add3A_565 = vector.broadcast %add3A_564 : i32 to vector<16xi32>
          %add3A_566 = arith.addi %iota3A, %add3A_565 : vector<16xi32>
          %and3A_567 = arith.constant 127 : i32
          %and3A_568 = vector.broadcast %and3A_567 : i32 to vector<16xi32>
          %and3A_569 = arith.andi %add3A_566, %and3A_568 : vector<16xi32>
          %gather3A_570 = arith.constant 0 : i32
          %gather3A_571 = tpu.memref_slice %arg9[%scan3A_361, %mul3A_349, %gather3A_570] : memref<4x32x128xf32, #tpu.memory_space<vmem>> -> memref<1x16x128xf32, #tpu.memory_space<vmem>>
          %gather3A_572 = tpu.memref_squeeze %gather3A_571 : memref<1x16x128xf32, #tpu.memory_space<vmem>> -> memref<16x128xf32, #tpu.memory_space<vmem>>
          %gather3A_573 = tpu.vector_load_idx %gather3A_572[%iota3A, %and3A_569] : memref<16x128xf32, #tpu.memory_space<vmem>>[vector<16xi32>, vector<16xi32>], vector<16xf32>,
          %gather3A_574 = arith.constant 0 : i32
          %gather3A_575 = tpu.memref_slice %arg10[%scan3A_362, %mul3A_351, %gather3A_574] : memref<4x160x128xf32, #tpu.memory_space<vmem>> -> memref<1x80x128xf32, #tpu.memory_space<vmem>>
          %gather3A_576 = tpu.memref_squeeze %gather3A_575 : memref<1x80x128xf32, #tpu.memory_space<vmem>> -> memref<80x128xf32, #tpu.memory_space<vmem>>
          %gather3A_577 = tpu.vector_load_idx %gather3A_576[%mul3A_3, %and3A_569] : memref<80x128xf32, #tpu.memory_space<vmem>>[vector<16xi32>, vector<16xi32>], vector<16xf32>,
          %mul3A_578 = arith.mulf %gather3A_573, %gather3A_577 : vector<16xf32>
          %add3A_579 = arith.addf %add3A_522, %mul3A_578 : vector<16xf32>
          %add3A_580 = arith.constant 1 : i32
          %add3A_581 = vector.broadcast %add3A_580 : i32 to vector<16xi32>
          %add3A_582 = arith.addi %mul3A_3, %add3A_581 : vector<16xi32>
          %gather3A_583 = arith.constant 0 : i32
          %gather3A_584 = tpu.memref_slice %arg10[%scan3A_362, %mul3A_351, %gather3A_583] : memref<4x160x128xf32, #tpu.memory_space<vmem>> -> memref<1x80x128xf32, #tpu.memory_space<vmem>>
          %gather3A_585 = tpu.memref_squeeze %gather3A_584 : memref<1x80x128xf32, #tpu.memory_space<vmem>> -> memref<80x128xf32, #tpu.memory_space<vmem>>
          %gather3A_586 = tpu.vector_load_idx %gather3A_585[%add3A_582, %and3A_569] : memref<80x128xf32, #tpu.memory_space<vmem>>[vector<16xi32>, vector<16xi32>], vector<16xf32>,
          %mul3A_587 = arith.mulf %gather3A_573, %gather3A_586 : vector<16xf32>
          %add3A_588 = arith.addf %add3A_531, %mul3A_587 : vector<16xf32>
          %add3A_589 = arith.constant 2 : i32
          %add3A_590 = vector.broadcast %add3A_589 : i32 to vector<16xi32>
          %add3A_591 = arith.addi %mul3A_3, %add3A_590 : vector<16xi32>
          %gather3A_592 = arith.constant 0 : i32
          %gather3A_593 = tpu.memref_slice %arg10[%scan3A_362, %mul3A_351, %gather3A_592] : memref<4x160x128xf32, #tpu.memory_space<vmem>> -> memref<1x80x128xf32, #tpu.memory_space<vmem>>
          %gather3A_594 = tpu.memref_squeeze %gather3A_593 : memref<1x80x128xf32, #tpu.memory_space<vmem>> -> memref<80x128xf32, #tpu.memory_space<vmem>>
          %gather3A_595 = tpu.vector_load_idx %gather3A_594[%add3A_591, %and3A_569] : memref<80x128xf32, #tpu.memory_space<vmem>>[vector<16xi32>, vector<16xi32>], vector<16xf32>,
          %mul3A_596 = arith.mulf %gather3A_573, %gather3A_595 : vector<16xf32>
          %add3A_597 = arith.addf %add3A_540, %mul3A_596 : vector<16xf32>
          %add3A_598 = arith.constant 3 : i32
          %add3A_599 = vector.broadcast %add3A_598 : i32 to vector<16xi32>
          %add3A_600 = arith.addi %mul3A_3, %add3A_599 : vector<16xi32>
          %gather3A_601 = arith.constant 0 : i32
          %gather3A_602 = tpu.memref_slice %arg10[%scan3A_362, %mul3A_351, %gather3A_601] : memref<4x160x128xf32, #tpu.memory_space<vmem>> -> memref<1x80x128xf32, #tpu.memory_space<vmem>>
          %gather3A_603 = tpu.memref_squeeze %gather3A_602 : memref<1x80x128xf32, #tpu.memory_space<vmem>> -> memref<80x128xf32, #tpu.memory_space<vmem>>
          %gather3A_604 = tpu.vector_load_idx %gather3A_603[%add3A_600, %and3A_569] : memref<80x128xf32, #tpu.memory_space<vmem>>[vector<16xi32>, vector<16xi32>], vector<16xf32>,
          %mul3A_605 = arith.mulf %gather3A_573, %gather3A_604 : vector<16xf32>
          %add3A_606 = arith.addf %add3A_549, %mul3A_605 : vector<16xf32>
          %add3A_607 = arith.constant 4 : i32
          %add3A_608 = vector.broadcast %add3A_607 : i32 to vector<16xi32>
          %add3A_609 = arith.addi %mul3A_3, %add3A_608 : vector<16xi32>
          %gather3A_610 = arith.constant 0 : i32
          %gather3A_611 = tpu.memref_slice %arg10[%scan3A_362, %mul3A_351, %gather3A_610] : memref<4x160x128xf32, #tpu.memory_space<vmem>> -> memref<1x80x128xf32, #tpu.memory_space<vmem>>
          %gather3A_612 = tpu.memref_squeeze %gather3A_611 : memref<1x80x128xf32, #tpu.memory_space<vmem>> -> memref<80x128xf32, #tpu.memory_space<vmem>>
          %gather3A_613 = tpu.vector_load_idx %gather3A_612[%add3A_609, %and3A_569] : memref<80x128xf32, #tpu.memory_space<vmem>>[vector<16xi32>, vector<16xi32>], vector<16xf32>,
          %mul3A_614 = arith.mulf %gather3A_573, %gather3A_613 : vector<16xf32>
          %add3A_615 = arith.addf %add3A_558, %mul3A_614 : vector<16xf32>
          scf.yield %add3A_579, %add3A_588, %add3A_597, %add3A_606, %add3A_615 : vector<16xf32>, vector<16xf32>, vector<16xf32>, vector<16xf32>, vector<16xf32>
        }
        %scan3A_368 = arith.constant 128 : i32
        %mul3A_369 = arith.constant 32 : i32
        %mul3A_370 = arith.muli %add3A_246, %mul3A_369 : i32
        %mul3A_371 = arith.constant 16 : i32
        %mul3A_372 = arith.muli %add3A_347, %mul3A_371 : i32
        %add3A_373 = arith.addi %mul3A_370, %mul3A_372 : i32
        %add3A_374 = vector.broadcast %add3A_373 : i32 to vector<16xi32>
        %add3A_375 = arith.addi %add3A_374, %iota3A : vector<16xi32>
        %broadcast_in_dim3A_376 = arith.constant 0 : i32
        %broadcast_in_dim3A_377 = vector.broadcast %broadcast_in_dim3A_376 : i32 to vector<16xi32>
        tpu.vector_store_idx %arg11[%broadcast_in_dim3A_377, %add3A_375], %scan3A_367#0 : memref<8x512xf32, #tpu.memory_space<vmem>>[vector<16xi32>, vector<16xi32>], vector<16xf32>,
        %broadcast_in_dim3A_378 = arith.constant 1 : i32
        %broadcast_in_dim3A_379 = vector.broadcast %broadcast_in_dim3A_378 : i32 to vector<16xi32>
        tpu.vector_store_idx %arg11[%broadcast_in_dim3A_379, %add3A_375], %scan3A_367#1 : memref<8x512xf32, #tpu.memory_space<vmem>>[vector<16xi32>, vector<16xi32>], vector<16xf32>,
        %broadcast_in_dim3A_380 = arith.constant 2 : i32
        %broadcast_in_dim3A_381 = vector.broadcast %broadcast_in_dim3A_380 : i32 to vector<16xi32>
        tpu.vector_store_idx %arg11[%broadcast_in_dim3A_381, %add3A_375], %scan3A_367#2 : memref<8x512xf32, #tpu.memory_space<vmem>>[vector<16xi32>, vector<16xi32>], vector<16xf32>,
        %broadcast_in_dim3A_382 = arith.constant 3 : i32
        %broadcast_in_dim3A_383 = vector.broadcast %broadcast_in_dim3A_382 : i32 to vector<16xi32>
        tpu.vector_store_idx %arg11[%broadcast_in_dim3A_383, %add3A_375], %scan3A_367#3 : memref<8x512xf32, #tpu.memory_space<vmem>>[vector<16xi32>, vector<16xi32>], vector<16xf32>,
        %broadcast_in_dim3A_384 = arith.constant 4 : i32
        %broadcast_in_dim3A_385 = vector.broadcast %broadcast_in_dim3A_384 : i32 to vector<16xi32>
        tpu.vector_store_idx %arg11[%broadcast_in_dim3A_385, %add3A_375], %scan3A_367#4 : memref<8x512xf32, #tpu.memory_space<vmem>>[vector<16xi32>, vector<16xi32>], vector<16xf32>,
      }
      %scan3A_286 = arith.constant 2 : i32
      %add3A_287 = arith.constant 4 : i32
      %add3A_288 = arith.addi %add3A_246, %add3A_287 : i32
      %lt3A_289 = arith.constant 16 : i32
      %lt3A_290 = arith.cmpi slt, %add3A_288, %lt3A_289 : i32
      %convert_element_type3A_291 = arith.extui %lt3A_290 : i1 to i32
      %cond3A_292 = arith.constant 0 : i32
      %cond3A_293 = arith.cmpi ne, %convert_element_type3A_291, %cond3A_292 : i32
      scf.if %cond3A_293 {
        %add3A_343 = arith.constant 4 : i32
        %add3A_344 = arith.addi %add3A_246, %add3A_343 : i32
        %mul3A_345 = arith.constant 32 : i32
        %mul3A_346 = arith.muli %add3A_344, %mul3A_345 : i32
        %multiple_of3A_347 = tpu.assume_multiple %mul3A_346, 8 : i32
        %mul3A_348 = arith.constant 160 : i32
        %mul3A_349 = arith.muli %add3A_344, %mul3A_348 : i32
        %multiple_of3A_350 = tpu.assume_multiple %mul3A_349, 8 : i32
        %add3A_351 = arith.constant 80 : i32
        %add3A_352 = arith.addi %multiple_of3A_350, %add3A_351 : i32
        %dma_start3A_353 = arith.constant 2 : i32
        %dma_start3A_354 = arith.constant 0 : i32
        %dma_start3A_355 = arith.constant 0 : i32
        %dma_start3A_356 = tpu.memref_slice %arg9[%dma_start3A_353, %dma_start3A_354, %dma_start3A_355] : memref<4x32x128xf32, #tpu.memory_space<vmem>> -> memref<1x32x128xf32, #tpu.memory_space<vmem>>
        %dma_start3A_357 = tpu.memref_squeeze %dma_start3A_356 : memref<1x32x128xf32, #tpu.memory_space<vmem>> -> memref<32x128xf32, #tpu.memory_space<vmem>>
        %dma_start3A_358 = tpu.memref_slice %arg7[%multiple_of3A_347] : memref<512xi32, #tpu.memory_space<vmem>> -> memref<32xi32, #tpu.memory_space<vmem>>
        %dma_start3A_359 = arith.constant 0 : i32
        %dma_start3A_360 = arith.constant 0 : i32
        %dma_start3A_361 = tpu.memref_slice %arg4[%dma_start3A_359, %dma_start3A_360] : memref<100002x128xf32, #tpu.memory_space<hbm>> -> memref<100002x128xf32, #tpu.memory_space<hbm>>
        tpu.enqueue_indirect_dma source(%dma_start3A_361 : memref<100002x128xf32, #tpu.memory_space<hbm>>) target(%dma_start3A_357 : memref<32x128xf32, #tpu.memory_space<vmem>>) offsets(%dma_start3A_358 : memref<32xi32, #tpu.memory_space<vmem>>) semaphore(%arg14 : memref<!tpu.dma_semaphore, #tpu.memory_space<semaphore_mem>>)
        %dma_start3A_362 = arith.constant 2 : i32
        %dma_start3A_363 = arith.constant 0 : i32
        %dma_start3A_364 = arith.constant 0 : i32
        %dma_start3A_365 = tpu.memref_slice %arg10[%dma_start3A_362, %dma_start3A_363, %dma_start3A_364] : memref<4x160x128xf32, #tpu.memory_space<vmem>> -> memref<1x80x128xf32, #tpu.memory_space<vmem>>
        %dma_start3A_366 = tpu.memref_squeeze %dma_start3A_365 : memref<1x80x128xf32, #tpu.memory_space<vmem>> -> memref<80x128xf32, #tpu.memory_space<vmem>>
        %dma_start3A_367 = tpu.memref_slice %arg8[%multiple_of3A_350] : memref<2560xi32, #tpu.memory_space<vmem>> -> memref<80xi32, #tpu.memory_space<vmem>>
        %dma_start3A_368 = arith.constant 0 : i32
        %dma_start3A_369 = arith.constant 0 : i32
        %dma_start3A_370 = tpu.memref_slice %arg5[%dma_start3A_368, %dma_start3A_369] : memref<100002x128xf32, #tpu.memory_space<hbm>> -> memref<100002x128xf32, #tpu.memory_space<hbm>>
        tpu.enqueue_indirect_dma source(%dma_start3A_370 : memref<100002x128xf32, #tpu.memory_space<hbm>>) target(%dma_start3A_366 : memref<80x128xf32, #tpu.memory_space<vmem>>) offsets(%dma_start3A_367 : memref<80xi32, #tpu.memory_space<vmem>>) semaphore(%arg18 : memref<!tpu.dma_semaphore, #tpu.memory_space<semaphore_mem>>)
        %dma_start3A_371 = arith.constant 2 : i32
        %dma_start3A_372 = arith.constant 80 : i32
        %dma_start3A_373 = arith.constant 0 : i32
        %dma_start3A_374 = tpu.memref_slice %arg10[%dma_start3A_371, %dma_start3A_372, %dma_start3A_373] : memref<4x160x128xf32, #tpu.memory_space<vmem>> -> memref<1x80x128xf32, #tpu.memory_space<vmem>>
        %dma_start3A_375 = tpu.memref_squeeze %dma_start3A_374 : memref<1x80x128xf32, #tpu.memory_space<vmem>> -> memref<80x128xf32, #tpu.memory_space<vmem>>
        %dma_start3A_376 = tpu.memref_slice %arg8[%add3A_352] : memref<2560xi32, #tpu.memory_space<vmem>> -> memref<80xi32, #tpu.memory_space<vmem>>
        %dma_start3A_377 = arith.constant 0 : i32
        %dma_start3A_378 = arith.constant 0 : i32
        %dma_start3A_379 = tpu.memref_slice %arg5[%dma_start3A_377, %dma_start3A_378] : memref<100002x128xf32, #tpu.memory_space<hbm>> -> memref<100002x128xf32, #tpu.memory_space<hbm>>
        tpu.enqueue_indirect_dma source(%dma_start3A_379 : memref<100002x128xf32, #tpu.memory_space<hbm>>) target(%dma_start3A_375 : memref<80x128xf32, #tpu.memory_space<vmem>>) offsets(%dma_start3A_376 : memref<80xi32, #tpu.memory_space<vmem>>) semaphore(%arg18 : memref<!tpu.dma_semaphore, #tpu.memory_space<semaphore_mem>>)
      } else {
      }
      %add3A_294 = arith.constant 3 : i32
      %add3A_295 = arith.addi %add3A_150, %add3A_294 : i32
      %mul3A_296 = arith.constant 32 : i32
      %mul3A_297 = arith.muli %add3A_295, %mul3A_296 : i32
      %multiple_of3A_298 = tpu.assume_multiple %mul3A_297, 8 : i32
      %mul3A_299 = arith.constant 160 : i32
      %mul3A_300 = arith.muli %add3A_295, %mul3A_299 : i32
      %multiple_of3A_301 = tpu.assume_multiple %mul3A_300, 8 : i32
      %add3A_302 = arith.constant 80 : i32
      %add3A_303 = arith.addi %multiple_of3A_301, %add3A_302 : i32
      %dma_wait3A_304 = arith.constant 3 : i32
      %dma_wait3A_305 = arith.constant 0 : i32
      %dma_wait3A_306 = arith.constant 0 : i32
      %dma_wait3A_307 = tpu.memref_slice %arg9[%dma_wait3A_304, %dma_wait3A_305, %dma_wait3A_306] : memref<4x32x128xf32, #tpu.memory_space<vmem>> -> memref<1x32x128xf32, #tpu.memory_space<vmem>>
      %dma_wait3A_308 = tpu.memref_squeeze %dma_wait3A_307 : memref<1x32x128xf32, #tpu.memory_space<vmem>> -> memref<32x128xf32, #tpu.memory_space<vmem>>
      %dma_wait3A_309 = tpu.memref_slice %arg7[%multiple_of3A_298] : memref<512xi32, #tpu.memory_space<vmem>> -> memref<32xi32, #tpu.memory_space<vmem>>
      %dma_wait3A_310 = arith.constant 0 : i32
      %dma_wait3A_311 = arith.constant 0 : i32
      %dma_wait3A_312 = tpu.memref_slice %arg4[%dma_wait3A_310, %dma_wait3A_311] : memref<100002x128xf32, #tpu.memory_space<hbm>> -> memref<100002x128xf32, #tpu.memory_space<hbm>>
      tpu.wait_indirect_dma semaphore(%arg15 : memref<!tpu.dma_semaphore, #tpu.memory_space<semaphore_mem>>) src(%dma_wait3A_312 : memref<100002x128xf32, #tpu.memory_space<hbm>>) dst(%dma_wait3A_308 : memref<32x128xf32, #tpu.memory_space<vmem>>)
      %dma_wait3A_313 = arith.constant 3 : i32
      %dma_wait3A_314 = arith.constant 0 : i32
      %dma_wait3A_315 = arith.constant 0 : i32
      %dma_wait3A_316 = tpu.memref_slice %arg10[%dma_wait3A_313, %dma_wait3A_314, %dma_wait3A_315] : memref<4x160x128xf32, #tpu.memory_space<vmem>> -> memref<1x80x128xf32, #tpu.memory_space<vmem>>
      %dma_wait3A_317 = tpu.memref_squeeze %dma_wait3A_316 : memref<1x80x128xf32, #tpu.memory_space<vmem>> -> memref<80x128xf32, #tpu.memory_space<vmem>>
      %dma_wait3A_318 = tpu.memref_slice %arg8[%multiple_of3A_301] : memref<2560xi32, #tpu.memory_space<vmem>> -> memref<80xi32, #tpu.memory_space<vmem>>
      %dma_wait3A_319 = arith.constant 0 : i32
      %dma_wait3A_320 = arith.constant 0 : i32
      %dma_wait3A_321 = tpu.memref_slice %arg5[%dma_wait3A_319, %dma_wait3A_320] : memref<100002x128xf32, #tpu.memory_space<hbm>> -> memref<100002x128xf32, #tpu.memory_space<hbm>>
      tpu.wait_indirect_dma semaphore(%arg19 : memref<!tpu.dma_semaphore, #tpu.memory_space<semaphore_mem>>) src(%dma_wait3A_321 : memref<100002x128xf32, #tpu.memory_space<hbm>>) dst(%dma_wait3A_317 : memref<80x128xf32, #tpu.memory_space<vmem>>)
      %dma_wait3A_322 = arith.constant 3 : i32
      %dma_wait3A_323 = arith.constant 80 : i32
      %dma_wait3A_324 = arith.constant 0 : i32
      %dma_wait3A_325 = tpu.memref_slice %arg10[%dma_wait3A_322, %dma_wait3A_323, %dma_wait3A_324] : memref<4x160x128xf32, #tpu.memory_space<vmem>> -> memref<1x80x128xf32, #tpu.memory_space<vmem>>
      %dma_wait3A_326 = tpu.memref_squeeze %dma_wait3A_325 : memref<1x80x128xf32, #tpu.memory_space<vmem>> -> memref<80x128xf32, #tpu.memory_space<vmem>>
      %dma_wait3A_327 = tpu.memref_slice %arg8[%add3A_303] : memref<2560xi32, #tpu.memory_space<vmem>> -> memref<80xi32, #tpu.memory_space<vmem>>
      %dma_wait3A_328 = arith.constant 0 : i32
      %dma_wait3A_329 = arith.constant 0 : i32
      %dma_wait3A_330 = tpu.memref_slice %arg5[%dma_wait3A_328, %dma_wait3A_329] : memref<100002x128xf32, #tpu.memory_space<hbm>> -> memref<100002x128xf32, #tpu.memory_space<hbm>>
      tpu.wait_indirect_dma semaphore(%arg19 : memref<!tpu.dma_semaphore, #tpu.memory_space<semaphore_mem>>) src(%dma_wait3A_330 : memref<100002x128xf32, #tpu.memory_space<hbm>>) dst(%dma_wait3A_326 : memref<80x128xf32, #tpu.memory_space<vmem>>)
      %scan3A_331 = arith.constant 0 : i32
      %scan3A_332 = arith.constant 2 : i32
      %scan3A_333 = arith.addi %scan3A_331, %scan3A_332 : i32
      %scan3A_334 = arith.constant 1 : i32
      scf.for %scan3A_343 = %scan3A_331 to %scan3A_333 step %scan3A_334  : i32 {
        %mul3A_344 = arith.constant 1 : i32
        %mul3A_345 = arith.muli %scan3A_343, %mul3A_344 : i32
        %add3A_346 = arith.constant 0 : i32
        %add3A_347 = arith.addi %add3A_346, %mul3A_345 : i32
        %mul3A_348 = arith.constant 16 : i32
        %mul3A_349 = arith.muli %add3A_347, %mul3A_348 : i32
        %mul3A_350 = arith.constant 80 : i32
        %mul3A_351 = arith.muli %add3A_347, %mul3A_350 : i32
        %broadcast_in_dim3A = arith.constant 0.000000e+00 : f32
        %broadcast_in_dim3A_352 = vector.broadcast %broadcast_in_dim3A : f32 to vector<16xf32>
        %broadcast_in_dim3A_353 = arith.constant 0.000000e+00 : f32
        %broadcast_in_dim3A_354 = vector.broadcast %broadcast_in_dim3A_353 : f32 to vector<16xf32>
        %broadcast_in_dim3A_355 = arith.constant 0.000000e+00 : f32
        %broadcast_in_dim3A_356 = vector.broadcast %broadcast_in_dim3A_355 : f32 to vector<16xf32>
        %broadcast_in_dim3A_357 = arith.constant 0.000000e+00 : f32
        %broadcast_in_dim3A_358 = vector.broadcast %broadcast_in_dim3A_357 : f32 to vector<16xf32>
        %broadcast_in_dim3A_359 = arith.constant 0.000000e+00 : f32
        %broadcast_in_dim3A_360 = vector.broadcast %broadcast_in_dim3A_359 : f32 to vector<16xf32>
        %scan3A_361 = arith.constant 3 : i32
        %scan3A_362 = arith.constant 3 : i32
        %scan3A_363 = arith.constant 0 : i32
        %scan3A_364 = arith.constant 128 : i32
        %scan3A_365 = arith.addi %scan3A_363, %scan3A_364 : i32
        %scan3A_366 = arith.constant 4 : i32
        %scan3A_367:5 = scf.for %scan3A_386 = %scan3A_363 to %scan3A_365 step %scan3A_366 iter_args(%scan3A_387 = %broadcast_in_dim3A_352, %scan3A_388 = %broadcast_in_dim3A_354, %scan3A_389 = %broadcast_in_dim3A_356, %scan3A_390 = %broadcast_in_dim3A_358, %scan3A_391 = %broadcast_in_dim3A_360) -> (vector<16xf32>, vector<16xf32>, vector<16xf32>, vector<16xf32>, vector<16xf32>)  : i32 {
          %mul3A_392 = arith.constant 1 : i32
          %mul3A_393 = arith.muli %scan3A_386, %mul3A_392 : i32
          %add3A_394 = arith.constant 0 : i32
          %add3A_395 = arith.addi %add3A_394, %mul3A_393 : i32
          %add3A_396 = vector.broadcast %add3A_395 : i32 to vector<16xi32>
          %add3A_397 = arith.addi %iota3A, %add3A_396 : vector<16xi32>
          %and3A = arith.constant 127 : i32
          %and3A_398 = vector.broadcast %and3A : i32 to vector<16xi32>
          %and3A_399 = arith.andi %add3A_397, %and3A_398 : vector<16xi32>
          %gather3A = arith.constant 0 : i32
          %gather3A_400 = tpu.memref_slice %arg9[%scan3A_361, %mul3A_349, %gather3A] : memref<4x32x128xf32, #tpu.memory_space<vmem>> -> memref<1x16x128xf32, #tpu.memory_space<vmem>>
          %gather3A_401 = tpu.memref_squeeze %gather3A_400 : memref<1x16x128xf32, #tpu.memory_space<vmem>> -> memref<16x128xf32, #tpu.memory_space<vmem>>
          %gather3A_402 = tpu.vector_load_idx %gather3A_401[%iota3A, %and3A_399] : memref<16x128xf32, #tpu.memory_space<vmem>>[vector<16xi32>, vector<16xi32>], vector<16xf32>,
          %gather3A_403 = arith.constant 0 : i32
          %gather3A_404 = tpu.memref_slice %arg10[%scan3A_362, %mul3A_351, %gather3A_403] : memref<4x160x128xf32, #tpu.memory_space<vmem>> -> memref<1x80x128xf32, #tpu.memory_space<vmem>>
          %gather3A_405 = tpu.memref_squeeze %gather3A_404 : memref<1x80x128xf32, #tpu.memory_space<vmem>> -> memref<80x128xf32, #tpu.memory_space<vmem>>
          %gather3A_406 = tpu.vector_load_idx %gather3A_405[%mul3A_3, %and3A_399] : memref<80x128xf32, #tpu.memory_space<vmem>>[vector<16xi32>, vector<16xi32>], vector<16xf32>,
          %mul3A_407 = arith.mulf %gather3A_402, %gather3A_406 : vector<16xf32>
          %add3A_408 = arith.addf %scan3A_387, %mul3A_407 : vector<16xf32>
          %add3A_409 = arith.constant 1 : i32
          %add3A_410 = vector.broadcast %add3A_409 : i32 to vector<16xi32>
          %add3A_411 = arith.addi %mul3A_3, %add3A_410 : vector<16xi32>
          %gather3A_412 = arith.constant 0 : i32
          %gather3A_413 = tpu.memref_slice %arg10[%scan3A_362, %mul3A_351, %gather3A_412] : memref<4x160x128xf32, #tpu.memory_space<vmem>> -> memref<1x80x128xf32, #tpu.memory_space<vmem>>
          %gather3A_414 = tpu.memref_squeeze %gather3A_413 : memref<1x80x128xf32, #tpu.memory_space<vmem>> -> memref<80x128xf32, #tpu.memory_space<vmem>>
          %gather3A_415 = tpu.vector_load_idx %gather3A_414[%add3A_411, %and3A_399] : memref<80x128xf32, #tpu.memory_space<vmem>>[vector<16xi32>, vector<16xi32>], vector<16xf32>,
          %mul3A_416 = arith.mulf %gather3A_402, %gather3A_415 : vector<16xf32>
          %add3A_417 = arith.addf %scan3A_388, %mul3A_416 : vector<16xf32>
          %add3A_418 = arith.constant 2 : i32
          %add3A_419 = vector.broadcast %add3A_418 : i32 to vector<16xi32>
          %add3A_420 = arith.addi %mul3A_3, %add3A_419 : vector<16xi32>
          %gather3A_421 = arith.constant 0 : i32
          %gather3A_422 = tpu.memref_slice %arg10[%scan3A_362, %mul3A_351, %gather3A_421] : memref<4x160x128xf32, #tpu.memory_space<vmem>> -> memref<1x80x128xf32, #tpu.memory_space<vmem>>
          %gather3A_423 = tpu.memref_squeeze %gather3A_422 : memref<1x80x128xf32, #tpu.memory_space<vmem>> -> memref<80x128xf32, #tpu.memory_space<vmem>>
          %gather3A_424 = tpu.vector_load_idx %gather3A_423[%add3A_420, %and3A_399] : memref<80x128xf32, #tpu.memory_space<vmem>>[vector<16xi32>, vector<16xi32>], vector<16xf32>,
          %mul3A_425 = arith.mulf %gather3A_402, %gather3A_424 : vector<16xf32>
          %add3A_426 = arith.addf %scan3A_389, %mul3A_425 : vector<16xf32>
          %add3A_427 = arith.constant 3 : i32
          %add3A_428 = vector.broadcast %add3A_427 : i32 to vector<16xi32>
          %add3A_429 = arith.addi %mul3A_3, %add3A_428 : vector<16xi32>
          %gather3A_430 = arith.constant 0 : i32
          %gather3A_431 = tpu.memref_slice %arg10[%scan3A_362, %mul3A_351, %gather3A_430] : memref<4x160x128xf32, #tpu.memory_space<vmem>> -> memref<1x80x128xf32, #tpu.memory_space<vmem>>
          %gather3A_432 = tpu.memref_squeeze %gather3A_431 : memref<1x80x128xf32, #tpu.memory_space<vmem>> -> memref<80x128xf32, #tpu.memory_space<vmem>>
          %gather3A_433 = tpu.vector_load_idx %gather3A_432[%add3A_429, %and3A_399] : memref<80x128xf32, #tpu.memory_space<vmem>>[vector<16xi32>, vector<16xi32>], vector<16xf32>,
          %mul3A_434 = arith.mulf %gather3A_402, %gather3A_433 : vector<16xf32>
          %add3A_435 = arith.addf %scan3A_390, %mul3A_434 : vector<16xf32>
          %add3A_436 = arith.constant 4 : i32
          %add3A_437 = vector.broadcast %add3A_436 : i32 to vector<16xi32>
          %add3A_438 = arith.addi %mul3A_3, %add3A_437 : vector<16xi32>
          %gather3A_439 = arith.constant 0 : i32
          %gather3A_440 = tpu.memref_slice %arg10[%scan3A_362, %mul3A_351, %gather3A_439] : memref<4x160x128xf32, #tpu.memory_space<vmem>> -> memref<1x80x128xf32, #tpu.memory_space<vmem>>
          %gather3A_441 = tpu.memref_squeeze %gather3A_440 : memref<1x80x128xf32, #tpu.memory_space<vmem>> -> memref<80x128xf32, #tpu.memory_space<vmem>>
          %gather3A_442 = tpu.vector_load_idx %gather3A_441[%add3A_438, %and3A_399] : memref<80x128xf32, #tpu.memory_space<vmem>>[vector<16xi32>, vector<16xi32>], vector<16xf32>,
          %mul3A_443 = arith.mulf %gather3A_402, %gather3A_442 : vector<16xf32>
          %add3A_444 = arith.addf %scan3A_391, %mul3A_443 : vector<16xf32>
          %scan3A_445 = arith.constant 1 : i32
          %scan3A_446 = arith.addi %scan3A_386, %scan3A_445 : i32
          %mul3A_447 = arith.constant 1 : i32
          %mul3A_448 = arith.muli %scan3A_446, %mul3A_447 : i32
          %add3A_449 = arith.constant 0 : i32
          %add3A_450 = arith.addi %add3A_449, %mul3A_448 : i32
          %add3A_451 = vector.broadcast %add3A_450 : i32 to vector<16xi32>
          %add3A_452 = arith.addi %iota3A, %add3A_451 : vector<16xi32>
          %and3A_453 = arith.constant 127 : i32
          %and3A_454 = vector.broadcast %and3A_453 : i32 to vector<16xi32>
          %and3A_455 = arith.andi %add3A_452, %and3A_454 : vector<16xi32>
          %gather3A_456 = arith.constant 0 : i32
          %gather3A_457 = tpu.memref_slice %arg9[%scan3A_361, %mul3A_349, %gather3A_456] : memref<4x32x128xf32, #tpu.memory_space<vmem>> -> memref<1x16x128xf32, #tpu.memory_space<vmem>>
          %gather3A_458 = tpu.memref_squeeze %gather3A_457 : memref<1x16x128xf32, #tpu.memory_space<vmem>> -> memref<16x128xf32, #tpu.memory_space<vmem>>
          %gather3A_459 = tpu.vector_load_idx %gather3A_458[%iota3A, %and3A_455] : memref<16x128xf32, #tpu.memory_space<vmem>>[vector<16xi32>, vector<16xi32>], vector<16xf32>,
          %gather3A_460 = arith.constant 0 : i32
          %gather3A_461 = tpu.memref_slice %arg10[%scan3A_362, %mul3A_351, %gather3A_460] : memref<4x160x128xf32, #tpu.memory_space<vmem>> -> memref<1x80x128xf32, #tpu.memory_space<vmem>>
          %gather3A_462 = tpu.memref_squeeze %gather3A_461 : memref<1x80x128xf32, #tpu.memory_space<vmem>> -> memref<80x128xf32, #tpu.memory_space<vmem>>
          %gather3A_463 = tpu.vector_load_idx %gather3A_462[%mul3A_3, %and3A_455] : memref<80x128xf32, #tpu.memory_space<vmem>>[vector<16xi32>, vector<16xi32>], vector<16xf32>,
          %mul3A_464 = arith.mulf %gather3A_459, %gather3A_463 : vector<16xf32>
          %add3A_465 = arith.addf %add3A_408, %mul3A_464 : vector<16xf32>
          %add3A_466 = arith.constant 1 : i32
          %add3A_467 = vector.broadcast %add3A_466 : i32 to vector<16xi32>
          %add3A_468 = arith.addi %mul3A_3, %add3A_467 : vector<16xi32>
          %gather3A_469 = arith.constant 0 : i32
          %gather3A_470 = tpu.memref_slice %arg10[%scan3A_362, %mul3A_351, %gather3A_469] : memref<4x160x128xf32, #tpu.memory_space<vmem>> -> memref<1x80x128xf32, #tpu.memory_space<vmem>>
          %gather3A_471 = tpu.memref_squeeze %gather3A_470 : memref<1x80x128xf32, #tpu.memory_space<vmem>> -> memref<80x128xf32, #tpu.memory_space<vmem>>
          %gather3A_472 = tpu.vector_load_idx %gather3A_471[%add3A_468, %and3A_455] : memref<80x128xf32, #tpu.memory_space<vmem>>[vector<16xi32>, vector<16xi32>], vector<16xf32>,
          %mul3A_473 = arith.mulf %gather3A_459, %gather3A_472 : vector<16xf32>
          %add3A_474 = arith.addf %add3A_417, %mul3A_473 : vector<16xf32>
          %add3A_475 = arith.constant 2 : i32
          %add3A_476 = vector.broadcast %add3A_475 : i32 to vector<16xi32>
          %add3A_477 = arith.addi %mul3A_3, %add3A_476 : vector<16xi32>
          %gather3A_478 = arith.constant 0 : i32
          %gather3A_479 = tpu.memref_slice %arg10[%scan3A_362, %mul3A_351, %gather3A_478] : memref<4x160x128xf32, #tpu.memory_space<vmem>> -> memref<1x80x128xf32, #tpu.memory_space<vmem>>
          %gather3A_480 = tpu.memref_squeeze %gather3A_479 : memref<1x80x128xf32, #tpu.memory_space<vmem>> -> memref<80x128xf32, #tpu.memory_space<vmem>>
          %gather3A_481 = tpu.vector_load_idx %gather3A_480[%add3A_477, %and3A_455] : memref<80x128xf32, #tpu.memory_space<vmem>>[vector<16xi32>, vector<16xi32>], vector<16xf32>,
          %mul3A_482 = arith.mulf %gather3A_459, %gather3A_481 : vector<16xf32>
          %add3A_483 = arith.addf %add3A_426, %mul3A_482 : vector<16xf32>
          %add3A_484 = arith.constant 3 : i32
          %add3A_485 = vector.broadcast %add3A_484 : i32 to vector<16xi32>
          %add3A_486 = arith.addi %mul3A_3, %add3A_485 : vector<16xi32>
          %gather3A_487 = arith.constant 0 : i32
          %gather3A_488 = tpu.memref_slice %arg10[%scan3A_362, %mul3A_351, %gather3A_487] : memref<4x160x128xf32, #tpu.memory_space<vmem>> -> memref<1x80x128xf32, #tpu.memory_space<vmem>>
          %gather3A_489 = tpu.memref_squeeze %gather3A_488 : memref<1x80x128xf32, #tpu.memory_space<vmem>> -> memref<80x128xf32, #tpu.memory_space<vmem>>
          %gather3A_490 = tpu.vector_load_idx %gather3A_489[%add3A_486, %and3A_455] : memref<80x128xf32, #tpu.memory_space<vmem>>[vector<16xi32>, vector<16xi32>], vector<16xf32>,
          %mul3A_491 = arith.mulf %gather3A_459, %gather3A_490 : vector<16xf32>
          %add3A_492 = arith.addf %add3A_435, %mul3A_491 : vector<16xf32>
          %add3A_493 = arith.constant 4 : i32
          %add3A_494 = vector.broadcast %add3A_493 : i32 to vector<16xi32>
          %add3A_495 = arith.addi %mul3A_3, %add3A_494 : vector<16xi32>
          %gather3A_496 = arith.constant 0 : i32
          %gather3A_497 = tpu.memref_slice %arg10[%scan3A_362, %mul3A_351, %gather3A_496] : memref<4x160x128xf32, #tpu.memory_space<vmem>> -> memref<1x80x128xf32, #tpu.memory_space<vmem>>
          %gather3A_498 = tpu.memref_squeeze %gather3A_497 : memref<1x80x128xf32, #tpu.memory_space<vmem>> -> memref<80x128xf32, #tpu.memory_space<vmem>>
          %gather3A_499 = tpu.vector_load_idx %gather3A_498[%add3A_495, %and3A_455] : memref<80x128xf32, #tpu.memory_space<vmem>>[vector<16xi32>, vector<16xi32>], vector<16xf32>,
          %mul3A_500 = arith.mulf %gather3A_459, %gather3A_499 : vector<16xf32>
          %add3A_501 = arith.addf %add3A_444, %mul3A_500 : vector<16xf32>
          %scan3A_502 = arith.constant 2 : i32
          %scan3A_503 = arith.addi %scan3A_386, %scan3A_502 : i32
          %mul3A_504 = arith.constant 1 : i32
          %mul3A_505 = arith.muli %scan3A_503, %mul3A_504 : i32
          %add3A_506 = arith.constant 0 : i32
          %add3A_507 = arith.addi %add3A_506, %mul3A_505 : i32
          %add3A_508 = vector.broadcast %add3A_507 : i32 to vector<16xi32>
          %add3A_509 = arith.addi %iota3A, %add3A_508 : vector<16xi32>
          %and3A_510 = arith.constant 127 : i32
          %and3A_511 = vector.broadcast %and3A_510 : i32 to vector<16xi32>
          %and3A_512 = arith.andi %add3A_509, %and3A_511 : vector<16xi32>
          %gather3A_513 = arith.constant 0 : i32
          %gather3A_514 = tpu.memref_slice %arg9[%scan3A_361, %mul3A_349, %gather3A_513] : memref<4x32x128xf32, #tpu.memory_space<vmem>> -> memref<1x16x128xf32, #tpu.memory_space<vmem>>
          %gather3A_515 = tpu.memref_squeeze %gather3A_514 : memref<1x16x128xf32, #tpu.memory_space<vmem>> -> memref<16x128xf32, #tpu.memory_space<vmem>>
          %gather3A_516 = tpu.vector_load_idx %gather3A_515[%iota3A, %and3A_512] : memref<16x128xf32, #tpu.memory_space<vmem>>[vector<16xi32>, vector<16xi32>], vector<16xf32>,
          %gather3A_517 = arith.constant 0 : i32
          %gather3A_518 = tpu.memref_slice %arg10[%scan3A_362, %mul3A_351, %gather3A_517] : memref<4x160x128xf32, #tpu.memory_space<vmem>> -> memref<1x80x128xf32, #tpu.memory_space<vmem>>
          %gather3A_519 = tpu.memref_squeeze %gather3A_518 : memref<1x80x128xf32, #tpu.memory_space<vmem>> -> memref<80x128xf32, #tpu.memory_space<vmem>>
          %gather3A_520 = tpu.vector_load_idx %gather3A_519[%mul3A_3, %and3A_512] : memref<80x128xf32, #tpu.memory_space<vmem>>[vector<16xi32>, vector<16xi32>], vector<16xf32>,
          %mul3A_521 = arith.mulf %gather3A_516, %gather3A_520 : vector<16xf32>
          %add3A_522 = arith.addf %add3A_465, %mul3A_521 : vector<16xf32>
          %add3A_523 = arith.constant 1 : i32
          %add3A_524 = vector.broadcast %add3A_523 : i32 to vector<16xi32>
          %add3A_525 = arith.addi %mul3A_3, %add3A_524 : vector<16xi32>
          %gather3A_526 = arith.constant 0 : i32
          %gather3A_527 = tpu.memref_slice %arg10[%scan3A_362, %mul3A_351, %gather3A_526] : memref<4x160x128xf32, #tpu.memory_space<vmem>> -> memref<1x80x128xf32, #tpu.memory_space<vmem>>
          %gather3A_528 = tpu.memref_squeeze %gather3A_527 : memref<1x80x128xf32, #tpu.memory_space<vmem>> -> memref<80x128xf32, #tpu.memory_space<vmem>>
          %gather3A_529 = tpu.vector_load_idx %gather3A_528[%add3A_525, %and3A_512] : memref<80x128xf32, #tpu.memory_space<vmem>>[vector<16xi32>, vector<16xi32>], vector<16xf32>,
          %mul3A_530 = arith.mulf %gather3A_516, %gather3A_529 : vector<16xf32>
          %add3A_531 = arith.addf %add3A_474, %mul3A_530 : vector<16xf32>
          %add3A_532 = arith.constant 2 : i32
          %add3A_533 = vector.broadcast %add3A_532 : i32 to vector<16xi32>
          %add3A_534 = arith.addi %mul3A_3, %add3A_533 : vector<16xi32>
          %gather3A_535 = arith.constant 0 : i32
          %gather3A_536 = tpu.memref_slice %arg10[%scan3A_362, %mul3A_351, %gather3A_535] : memref<4x160x128xf32, #tpu.memory_space<vmem>> -> memref<1x80x128xf32, #tpu.memory_space<vmem>>
          %gather3A_537 = tpu.memref_squeeze %gather3A_536 : memref<1x80x128xf32, #tpu.memory_space<vmem>> -> memref<80x128xf32, #tpu.memory_space<vmem>>
          %gather3A_538 = tpu.vector_load_idx %gather3A_537[%add3A_534, %and3A_512] : memref<80x128xf32, #tpu.memory_space<vmem>>[vector<16xi32>, vector<16xi32>], vector<16xf32>,
          %mul3A_539 = arith.mulf %gather3A_516, %gather3A_538 : vector<16xf32>
          %add3A_540 = arith.addf %add3A_483, %mul3A_539 : vector<16xf32>
          %add3A_541 = arith.constant 3 : i32
          %add3A_542 = vector.broadcast %add3A_541 : i32 to vector<16xi32>
          %add3A_543 = arith.addi %mul3A_3, %add3A_542 : vector<16xi32>
          %gather3A_544 = arith.constant 0 : i32
          %gather3A_545 = tpu.memref_slice %arg10[%scan3A_362, %mul3A_351, %gather3A_544] : memref<4x160x128xf32, #tpu.memory_space<vmem>> -> memref<1x80x128xf32, #tpu.memory_space<vmem>>
          %gather3A_546 = tpu.memref_squeeze %gather3A_545 : memref<1x80x128xf32, #tpu.memory_space<vmem>> -> memref<80x128xf32, #tpu.memory_space<vmem>>
          %gather3A_547 = tpu.vector_load_idx %gather3A_546[%add3A_543, %and3A_512] : memref<80x128xf32, #tpu.memory_space<vmem>>[vector<16xi32>, vector<16xi32>], vector<16xf32>,
          %mul3A_548 = arith.mulf %gather3A_516, %gather3A_547 : vector<16xf32>
          %add3A_549 = arith.addf %add3A_492, %mul3A_548 : vector<16xf32>
          %add3A_550 = arith.constant 4 : i32
          %add3A_551 = vector.broadcast %add3A_550 : i32 to vector<16xi32>
          %add3A_552 = arith.addi %mul3A_3, %add3A_551 : vector<16xi32>
          %gather3A_553 = arith.constant 0 : i32
          %gather3A_554 = tpu.memref_slice %arg10[%scan3A_362, %mul3A_351, %gather3A_553] : memref<4x160x128xf32, #tpu.memory_space<vmem>> -> memref<1x80x128xf32, #tpu.memory_space<vmem>>
          %gather3A_555 = tpu.memref_squeeze %gather3A_554 : memref<1x80x128xf32, #tpu.memory_space<vmem>> -> memref<80x128xf32, #tpu.memory_space<vmem>>
          %gather3A_556 = tpu.vector_load_idx %gather3A_555[%add3A_552, %and3A_512] : memref<80x128xf32, #tpu.memory_space<vmem>>[vector<16xi32>, vector<16xi32>], vector<16xf32>,
          %mul3A_557 = arith.mulf %gather3A_516, %gather3A_556 : vector<16xf32>
          %add3A_558 = arith.addf %add3A_501, %mul3A_557 : vector<16xf32>
          %scan3A_559 = arith.constant 3 : i32
          %scan3A_560 = arith.addi %scan3A_386, %scan3A_559 : i32
          %mul3A_561 = arith.constant 1 : i32
          %mul3A_562 = arith.muli %scan3A_560, %mul3A_561 : i32
          %add3A_563 = arith.constant 0 : i32
          %add3A_564 = arith.addi %add3A_563, %mul3A_562 : i32
          %add3A_565 = vector.broadcast %add3A_564 : i32 to vector<16xi32>
          %add3A_566 = arith.addi %iota3A, %add3A_565 : vector<16xi32>
          %and3A_567 = arith.constant 127 : i32
          %and3A_568 = vector.broadcast %and3A_567 : i32 to vector<16xi32>
          %and3A_569 = arith.andi %add3A_566, %and3A_568 : vector<16xi32>
          %gather3A_570 = arith.constant 0 : i32
          %gather3A_571 = tpu.memref_slice %arg9[%scan3A_361, %mul3A_349, %gather3A_570] : memref<4x32x128xf32, #tpu.memory_space<vmem>> -> memref<1x16x128xf32, #tpu.memory_space<vmem>>
          %gather3A_572 = tpu.memref_squeeze %gather3A_571 : memref<1x16x128xf32, #tpu.memory_space<vmem>> -> memref<16x128xf32, #tpu.memory_space<vmem>>
          %gather3A_573 = tpu.vector_load_idx %gather3A_572[%iota3A, %and3A_569] : memref<16x128xf32, #tpu.memory_space<vmem>>[vector<16xi32>, vector<16xi32>], vector<16xf32>,
          %gather3A_574 = arith.constant 0 : i32
          %gather3A_575 = tpu.memref_slice %arg10[%scan3A_362, %mul3A_351, %gather3A_574] : memref<4x160x128xf32, #tpu.memory_space<vmem>> -> memref<1x80x128xf32, #tpu.memory_space<vmem>>
          %gather3A_576 = tpu.memref_squeeze %gather3A_575 : memref<1x80x128xf32, #tpu.memory_space<vmem>> -> memref<80x128xf32, #tpu.memory_space<vmem>>
          %gather3A_577 = tpu.vector_load_idx %gather3A_576[%mul3A_3, %and3A_569] : memref<80x128xf32, #tpu.memory_space<vmem>>[vector<16xi32>, vector<16xi32>], vector<16xf32>,
          %mul3A_578 = arith.mulf %gather3A_573, %gather3A_577 : vector<16xf32>
          %add3A_579 = arith.addf %add3A_522, %mul3A_578 : vector<16xf32>
          %add3A_580 = arith.constant 1 : i32
          %add3A_581 = vector.broadcast %add3A_580 : i32 to vector<16xi32>
          %add3A_582 = arith.addi %mul3A_3, %add3A_581 : vector<16xi32>
          %gather3A_583 = arith.constant 0 : i32
          %gather3A_584 = tpu.memref_slice %arg10[%scan3A_362, %mul3A_351, %gather3A_583] : memref<4x160x128xf32, #tpu.memory_space<vmem>> -> memref<1x80x128xf32, #tpu.memory_space<vmem>>
          %gather3A_585 = tpu.memref_squeeze %gather3A_584 : memref<1x80x128xf32, #tpu.memory_space<vmem>> -> memref<80x128xf32, #tpu.memory_space<vmem>>
          %gather3A_586 = tpu.vector_load_idx %gather3A_585[%add3A_582, %and3A_569] : memref<80x128xf32, #tpu.memory_space<vmem>>[vector<16xi32>, vector<16xi32>], vector<16xf32>,
          %mul3A_587 = arith.mulf %gather3A_573, %gather3A_586 : vector<16xf32>
          %add3A_588 = arith.addf %add3A_531, %mul3A_587 : vector<16xf32>
          %add3A_589 = arith.constant 2 : i32
          %add3A_590 = vector.broadcast %add3A_589 : i32 to vector<16xi32>
          %add3A_591 = arith.addi %mul3A_3, %add3A_590 : vector<16xi32>
          %gather3A_592 = arith.constant 0 : i32
          %gather3A_593 = tpu.memref_slice %arg10[%scan3A_362, %mul3A_351, %gather3A_592] : memref<4x160x128xf32, #tpu.memory_space<vmem>> -> memref<1x80x128xf32, #tpu.memory_space<vmem>>
          %gather3A_594 = tpu.memref_squeeze %gather3A_593 : memref<1x80x128xf32, #tpu.memory_space<vmem>> -> memref<80x128xf32, #tpu.memory_space<vmem>>
          %gather3A_595 = tpu.vector_load_idx %gather3A_594[%add3A_591, %and3A_569] : memref<80x128xf32, #tpu.memory_space<vmem>>[vector<16xi32>, vector<16xi32>], vector<16xf32>,
          %mul3A_596 = arith.mulf %gather3A_573, %gather3A_595 : vector<16xf32>
          %add3A_597 = arith.addf %add3A_540, %mul3A_596 : vector<16xf32>
          %add3A_598 = arith.constant 3 : i32
          %add3A_599 = vector.broadcast %add3A_598 : i32 to vector<16xi32>
          %add3A_600 = arith.addi %mul3A_3, %add3A_599 : vector<16xi32>
          %gather3A_601 = arith.constant 0 : i32
          %gather3A_602 = tpu.memref_slice %arg10[%scan3A_362, %mul3A_351, %gather3A_601] : memref<4x160x128xf32, #tpu.memory_space<vmem>> -> memref<1x80x128xf32, #tpu.memory_space<vmem>>
          %gather3A_603 = tpu.memref_squeeze %gather3A_602 : memref<1x80x128xf32, #tpu.memory_space<vmem>> -> memref<80x128xf32, #tpu.memory_space<vmem>>
          %gather3A_604 = tpu.vector_load_idx %gather3A_603[%add3A_600, %and3A_569] : memref<80x128xf32, #tpu.memory_space<vmem>>[vector<16xi32>, vector<16xi32>], vector<16xf32>,
          %mul3A_605 = arith.mulf %gather3A_573, %gather3A_604 : vector<16xf32>
          %add3A_606 = arith.addf %add3A_549, %mul3A_605 : vector<16xf32>
          %add3A_607 = arith.constant 4 : i32
          %add3A_608 = vector.broadcast %add3A_607 : i32 to vector<16xi32>
          %add3A_609 = arith.addi %mul3A_3, %add3A_608 : vector<16xi32>
          %gather3A_610 = arith.constant 0 : i32
          %gather3A_611 = tpu.memref_slice %arg10[%scan3A_362, %mul3A_351, %gather3A_610] : memref<4x160x128xf32, #tpu.memory_space<vmem>> -> memref<1x80x128xf32, #tpu.memory_space<vmem>>
          %gather3A_612 = tpu.memref_squeeze %gather3A_611 : memref<1x80x128xf32, #tpu.memory_space<vmem>> -> memref<80x128xf32, #tpu.memory_space<vmem>>
          %gather3A_613 = tpu.vector_load_idx %gather3A_612[%add3A_609, %and3A_569] : memref<80x128xf32, #tpu.memory_space<vmem>>[vector<16xi32>, vector<16xi32>], vector<16xf32>,
          %mul3A_614 = arith.mulf %gather3A_573, %gather3A_613 : vector<16xf32>
          %add3A_615 = arith.addf %add3A_558, %mul3A_614 : vector<16xf32>
          scf.yield %add3A_579, %add3A_588, %add3A_597, %add3A_606, %add3A_615 : vector<16xf32>, vector<16xf32>, vector<16xf32>, vector<16xf32>, vector<16xf32>
        }
        %scan3A_368 = arith.constant 128 : i32
        %mul3A_369 = arith.constant 32 : i32
        %mul3A_370 = arith.muli %add3A_295, %mul3A_369 : i32
        %mul3A_371 = arith.constant 16 : i32
        %mul3A_372 = arith.muli %add3A_347, %mul3A_371 : i32
        %add3A_373 = arith.addi %mul3A_370, %mul3A_372 : i32
        %add3A_374 = vector.broadcast %add3A_373 : i32 to vector<16xi32>
        %add3A_375 = arith.addi %add3A_374, %iota3A : vector<16xi32>
        %broadcast_in_dim3A_376 = arith.constant 0 : i32
        %broadcast_in_dim3A_377 = vector.broadcast %broadcast_in_dim3A_376 : i32 to vector<16xi32>
        tpu.vector_store_idx %arg11[%broadcast_in_dim3A_377, %add3A_375], %scan3A_367#0 : memref<8x512xf32, #tpu.memory_space<vmem>>[vector<16xi32>, vector<16xi32>], vector<16xf32>,
        %broadcast_in_dim3A_378 = arith.constant 1 : i32
        %broadcast_in_dim3A_379 = vector.broadcast %broadcast_in_dim3A_378 : i32 to vector<16xi32>
        tpu.vector_store_idx %arg11[%broadcast_in_dim3A_379, %add3A_375], %scan3A_367#1 : memref<8x512xf32, #tpu.memory_space<vmem>>[vector<16xi32>, vector<16xi32>], vector<16xf32>,
        %broadcast_in_dim3A_380 = arith.constant 2 : i32
        %broadcast_in_dim3A_381 = vector.broadcast %broadcast_in_dim3A_380 : i32 to vector<16xi32>
        tpu.vector_store_idx %arg11[%broadcast_in_dim3A_381, %add3A_375], %scan3A_367#2 : memref<8x512xf32, #tpu.memory_space<vmem>>[vector<16xi32>, vector<16xi32>], vector<16xf32>,
        %broadcast_in_dim3A_382 = arith.constant 3 : i32
        %broadcast_in_dim3A_383 = vector.broadcast %broadcast_in_dim3A_382 : i32 to vector<16xi32>
        tpu.vector_store_idx %arg11[%broadcast_in_dim3A_383, %add3A_375], %scan3A_367#3 : memref<8x512xf32, #tpu.memory_space<vmem>>[vector<16xi32>, vector<16xi32>], vector<16xf32>,
        %broadcast_in_dim3A_384 = arith.constant 4 : i32
        %broadcast_in_dim3A_385 = vector.broadcast %broadcast_in_dim3A_384 : i32 to vector<16xi32>
        tpu.vector_store_idx %arg11[%broadcast_in_dim3A_385, %add3A_375], %scan3A_367#4 : memref<8x512xf32, #tpu.memory_space<vmem>>[vector<16xi32>, vector<16xi32>], vector<16xf32>,
      }
      %scan3A_335 = arith.constant 2 : i32
      %add3A_336 = arith.constant 4 : i32
      %add3A_337 = arith.addi %add3A_295, %add3A_336 : i32
      %lt3A_338 = arith.constant 16 : i32
      %lt3A_339 = arith.cmpi slt, %add3A_337, %lt3A_338 : i32
      %convert_element_type3A_340 = arith.extui %lt3A_339 : i1 to i32
      %cond3A_341 = arith.constant 0 : i32
      %cond3A_342 = arith.cmpi ne, %convert_element_type3A_340, %cond3A_341 : i32
      scf.if %cond3A_342 {
        %add3A_343 = arith.constant 4 : i32
        %add3A_344 = arith.addi %add3A_295, %add3A_343 : i32
        %mul3A_345 = arith.constant 32 : i32
        %mul3A_346 = arith.muli %add3A_344, %mul3A_345 : i32
        %multiple_of3A_347 = tpu.assume_multiple %mul3A_346, 8 : i32
        %mul3A_348 = arith.constant 160 : i32
        %mul3A_349 = arith.muli %add3A_344, %mul3A_348 : i32
        %multiple_of3A_350 = tpu.assume_multiple %mul3A_349, 8 : i32
        %add3A_351 = arith.constant 80 : i32
        %add3A_352 = arith.addi %multiple_of3A_350, %add3A_351 : i32
        %dma_start3A_353 = arith.constant 3 : i32
        %dma_start3A_354 = arith.constant 0 : i32
        %dma_start3A_355 = arith.constant 0 : i32
        %dma_start3A_356 = tpu.memref_slice %arg9[%dma_start3A_353, %dma_start3A_354, %dma_start3A_355] : memref<4x32x128xf32, #tpu.memory_space<vmem>> -> memref<1x32x128xf32, #tpu.memory_space<vmem>>
        %dma_start3A_357 = tpu.memref_squeeze %dma_start3A_356 : memref<1x32x128xf32, #tpu.memory_space<vmem>> -> memref<32x128xf32, #tpu.memory_space<vmem>>
        %dma_start3A_358 = tpu.memref_slice %arg7[%multiple_of3A_347] : memref<512xi32, #tpu.memory_space<vmem>> -> memref<32xi32, #tpu.memory_space<vmem>>
        %dma_start3A_359 = arith.constant 0 : i32
        %dma_start3A_360 = arith.constant 0 : i32
        %dma_start3A_361 = tpu.memref_slice %arg4[%dma_start3A_359, %dma_start3A_360] : memref<100002x128xf32, #tpu.memory_space<hbm>> -> memref<100002x128xf32, #tpu.memory_space<hbm>>
        tpu.enqueue_indirect_dma source(%dma_start3A_361 : memref<100002x128xf32, #tpu.memory_space<hbm>>) target(%dma_start3A_357 : memref<32x128xf32, #tpu.memory_space<vmem>>) offsets(%dma_start3A_358 : memref<32xi32, #tpu.memory_space<vmem>>) semaphore(%arg15 : memref<!tpu.dma_semaphore, #tpu.memory_space<semaphore_mem>>)
        %dma_start3A_362 = arith.constant 3 : i32
        %dma_start3A_363 = arith.constant 0 : i32
        %dma_start3A_364 = arith.constant 0 : i32
        %dma_start3A_365 = tpu.memref_slice %arg10[%dma_start3A_362, %dma_start3A_363, %dma_start3A_364] : memref<4x160x128xf32, #tpu.memory_space<vmem>> -> memref<1x80x128xf32, #tpu.memory_space<vmem>>
        %dma_start3A_366 = tpu.memref_squeeze %dma_start3A_365 : memref<1x80x128xf32, #tpu.memory_space<vmem>> -> memref<80x128xf32, #tpu.memory_space<vmem>>
        %dma_start3A_367 = tpu.memref_slice %arg8[%multiple_of3A_350] : memref<2560xi32, #tpu.memory_space<vmem>> -> memref<80xi32, #tpu.memory_space<vmem>>
        %dma_start3A_368 = arith.constant 0 : i32
        %dma_start3A_369 = arith.constant 0 : i32
        %dma_start3A_370 = tpu.memref_slice %arg5[%dma_start3A_368, %dma_start3A_369] : memref<100002x128xf32, #tpu.memory_space<hbm>> -> memref<100002x128xf32, #tpu.memory_space<hbm>>
        tpu.enqueue_indirect_dma source(%dma_start3A_370 : memref<100002x128xf32, #tpu.memory_space<hbm>>) target(%dma_start3A_366 : memref<80x128xf32, #tpu.memory_space<vmem>>) offsets(%dma_start3A_367 : memref<80xi32, #tpu.memory_space<vmem>>) semaphore(%arg19 : memref<!tpu.dma_semaphore, #tpu.memory_space<semaphore_mem>>)
        %dma_start3A_371 = arith.constant 3 : i32
        %dma_start3A_372 = arith.constant 80 : i32
        %dma_start3A_373 = arith.constant 0 : i32
        %dma_start3A_374 = tpu.memref_slice %arg10[%dma_start3A_371, %dma_start3A_372, %dma_start3A_373] : memref<4x160x128xf32, #tpu.memory_space<vmem>> -> memref<1x80x128xf32, #tpu.memory_space<vmem>>
        %dma_start3A_375 = tpu.memref_squeeze %dma_start3A_374 : memref<1x80x128xf32, #tpu.memory_space<vmem>> -> memref<80x128xf32, #tpu.memory_space<vmem>>
        %dma_start3A_376 = tpu.memref_slice %arg8[%add3A_352] : memref<2560xi32, #tpu.memory_space<vmem>> -> memref<80xi32, #tpu.memory_space<vmem>>
        %dma_start3A_377 = arith.constant 0 : i32
        %dma_start3A_378 = arith.constant 0 : i32
        %dma_start3A_379 = tpu.memref_slice %arg5[%dma_start3A_377, %dma_start3A_378] : memref<100002x128xf32, #tpu.memory_space<hbm>> -> memref<100002x128xf32, #tpu.memory_space<hbm>>
        tpu.enqueue_indirect_dma source(%dma_start3A_379 : memref<100002x128xf32, #tpu.memory_space<hbm>>) target(%dma_start3A_375 : memref<80x128xf32, #tpu.memory_space<vmem>>) offsets(%dma_start3A_376 : memref<80xi32, #tpu.memory_space<vmem>>) semaphore(%arg19 : memref<!tpu.dma_semaphore, #tpu.memory_space<semaphore_mem>>)
      } else {
      }
    }
    %scan3A_143 = arith.constant 4 : i32
    %mul3A_144 = arith.constant 512 : i32
    %mul3A_145 = arith.muli %add3A, %mul3A_144 : i32
    "tpu.region"() ({
      %run_scoped3A = tpu.sem_alloc : memref<!tpu.dma_semaphore, #tpu.memory_space<semaphore_mem>>
      %dma_start3A_146 = arith.constant 0 : i32
      %dma_start3A_147 = tpu.memref_slice %arg6[%dma_start3A_146, %mul3A_145] : memref<8x16384xf32, #tpu.memory_space<hbm>> -> memref<8x512xf32, #tpu.memory_space<hbm>>
      %dma_start3A_148 = arith.constant 0 : i32
      %dma_start3A_149 = tpu.memref_slice %arg6[%dma_start3A_148, %mul3A_145] : memref<8x16384xf32, #tpu.memory_space<hbm>> -> memref<8x512xf32, #tpu.memory_space<hbm>>
      tpu.enqueue_dma source(%arg11 : memref<8x512xf32, #tpu.memory_space<vmem>>) target(%dma_start3A_149 : memref<8x512xf32, #tpu.memory_space<hbm>>) target_semaphore(%run_scoped3A : memref<!tpu.dma_semaphore, #tpu.memory_space<semaphore_mem>>)
      %dma_wait3A = arith.constant 0 : i32
      %dma_wait3A_150 = tpu.memref_slice %arg6[%dma_wait3A, %mul3A_145] : memref<8x16384xf32, #tpu.memory_space<hbm>> -> memref<8x512xf32, #tpu.memory_space<hbm>>
      %dma_wait3A_151 = arith.constant 0 : i32
      %dma_wait3A_152 = tpu.memref_slice %arg6[%dma_wait3A_151, %mul3A_145] : memref<8x16384xf32, #tpu.memory_space<hbm>> -> memref<8x512xf32, #tpu.memory_space<hbm>>
      tpu.wait_dma2 semaphore(%run_scoped3A : memref<!tpu.dma_semaphore, #tpu.memory_space<semaphore_mem>>) src(%arg11 : memref<8x512xf32, #tpu.memory_space<vmem>>) dst(%dma_wait3A_152 : memref<8x512xf32, #tpu.memory_space<hbm>>)
      tpu.yield
    }) : () -> ()
    return
  }
}

</mosaic_0001>

<sc_bundles>
// kernel: _dots.3.cloned.1.call-start
scs
__scs_entry_jumppad:
0x0: {  	(pc) =	sbr.rel $0x88, $3  }
0x1: {  	(tag) =	ssettag $0x0;
	lr =	simm.s32 $0x1  }
0x2: {  	[smem:$0x3F9D] =	sst lr;
	_ =	strace $0xD0000000  }
0x3: {  	_ = 	snop  }
0x4: {  	_ = 	snop  }
0x5: {  	_ = 	snop  }
0x6: {  	_ = 	snop  }
0x7: {  	_ = 	snop  }
__scs_overlays_trampoline_lowered:
0x8: {  	[smem:$0x3FAC] =	sst s0  }
0x9: {  	[smem:$0x3FAD] =	sst s1  }
0xa: {  	[smem:$0x3FAE] =	sst s2  }
0xb: {  	[smem:$0x3FAF] =	sst s3  }
0xc: {  	[smem:$0x3FB0] =	sst s4  }
0xd: {  	[smem:$0x3FB1] =	sst s5  }
0xe: {  	[smem:$0x3FB2] =	sst s6  }
0xf: {  	[smem:$0x3FB3] =	sst s7  }
0x10: {  	[smem:$0x3FB4] =	sst s8  }
0x11: {  	[smem:$0x3FB5] =	sst s9;
	s0 =	simm.s32 @!p0 $0x0  }
0x12: {  	s1 =	sld [smem:$0x3F9B];
	s0 =	simm.s32 @p0 $0x1  }
0x13: {  	[smem:$0x3FB6] =	sst s0;
	s0 =	simm.s32 @!p1 $0x0  }
0x14: {  	s2 =	sld [smem:$0x3F9A];
	s0 =	simm.s32 @p1 $0x1  }
0x15: {  	[smem:$0x3FB7] =	sst s0;
	s0 =	simm.s32 @!p2 $0x0  }
0x16: {  	s3 =	sld [smem:$0x3FDB];
	s0 =	simm.s32 @p2 $0x1  }
0x17: {  	s4 =	simm.s32 $0x1BF5;
	[smem:$0x3FB9] =	sst s0  }
0x18: {  	s0 =	sld [smem:$0x3F9C];
	_ =	swait.ge [sflag:s4], $0x0  }
0x19: {  	s7 =	sld [smem:$0x3F9D]  }
0x1a: {  	s8 =	sadd.s32 $0xFFFFE003, lr  }
0x1b: {  	s9 =	sadd.s32 $0xFFFFFEF7, lr;
	s5 =	simm.s32 $0xFFFFFFFF;
	p2 =	slt.u32 s8, $0xFFFFF086  }
0x1c: {  	p1 =	slt.u32 s9, $0xF7A;
	s5 =	simm.s32 @!p2 $0x0  }
0x1d: {  	s5 =	simm.s32 @p1 $0x1;
	p0 =	seq.s32 s7, s2  }
0x1e: {  	s7 =	smul.u32 @!p0 $0xF7A, s2;
	p2 =	seq.s32 @!p0 s5, $0x0  }
0x1f: {  	s9 =	smul.u32 $0xF7A, s1;
	s8 =	simm.s32 @!p0 $0x1BF5;
	p2 =	por !p2, p0  }
0x20: {  	[sflag:s8] =	ssyncset.s32 @!p0 $0xFFFFF086;
	s6 =	sadd.s32 @!p0 s3, s7;
	s7 =	simm.s32 @!p0 $0x108  }
0x21: {  	s3 =	sadd.s32 s3, s9;
	s6 =	sadd.s32 @!p0 $0x88, s6;
	s7 =	simm.s32 @p2 $0x1082  }
0x22: {  	[simem:s7], [sflag:s8] =	dma.local @!p0 [hbm:s6], $0xF7A  }
0x23: {  	s9 =	sor.u32 $0xD0000000, s2;
	s6 =	simm.s32 $0x108;
	_ =	swait.ge @!p0 [sflag:s8], $0x0  }
0x24: {  	s3 =	sadd.s32 $0x88, s3;
	s6 =	simm.s32 @!p1 $0x1082;
	[sflag:s4] =	ssyncset.s32 $0xFFFFF086  }
0x25: {  	[simem:s6], [sflag:s4] =	dma.local [hbm:s3], $0xF7A  }
0x26: {  	[smem:$0x3F9D] =	sst s1;
	(tag) =	ssettag s2;
	_ =	strace s9  }
0x27: {  	s1 =	sld [smem:$0x3FAD]  }
0x28: {  	s2 =	sld [smem:$0x3FAE]  }
0x29: {  	s4 =	sld [smem:$0x3FB0]  }
0x2a: {  	p0 =	seq.s32 s5, $0x0;
	s5 =	sld [smem:$0x3FB1]  }
0x2b: {  	s6 =	sld [smem:$0x3FB2]  }
0x2c: {  	s7 =	sld [smem:$0x3FB3]  }
0x2d: {  	s3 =	simm.s32 $0x108;
	s8 =	sld [smem:$0x3FB4]  }
0x2e: {  	s3 =	simm.s32 @!p0 $0x1082;
	s9 =	sld [smem:$0x3FB5]  }
0x2f: {  	lr =	sadd.s32 s0, s3;
	s0 =	sld [smem:$0x3FAC]  }
0x30: {  	s3 =	sld [smem:$0x3FAF]  }
0x31: {  	[smem:$0x3FB8] =	sst s10  }
0x32: {  	s10 =	sld [smem:$0x3FB6];
	_ =	sdelay $0x3  }
0x33: {  	p0 =	seq.s32 s10, $0x1;
	s10 =	sld [smem:$0x3FB8];
	_ =	sdelay $0x3  }
0x34: {  	[smem:$0x3FB8] =	sst s10  }
0x35: {  	s10 =	sld [smem:$0x3FB7];
	_ =	sdelay $0x3  }
0x36: {  	p1 =	seq.s32 s10, $0x1;
	s10 =	sld [smem:$0x3FB8];
	_ =	sdelay $0x3  }
0x37: {  	[smem:$0x3FB8] =	sst s10  }
0x38: {  	s10 =	sld [smem:$0x3FB9]  }
0x39: {  	_ = 	snop;
	(pc) =	sbr.ind lr, $3  }
0x3a: {  	_ = 	snop  }
0x3b: {  	_ = 	snop  }
0x3c: {  	p2 =	seq.s32 s10, $0x1;
	s10 =	sld [smem:$0x3FB8]  }
0x3d: {  	_ =	shalt  }
0x3e: {  	_ =	shalt  }
0x3f: {  	_ =	shalt  }
0x40: {  	_ =	shalt  }
0x41: {  	_ =	shalt  }
0x42: {  	_ =	shalt  }
0x43: {  	_ =	shalt  }
0x44: {  	_ =	shalt  }
0x45: {  	_ =	shalt  }
0x46: {  	_ =	shalt  }
0x47: {  	_ =	shalt  }
0x48: {  	_ =	shalt  }
0x49: {  	_ =	shalt  }
0x4a: {  	_ =	shalt  }
0x4b: {  	_ =	shalt  }
0x4c: {  	_ =	shalt  }
0x4d: {  	_ =	shalt  }
0x4e: {  	_ =	shalt  }
0x4f: {  	_ =	shalt  }
0x50: {  	_ =	shalt  }
0x51: {  	_ =	shalt  }
0x52: {  	_ =	shalt  }
0x53: {  	_ =	shalt  }
0x54: {  	_ =	shalt  }
0x55: {  	_ =	shalt  }
0x56: {  	_ =	shalt  }
0x57: {  	_ =	shalt  }
0x58: {  	_ =	shalt  }
0x59: {  	_ =	shalt  }
0x5a: {  	_ =	shalt  }
0x5b: {  	_ =	shalt  }
0x5c: {  	_ =	shalt  }
0x5d: {  	_ =	shalt  }
0x5e: {  	_ =	shalt  }
0x5f: {  	_ =	shalt  }
0x60: {  	_ =	shalt  }
0x61: {  	_ =	shalt  }
0x62: {  	_ =	shalt  }
0x63: {  	_ =	shalt  }
0x64: {  	_ =	shalt  }
0x65: {  	_ =	shalt  }
0x66: {  	_ =	shalt  }
0x67: {  	_ =	shalt  }
0x68: {  	_ =	shalt  }
0x69: {  	_ =	shalt  }
0x6a: {  	_ =	shalt  }
0x6b: {  	_ =	shalt  }
0x6c: {  	_ =	shalt  }
0x6d: {  	_ =	shalt  }
0x6e: {  	_ =	shalt  }
0x6f: {  	_ =	shalt  }
0x70: {  	_ =	shalt  }
0x71: {  	_ =	shalt  }
0x72: {  	_ =	shalt  }
0x73: {  	_ =	shalt  }
0x74: {  	_ =	shalt  }
0x75: {  	_ =	shalt  }
0x76: {  	_ =	shalt  }
0x77: {  	_ =	shalt  }
0x78: {  	_ =	shalt  }
0x79: {  	_ =	shalt  }
0x7a: {  	_ =	shalt  }
0x7b: {  	_ =	shalt  }
0x7c: {  	_ =	shalt  }
0x7d: {  	_ =	shalt  }
0x7e: {  	_ =	shalt  }
0x7f: {  	_ =	shalt  }
0x80: {  	_ =	shalt  }
0x81: {  	_ =	shalt  }
0x82: {  	_ =	shalt  }
0x83: {  	_ =	shalt  }
0x84: {  	_ =	shalt  }
0x85: {  	_ =	shalt  }
0x86: {  	_ =	shalt  }
0x87: {  	_ =	shalt  }
.Lfunc_end0:
.L_simem_size_0:
called_computation_lowered:
.L_overlay_start_0:
0x88: {  	s2 =	sld [smem:$0x3FD9]  }
0x89: {  	s3 =	sld [smem:$0x3FFE];
	_ =	sdelay $0x1  }
0x8a: {  	s1 =	srdreg.scid  }
0x8b: {  	s0 =	sand.u32 $0x1, s1  }
0x8c: {  	s18 =	sshll.u32 s0, $0xA;
	s2 =	sadd.s32 s3, s2  }
0x8d: {  	s2 =	sadd.s32 s2, s18  }
0x8e: {  	[smem:$0x3FC4] =	sst s2  }
0x8f: {  	_ = 	snop  }
0x90: {  	s2 =	sld [smem:$0x3FC9]  }
0x91: {  	s19 =	sld [smem:$0x3FC8]  }
0x92: {  	s4 =	sld [smem:$0x3FC7]  }
0x93: {  	s5 =	sld [smem:$0x3FC6]  }
0x94: {  	s6 =	sld [smem:$0x3FD0];
	(tm) =	ssettm $0x1  }
0x95: {  	s7 =	sld [smem:$0x3FFB];
	_ =	sdelay $0x3  }
0x96: {  	_ =	strace s7  }
0x97: {  	s7 =	sld [smem:$0x3FFC];
	_ =	sdelay $0x3  }
0x98: {  	_ =	strace s7  }
0x99: {  	s7 =	sld [smem:$0x3FFD];
	_ =	sdelay $0x3  }
0x9a: {  	_ =	strace s7  }
0x9b: {  	_ =	strace $0x8FFFFFFF  }
0x9c: {  	s20 =	sld [smem:$0x3FDB];
	_ =	sdelay $0x1  }
0x9d: {  	s8 =	simm.s32 $_scs_section_size  }
0x9e: {  	s9 =	simm.s32 $_size__tile_overlayer_lowered;
	s10 =	simm.s32 $_tile_overlayer_lowered  }
0x9f: {  	s23 =	simm.s32 $0x1BFF;
	s22 =	sshll.u32 s10, $0x1;
	s7 =	sadd.s32 s8, s20  }
0xa0: {  	s11 =	simm.s32 $0x0;
	s21 =	sshll.u32 s9, $0x1;
	s9 =	sadd.s32 s22, s7  }
0xa1: {  	[timem:s11], [sflag:s23] =	dma.local [hbm:s9], s21  }
0xa2: {  	_ =	swait.ge [sflag:s23], s21  }
0xa3: {  	s8 =	ssub.s32 $0x0, s21;
	[sflag:s23] =	ssyncset.done $0x0  }
0xa4: {  	[sflag:s23] =	ssyncadd.s32 s8;
	_ =	sdelay $0x1  }
0xa5: {  	s24 =	simm.s32 $0x1B8B  }
0xa6: {  	_ =	swait.ge [sflag:s24], $0x1  }
0xa7: {  	[sflag:s24] =	ssyncset.done $0x0  }
0xa8: {  	s25 =	simm.s32 $0x1B8E;
	[sflag:s24] =	ssyncadd.s32 $0xFFFFFFFF  }
0xa9: {  	s26 =	simm.s32 $execute0_lowered;
	[smem:$0x3FD2] =	sst s25  }
0xaa: {  	s8 =	sshll.u32 s26, $0x1;
	_ =	strace $0x80000046;
	[dreg:$0x1] =	wrdreg $0xFFFFFFFF  }
0xab: {  	s28 =	simm.s32 $_size_execute0_lowered;
	s7 =	sadd.s32 s7, s8;
	[dreg:$0x0] =	wrdreg $0x0  }
0xac: {  	s8 =	sshll.u32 s28, $0x1;
	[dreg:$0x2] =	wrdreg s7  }
0xad: {  	[dreg:$0x3] =	wrdreg s8  }
0xae: {  	[dreg:$0x4] =	wrdreg $0xC0  }
0xaf: {  	_ =	task [dreg:s11], $0x5FFFF  }
0xb0: {  	[dreg:$0x1] =	wrdreg $0xFFFFFFFF  }
0xb1: {  	[dreg:$0x0] =	wrdreg $0x60  }
0xb2: {  	[dreg:$0x2] =	wrdreg s2  }
0xb3: {  	[dreg:$0x3] =	wrdreg s19  }
0xb4: {  	[dreg:$0x4] =	wrdreg s4  }
0xb5: {  	[dreg:$0x5] =	wrdreg s5  }
0xb6: {  	[dreg:$0x6] =	wrdreg s6  }
0xb7: {  	[dreg:$0x7] =	wrdreg $0x9  }
0xb8: {  	_ =	task.clear_ibuf [dreg:s11], $0x8FFFF;
	_ =	strace $0x90000046  }
0xb9: {  	s29 =	simm.s32 $0x9;
	_ =	strace $0x80000048  }
0xba: {  	_ =	swait.ge [sflag:s29], $0x1  }
0xbb: {  	[sflag:s29] =	ssyncadd.s32 $0xFFFFFFFF  }
0xbc: {  	_ =	strace $0x90000048  }
0xbd: {  	_ =	sfence  }
0xbe: {  	s30 =	sld [smem:$0x0];
	_ =	sdelay $0x2  }
0xbf: {  	s31 =	sshll.u32 s1, $0xD;
	s1 =	sshrl.u32 s1, $0x2  }
0xc0: {  	s3 =	sand.u32 $0x4000, s31;
	s1 =	sadd.s32 s1, s30  }
0xc1: {  	s0 =	sor.u32 s3, s0;
	s1 =	sshll.u32 s1, $0x11  }
0xc2: {  	s0 =	sor.u32 s1, s0  }
0xc3: {  	s0 =	sadd.s32 $0x8F2B, s0  }
0xc4: {  	[sflag:s0] =	ssyncadd.remote.s32 $0x1  }
0xc5: {  	_ =	sfence.sel $0xFFFF  }
0xc6: {  	[dreg:$0x0] =	wrdreg $0xFFFFFFFF;
	(pc) =	sbr.abs _section_cstart, $3  }
0xc7: {  	[dreg:$0x1] =	wrdreg $0xFFFFFFFF  }
0xc8: {  	_ =	task.clear_ibuf [dreg:s11], $0x2FFFF;
	_ =	strace $0x9FFFFFFF  }
0xc9: {  	(tm) =	ssettm $0x7FFFFFFF  }
tec
execute0_lowered:
.L_overlay_start_1:
0x0: {  	(tag) =	ssettag $0x1  }
0x1: {  	s0 =	rddreg [dreg:$0x0]  }
0x2: {  	s2 =	rddreg [dreg:$0x1]  }
0x3: {  	s1 =	rddreg [dreg:$0x2]  }
0x4: {  	s3 =	rddreg [dreg:$0x3]  }
0x5: {  	s5 =	rddreg [dreg:$0x4]  }
0x6: {  	s6 =	srdreg.scid;
	s7 =	stileid.u32  }
0x7: {  	s4 =	simm.s32 $0x0;
	s11 =	simm.s32 $0x20;
	s13 =	simm.s32 $0x50  }
0x8: {  	s30 =	simm.s32 $0x3C00;
	s12 =	simm.s32 $0x16400;
	s14 =	simm.s32 $0x1  }
0x9: {  	s15 =	simm.s32 $0x5;
	s16 =	simm.s32 $0x18C00;
	s17 =	simm.s32 $0x2  }
0xa: {  	s18 =	simm.s32 $0x6;
	s19 =	simm.s32 $0x3;
	s20 =	simm.s32 $0x7  }
0xb: {  	s21 =	simm.s32 $0x4;
	s6 =	sand.u32 $0x1, s6;
	s7 =	sshll.u32 s7, $0x1  }
0xc: {  	s22 =	simm.s32 $0x8;
	s8 =	ssub.s32 $0x2, s6;
	s6 =	sor.u32 s6, s7  }
0xd: {  	s23 =	simm.s32 $0x0;
	[smem:$0x7FF] =	sst s4;
	s9 =	smul.u32 $0x140, s6  }
.Ltmp0:
0xe: {  	v0 =	vlaneseq.u32;
	s28 =	sshll.u32 s6, $0x9;
	s6 =	sshll.u32 s6, $0x6;
	(pc) =	sbr.rel .LBB2_1-.Ltmp0, $4  }
0xf: {  	v1 =	vmul.u32 $0x280, v0;
	_ =	strace $0x80000047;
	s26 =	sshrl.u32 s8, $0x1;
	s0 =	sadd.s32 s0, s6  }
0x10: {  	s8 =	ssub.s32 s8, s26;
	s31 =	sadd.s32 s5, s28;
	[dreg:$0x6] =	wrdreg s0  }
0x11: {  	v2 =	vmul.u32 $0x80, v0;
	v3 =	vadd.s32 $0x80, v1;
	s29 =	sadd.s32 s2, s9;
	[dreg:$0x8] =	wrdreg s31;
	s8 =	smax.u32 s8, $0x1  }
0x12: {  	v4 =	vadd.s32 $0x100, v1;
	v5 =	vadd.s32 $0x180, v1;
	v6 =	vadd.s32 $0x200, v1;
	s9 =	simm.s32 $0x9;
	s0 =	simm.s32 $0x13C00;
	[dreg:$0x7] =	wrdreg s29  }
.LBB2_20:
0x13: {  	s23 =	sadd.s32 $0x1, s23  }
0x14: {  	p0 =	sne.s32 s23, s8  }
.Ltmp1:
0x15: {  	s2 =	rddreg [dreg:$0x8];
	(pc) =	sbr.rel @!p0 .LBB2_21-.Ltmp1, $4  }
0x16: {  	[hbm4b:s2+s4] =	stream.linear.scatter [tilespmem:s16], [sflag:$0x9], $0x1000, $0x38;
	[tilespmem:$0x19C00] =	vst v63  }
0x17: {  	_ =	swait.ge [sflag:s9], $0x1000  }
0x18: {  	[sflag:s9] =	ssyncset.done $0x0  }
0x19: {  	[sflag:s9] =	ssyncadd.s32 $0xFFFFF000  }
.LBB2_1:
0x1a: {  	s2 =	rddreg [dreg:$0x6]  }
0x1b: {  	[tilespmem:s4], [sflag:$0x9] =	stream.linear.gather [hbm4b:s2+s4], $0x200, $0x38;
	[tilespmem:$0x19C00] =	vst v63  }
0x1c: {  	_ =	swait.ge [sflag:s9], $0x200  }
0x1d: {  	[sflag:s9] =	ssyncset.done $0x0  }
0x1e: {  	s5 =	simm.s32 $0x200;
	s31 =	rddreg [dreg:$0x7];
	[sflag:s9] =	ssyncadd.s32 $0xFFFFFE00  }
0x1f: {  	[tilespmem:s5], [sflag:$0x9] =	stream.linear.gather [hbm4b:s31+s4], $0xA00, $0x38;
	[tilespmem:$0x19C00] =	vst v63  }
0x20: {  	_ =	swait.ge [sflag:s9], $0xA00  }
0x21: {  	[sflag:s9] =	ssyncset.done $0x0  }
0x22: {  	s6 =	simm.s32 $0xC00;
	[sflag:s9] =	ssyncadd.s32 $0xFFFFF600  }
0x23: {  	[tilespmem:s6], [sflag:$0x1] =	stream.indirect.gather [hbm4b:s1+s11], $0x80, s4, s11, $0xb8;
	[tilespmem:$0x19C00] =	vst v63  }
0x24: {  	s7 =	simm.s32 $0x4C00  }
0x25: {  	[tilespmem:s7], [sflag:$0x5] =	stream.indirect.gather [hbm4b:s3+s13], $0x80, s5, s13, $0xb8;
	[tilespmem:$0x19C00] =	vst v63  }
0x26: {  	s10 =	simm.s32 $0x250;
	s24 =	simm.s32 $0x7400  }
0x27: {  	[tilespmem:s24], [sflag:$0x5] =	stream.indirect.gather [hbm4b:s3+s13], $0x80, s10, s13, $0xb8;
	[tilespmem:$0x19C00] =	vst v63  }
0x28: {  	s25 =	simm.s32 $0x1C00  }
0x29: {  	[tilespmem:s25], [sflag:$0x2] =	stream.indirect.gather [hbm4b:s1+s11], $0x80, s11, s11, $0xb8;
	[tilespmem:$0x19C00] =	vst v63  }
0x2a: {  	s26 =	simm.s32 $0x2A0;
	s28 =	simm.s32 $0x9C00  }
0x2b: {  	[tilespmem:s28], [sflag:$0x6] =	stream.indirect.gather [hbm4b:s3+s13], $0x80, s26, s13, $0xb8;
	[tilespmem:$0x19C00] =	vst v63  }
0x2c: {  	s29 =	simm.s32 $0x2F0;
	s31 =	simm.s32 $0xC400  }
0x2d: {  	[tilespmem:s31], [sflag:$0x6] =	stream.indirect.gather [hbm4b:s3+s13], $0x80, s29, s13, $0xb8;
	[tilespmem:$0x19C00] =	vst v63  }
0x2e: {  	s6 =	simm.s32 $0x40;
	s7 =	simm.s32 $0x2C00  }
0x2f: {  	[tilespmem:s7], [sflag:$0x3] =	stream.indirect.gather [hbm4b:s1+s11], $0x80, s6, s11, $0xb8;
	[tilespmem:$0x19C00] =	vst v63  }
0x30: {  	s10 =	simm.s32 $0x340;
	s24 =	simm.s32 $0xEC00  }
0x31: {  	[tilespmem:s24], [sflag:$0x7] =	stream.indirect.gather [hbm4b:s3+s13], $0x80, s10, s13, $0xb8;
	[tilespmem:$0x19C00] =	vst v63  }
0x32: {  	s25 =	simm.s32 $0x390;
	s26 =	simm.s32 $0x11400  }
0x33: {  	[tilespmem:s26], [sflag:$0x7] =	stream.indirect.gather [hbm4b:s3+s13], $0x80, s25, s13, $0xb8;
	[tilespmem:$0x19C00] =	vst v63  }
0x34: {  	s28 =	simm.s32 $0x60  }
0x35: {  	[tilespmem:s30], [sflag:$0x4] =	stream.indirect.gather [hbm4b:s1+s11], $0x80, s28, s11, $0xb8;
	[tilespmem:$0x19C00] =	vst v63  }
0x36: {  	s29 =	simm.s32 $0x3E0  }
0x37: {  	[tilespmem:s0], [sflag:$0x8] =	stream.indirect.gather [hbm4b:s3+s13], $0x80, s29, s13, $0xb8;
	[tilespmem:$0x19C00] =	vst v63  }
0x38: {  	s31 =	simm.s32 $0x430;
	s24 =	simm.s32 $0x0  }
0x39: {  	[tilespmem:s12], [sflag:$0x8] =	stream.indirect.gather [hbm4b:s3+s13], $0x80, s31, s13, $0xb8;
	[tilespmem:$0x19C00] =	vst v63  }
.LBB2_2:
0x3a: {  	_ =	swait.ge [sflag:s14], $0x1000  }
0x3b: {  	[sflag:s14] =	ssyncset.done $0x0  }
0x3c: {  	[sflag:s14] =	ssyncadd.s32 $0xFFFFF000  }
0x3d: {  	_ =	swait.ge [sflag:s15], $0x2800  }
0x3e: {  	[sflag:s15] =	ssyncset.done $0x0  }
0x3f: {  	[sflag:s15] =	ssyncadd.s32 $0xFFFFD800  }
0x40: {  	_ =	swait.ge [sflag:s15], $0x2800  }
0x41: {  	s26 =	sshll.u32 s24, $0x7;
	s25 =	simm.s32 $0x0;
	[sflag:s15] =	ssyncset.done $0x0  }
0x42: {  	p1 =	por $0x1, $0x1;
	s28 =	simm.s32 $0x0;
	[sflag:s15] =	ssyncadd.s32 $0xFFFFD800  }
.LBB2_3:
0x43: {  	v8 =	vadd.s32 s25, v0  }
0x44: {  	v8 =	vand.u32 $0x7F, v8  }
0x45: {  	v11 =	vor.u32 v2, v8  }
0x46: {  	s6 =	smul.u32 $0xA000, s28;
	v15 =	vor.u32 v6, v8  }
0x47: {  	s2 =	simm.s32 $0x1;
	s5 =	sshll.u32 s28, $0xB;
	v16 =	vor.u32 v5, v8  }
0x48: {  	v7 =	vadd.s32 s2, v0;
	s7 =	sand.u32 $0x3FFFF800, s5;
	s2 =	sshra.s32 s6, $0x2;
	v18 =	vor.u32 v1, v8  }
0x49: {  	v20 =	vor.u32 v3, v8;
	s29 =	sadd.s32 $0x4C00, s2;
	s2 =	sadd.s32 $0xC00, s7  }
0x4a: {  	v7 =	vand.u32 $0x7F, v7;
	v8 =	vor.u32 v4, v8;
	v11 =	vld.idx.msk [tilespmem:v11+s2+$0x0], $0xffff  }
0x4b: {  	v9 =	vor.u32 v4, v7;
	v15 =	vld.idx.msk [tilespmem:v15+s29+$0x0], $0xffff  }
0x4c: {  	v10 =	vor.u32 v6, v7;
	v16 =	vld.idx.msk [tilespmem:v16+s29+$0x0], $0xffff  }
0x4d: {  	v12 =	vor.u32 v2, v7;
	v18 =	vld.idx.msk [tilespmem:v18+s29+$0x0], $0xffff  }
0x4e: {  	s10 =	simm.s32 $0x2;
	v13 =	vor.u32 v1, v7;
	v20 =	vld.idx.msk [tilespmem:v20+s29+$0x0], $0xffff  }
0x4f: {  	v17 =	vadd.s32 s10, v0;
	v14 =	vor.u32 v5, v7;
	v8 =	vld.idx.msk [tilespmem:v8+s29+$0x0], $0xffff  }
0x50: {  	v17 =	vand.u32 $0x7F, v17;
	v7 =	vor.u32 v3, v7;
	v9 =	vld.idx.msk [tilespmem:v9+s29+$0x0], $0xffff  }
0x51: {  	v19 =	vor.u32 v2, v17;
	v10 =	vld.idx.msk [tilespmem:v10+s29+$0x0], $0xffff  }
0x52: {  	v21 =	vor.u32 v3, v17;
	v12 =	vld.idx.msk [tilespmem:v12+s2+$0x0], $0xffff  }
0x53: {  	v22 =	vor.u32 v5, v17;
	v13 =	vld.idx.msk [tilespmem:v13+s29+$0x0], $0xffff  }
0x54: {  	s31 =	simm.s32 $0x3;
	v24 =	vor.u32 v1, v17;
	v14 =	vld.idx.msk [tilespmem:v14+s29+$0x0], $0xffff  }
0x55: {  	v23 =	vadd.s32 s31, v0;
	v26 =	vor.u32 v4, v17;
	v17 =	vor.u32 v6, v17;
	v7 =	vld.idx.msk [tilespmem:v7+s29+$0x0], $0xffff  }
0x56: {  	v25 =	vimm.f32 $0.0e+00;
	v23 =	vand.u32 $0x7F, v23;
	v19 =	vld.idx.msk [tilespmem:v19+s2+$0x0], $0xffff  }
0x57: {  	v27 =	vor.u32 v2, v23;
	v28 =	vor.u32 v6, v23;
	v21 =	vld.idx.msk [tilespmem:v21+s29+$0x0], $0xffff;
	v16 =	vmul.f32 v16, v11  }
0x58: {  	v30 =	vor.u32 v5, v23;
	v22 =	vld.idx.msk [tilespmem:v22+s29+$0x0], $0xffff;
	v18 =	vmul.f32 v18, v11;
	v15 =	vmul.f32 v15, v11  }
0x59: {  	v31 =	vor.u32 v4, v23;
	s7 =	simm.s32 $0x4;
	v24 =	vld.idx.msk [tilespmem:v24+s29+$0x0], $0xffff;
	v20 =	vmul.f32 v20, v11;
	v8 =	vmul.f32 v8, v11  }
0x5a: {  	v17 =	vld.idx.msk [tilespmem:v17+s29+$0x0], $0xffff;
	v11 =	vadd.s32 s7, v0;
	v9 =	vmul.f32 v9, v12;
	v29 =	vmul.f32 v10, v12  }
0x5b: {  	s6 =	simm.s32 $0x5;
	v10 =	vor.u32 v3, v23;
	v13 =	vmul.f32 v13, v12;
	v14 =	vmul.f32 v14, v12  }
0x5c: {  	v23 =	vor.u32 v1, v23;
	v7 =	vmul.f32 v7, v12;
	v12 =	vld.idx.msk [tilespmem:v27+s2+$0x0], $0xffff;
	v27 =	vadd.s32 s6, v0  }
0x5d: {  	v30 =	vld.idx.msk [tilespmem:v30+s29+$0x0], $0xffff;
	v21 =	vmul.f32 v21, v19;
	v32 =	vand.u32 $0x7F, v11;
	v22 =	vmul.f32 v22, v19  }
0x5e: {  	v31 =	vld.idx.msk [tilespmem:v31+s29+$0x0], $0xffff;
	v24 =	vmul.f32 v24, v19;
	v16 =	vadd.f32 v16, v25;
	v39 =	vor.u32 v5, v32  }
0x5f: {  	s31 =	simm.s32 $0x7;
	v26 =	vld.idx.msk [tilespmem:v26+s29+$0x0], $0xffff;
	v58 =	vmul.f32 v17, v19;
	v27 =	vand.u32 $0x7F, v27;
	v36 =	vor.u32 v1, v32  }
0x60: {  	v17 =	vadd.s32 s31, v0;
	v34 =	vor.u32 v6, v27;
	v14 =	vadd.f32 v14, v16;
	v16 =	vld.idx.msk [tilespmem:v28+s29+$0x0], $0xffff  }
0x61: {  	v18 =	vadd.f32 v18, v25;
	v35 =	vor.u32 v2, v32;
	v33 =	vor.u32 v2, v27;
	v10 =	vld.idx.msk [tilespmem:v10+s29+$0x0], $0xffff  }
0x62: {  	v37 =	vor.u32 v3, v32;
	v38 =	vor.u32 v4, v32;
	v40 =	vor.u32 v1, v27;
	v23 =	vld.idx.msk [tilespmem:v23+s29+$0x0], $0xffff  }
0x63: {  	v20 =	vadd.f32 v20, v25;
	v41 =	vor.u32 v5, v27;
	v42 =	vmul.f32 v31, v12;
	v31 =	vld.idx.msk [tilespmem:v39+s29+$0x0], $0xffff  }
0x64: {  	v8 =	vadd.f32 v8, v25;
	v15 =	vadd.f32 v15, v25;
	v28 =	vor.u32 v4, v27;
	v36 =	vld.idx.msk [tilespmem:v36+s29+$0x0], $0xffff  }
0x65: {  	s10 =	simm.s32 $0x6;
	v18 =	vadd.f32 v13, v18;
	v27 =	vor.u32 v3, v27;
	v20 =	vadd.f32 v7, v20;
	v55 =	vld.idx.msk [tilespmem:v34+s29+$0x0], $0xffff  }
0x66: {  	v25 =	vadd.s32 s10, v0;
	v57 =	vadd.f32 v29, v15;
	v43 =	vadd.f32 v9, v8;
	v13 =	vld.idx.msk [tilespmem:v33+s2+$0x0], $0xffff  }
0x67: {  	v7 =	vadd.f32 v24, v18;
	v18 =	vand.u32 $0x7F, v25;
	v25 =	vmul.f32 v26, v19;
	v24 =	vld.idx.msk [tilespmem:v40+s29+$0x0], $0xffff  }
0x68: {  	v22 =	vadd.f32 v22, v14;
	v44 =	vmul.f32 v30, v12;
	v26 =	vor.u32 v2, v18;
	v29 =	vld.idx.msk [tilespmem:v41+s29+$0x0], $0xffff  }
0x69: {  	v20 =	vadd.f32 v21, v20;
	v59 =	vor.u32 v3, v18;
	v60 =	vor.u32 v5, v18;
	v28 =	vld.idx.msk [tilespmem:v28+s29+$0x0], $0xffff  }
0x6a: {  	v61 =	vor.u32 v1, v18;
	v11 =	vmul.f32 v16, v12;
	v16 =	vor.u32 v6, v32;
	v19 =	vld.idx.msk [tilespmem:v27+s29+$0x0], $0xffff  }
0x6b: {  	v14 =	vor.u32 v4, v18;
	v56 =	vmul.f32 v10, v12;
	v10 =	vld.idx.msk [tilespmem:v35+s2+$0x0], $0xffff;
	v15 =	vmul.f32 v23, v12  }
0x6c: {  	v21 =	vadd.f32 v44, v22;
	v62 =	vadd.f32 v25, v43;
	v12 =	vor.u32 v6, v18;
	v23 =	vld.idx.msk [tilespmem:v37+s29+$0x0], $0xffff  }
0x6d: {  	v35 =	vadd.f32 v58, v57;
	v8 =	vld.idx.msk [tilespmem:v26+s2+$0x0], $0xffff;
	v18 =	vadd.f32 v15, v7;
	v9 =	vmul.f32 v55, v13  }
0x6e: {  	v27 =	vld.idx.msk [tilespmem:v59+s29+$0x0], $0xffff;
	v15 =	vmul.f32 v24, v13;
	v7 =	vmul.f32 v28, v13;
	v28 =	vand.u32 $0x7F, v17  }
0x6f: {  	v20 =	vadd.f32 v56, v20;
	v16 =	vld.idx.msk [tilespmem:v16+s29+$0x0], $0xffff;
	v30 =	vor.u32 v2, v28;
	v17 =	vor.u32 v5, v28  }
0x70: {  	v25 =	vld.idx.msk [tilespmem:v60+s29+$0x0], $0xffff;
	v26 =	vor.u32 v3, v28;
	v32 =	vor.u32 v6, v28;
	v63 =	vmul.f32 v31, v10  }
0x71: {  	v24 =	vld.idx.msk [tilespmem:v38+s29+$0x0], $0xffff;
	v22 =	vor.u32 v1, v28;
	v31 =	vmul.f32 v29, v13;
	v29 =	vor.u32 v4, v28  }
0x72: {  	p0 =	por p1, p1;
	s10 =	simm.s32 $0x8;
	v34 =	vmul.f32 v36, v10;
	v28 =	vld.idx.msk [tilespmem:v61+s29+$0x0], $0xffff;
	v33 =	vadd.f32 v63, v21;
	v21 =	vadd.f32 v42, v62  }
.LBB2_4:
0x73: {  	s6 =	sadd.s32 $0x1, s10  }
0x74: {  	p1 =	slt.u32 s10, $0x7C;
	v16 =	vmul.f32 v16, v10;
	v19 =	vmul.f32 v19, v13;
	v30 =	vld.idx.msk [tilespmem:v30+s2+$0x0], $0xffff;
	v13 =	vadd.f32 v11, v35;
	s5 =	smov.u32 s10;
	s10 =	sadd.s32 $0x4, s10  }
0x75: {  	v11 =	vadd.s32 s6, v0;
	v18 =	vadd.f32 v34, v18;
	v31 =	vadd.f32 v31, v33;
	v32 =	vld.idx.msk [tilespmem:v32+s29+$0x0], $0xffff  }
0x76: {  	v33 =	vand.u32 $0x7F, v11;
	v11 =	vmul.f32 v23, v10;
	v10 =	vmul.f32 v24, v10;
	v23 =	vld.idx.msk [tilespmem:v26+s29+$0x0], $0xffff  }
0x77: {  	v24 =	vadd.s32 s5, v0;
	v27 =	vmul.f32 v27, v8;
	v26 =	vor.u32 v4, v33;
	v17 =	vld.idx.msk [tilespmem:v17+s29+$0x0], $0xffff  }
0x78: {  	v24 =	vand.u32 $0x7F, v24;
	v34 =	vor.u32 v2, v33;
	v35 =	vor.u32 v6, v33;
	v29 =	vld.idx.msk [tilespmem:v29+s29+$0x0], $0xffff  }
0x79: {  	v25 =	vmul.f32 v25, v8;
	v36 =	vor.u32 v2, v24;
	v37 =	vor.u32 v1, v24;
	v22 =	vld.idx.msk [tilespmem:v22+s29+$0x0], $0xffff  }
0x7a: {  	v38 =	vor.u32 v3, v24;
	v39 =	vor.u32 v4, v24;
	v28 =	vmul.f32 v28, v8;
	v14 =	vld.idx.msk [tilespmem:v14+s29+$0x0], $0xffff  }
0x7b: {  	v41 =	vor.u32 v1, v33;
	v40 =	vor.u32 v5, v24;
	v20 =	vadd.f32 v11, v20;
	v12 =	vld.idx.msk [tilespmem:v12+s29+$0x0], $0xffff  }
0x7c: {  	v42 =	vor.u32 v5, v33;
	v15 =	vadd.f32 v15, v18;
	v11 =	vmul.f32 v32, v30;
	v26 =	vld.idx.msk [tilespmem:v26+s29+$0x0], $0xffff  }
0x7d: {  	v18 =	vor.u32 v6, v24;
	v21 =	vadd.f32 v10, v21;
	v24 =	vld.idx.msk [tilespmem:v35+s29+$0x0], $0xffff;
	v35 =	vmul.f32 v23, v30  }
0x7e: {  	s6 =	sadd.s32 $0x2, s5;
	v16 =	vadd.f32 v16, v13;
	v23 =	vor.u32 v3, v33;
	v10 =	vld.idx.msk [tilespmem:v36+s2+$0x0], $0xffff;
	v36 =	vmul.f32 v29, v30  }
0x7f: {  	v20 =	vadd.f32 v19, v20;
	v15 =	vadd.f32 v28, v15;
	v29 =	vadd.s32 s6, v0;
	v13 =	vld.idx.msk [tilespmem:v34+s2+$0x0], $0xffff  }
0x80: {  	v33 =	vadd.f32 v9, v16;
	v29 =	vand.u32 $0x7F, v29;
	v34 =	vmul.f32 v14, v8;
	v28 =	vld.idx.msk [tilespmem:v41+s29+$0x0], $0xffff  }
0x81: {  	v25 =	vadd.f32 v25, v31;
	v32 =	vor.u32 v2, v29;
	v41 =	vld.idx.msk [tilespmem:v42+s29+$0x0], $0xffff;
	v42 =	vmul.f32 v12, v8  }
0x82: {  	v43 =	vor.u32 v3, v29;
	v44 =	vor.u32 v5, v29;
	v8 =	vmul.f32 v22, v30;
	v16 =	vld.idx.msk [tilespmem:v18+s29+$0x0], $0xffff  }
0x83: {  	v21 =	vadd.f32 v7, v21;
	v31 =	vmul.f32 v17, v30;
	v22 =	vld.idx.msk [tilespmem:v40+s29+$0x0], $0xffff;
	v40 =	vor.u32 v1, v29  }
0x84: {  	s5 =	sadd.s32 $0x3, s5;
	v14 =	vor.u32 v4, v29;
	v12 =	vor.u32 v6, v29;
	v18 =	vadd.f32 v8, v15;
	v19 =	vld.idx.msk [tilespmem:v23+s29+$0x0], $0xffff  }
0x85: {  	v17 =	vadd.s32 s5, v0;
	v7 =	vmul.f32 v26, v13;
	v9 =	vmul.f32 v24, v13;
	v37 =	vld.idx.msk [tilespmem:v37+s29+$0x0], $0xffff  }
0x86: {  	v20 =	vadd.f32 v27, v20;
	v15 =	vmul.f32 v28, v13;
	v28 =	vand.u32 $0x7F, v17;
	v8 =	vld.idx.msk [tilespmem:v32+s2+$0x0], $0xffff  }
.Ltmp2:
0x87: {  	v30 =	vor.u32 v2, v28;
	v17 =	vor.u32 v5, v28;
	v23 =	vld.idx.msk [tilespmem:v38+s29+$0x0], $0xffff;
	v38 =	vadd.f32 v31, v25;
	(pc) =	sbr.rel @p1 .LBB2_4-.Ltmp2, $4  }
0x88: {  	v21 =	vadd.f32 v34, v21;
	v26 =	vor.u32 v3, v28;
	v32 =	vor.u32 v6, v28;
	v24 =	vld.idx.msk [tilespmem:v39+s29+$0x0], $0xffff  }
0x89: {  	v20 =	vadd.f32 v35, v20;
	v31 =	vmul.f32 v41, v13;
	v39 =	vmul.f32 v22, v10;
	v27 =	vld.idx.msk [tilespmem:v43+s29+$0x0], $0xffff  }
0x8a: {  	v35 =	vadd.f32 v42, v33;
	v29 =	vor.u32 v4, v28;
	v22 =	vor.u32 v1, v28;
	v25 =	vld.idx.msk [tilespmem:v44+s29+$0x0], $0xffff  }
0x8b: {  	v21 =	vadd.f32 v36, v21;
	v34 =	vmul.f32 v37, v10;
	v33 =	vadd.f32 v39, v38;
	v28 =	vld.idx.msk [tilespmem:v40+s29+$0x0], $0xffff  }
0x8c: {  	_ =	sdelay $0x3  }
0x8d: {  	v30 =	vld.idx.msk [tilespmem:v30+s2+$0x0], $0xffff  }
0x8e: {  	v32 =	vld.idx.msk [tilespmem:v32+s29+$0x0], $0xffff;
	v16 =	vmul.f32 v16, v10  }
0x8f: {  	v26 =	vld.idx.msk [tilespmem:v26+s29+$0x0], $0xffff;
	v13 =	vmul.f32 v19, v13;
	v11 =	vadd.f32 v11, v35;
	v44 =	vmul.f32 v23, v10  }
0x90: {  	v45 =	vld.idx.msk [tilespmem:v29+s29+$0x0], $0xffff;
	s31 =	sshll.u32 s28, $0x4;
	v18 =	vadd.f32 v34, v18;
	v46 =	vmul.f32 v24, v10;
	v48 =	vadd.f32 v31, v33  }
0x91: {  	v14 =	vld.idx.msk [tilespmem:v14+s29+$0x0], $0xffff;
	s2 =	sor.u32 s26, s31;
	v47 =	vmul.f32 v27, v8;
	v19 =	vadd.f32 v44, v20;
	v11 =	vadd.f32 v16, v11  }
0x92: {  	v50 =	vld.idx.msk [tilespmem:v22+s29+$0x0], $0xffff;
	v53 =	vmov s2;
	v54 =	vor.u32 s2, v0;
	v25 =	vmul.f32 v25, v8  }
0x93: {  	v15 =	vadd.f32 v15, v18;
	v10 =	vadd.f32 v46, v21;
	v55 =	vand.u32 $0x1F, v54  }
0x94: {  	v12 =	vld.idx.msk [tilespmem:v12+s29+$0x0], $0xffff;
	v28 =	vmul.f32 v28, v8;
	v13 =	vadd.f32 v13, v19;
	v19 =	vshll.u32 v53, $0x3  }
0x95: {  	v9 =	vadd.f32 v9, v11;
	v49 =	vmul.f32 v32, v30;
	v51 =	vmul.f32 v26, v30  }
0x96: {  	v17 =	vld.idx.msk [tilespmem:v17+s29+$0x0], $0xffff;
	v52 =	vmul.f32 v45, v30;
	v19 =	vand.u32 $0xC00, v19;
	v14 =	vmul.f32 v14, v8  }
0x97: {  	v56 =	vadd.f32 v25, v48;
	v57 =	vmul.f32 v50, v30;
	v11 =	vor.u32 v55, v19  }
0x98: {  	v7 =	vadd.f32 v7, v10;
	v15 =	vadd.f32 v28, v15;
	v58 =	vor.u32 $0x80, v11  }
0x99: {  	v8 =	vmul.f32 v12, v8;
	v59 =	vadd.f32 v47, v13;
	v60 =	vor.u32 $0x100, v11  }
0x9a: {  	v7 =	vadd.f32 v14, v7;
	v61 =	vor.u32 $0x180, v11;
	v15 =	vadd.f32 v57, v15  }
0x9b: {  	v17 =	vmul.f32 v17, v30;
	v62 =	vor.u32 $0x200, v11;
	v12 =	vadd.f32 v51, v59  }
.Ltmp3:
0x9c: {  	v8 =	vadd.f32 v8, v9;
	v7 =	vadd.f32 v52, v7;
	[tilespmem:v11+s16+$0x0] =	vst.idx.msk $0xffff, v15;
	(pc) =	sbr.rel @p0 .LBB2_3-.Ltmp3, $4  }
0x9d: {  	v63 =	vadd.f32 v17, v56;
	[tilespmem:v58+s16+$0x0] =	vst.idx.msk $0xffff, v12  }
0x9e: {  	v8 =	vadd.f32 v49, v8;
	[tilespmem:v60+s16+$0x0] =	vst.idx.msk $0xffff, v7  }
0x9f: {  	[tilespmem:v61+s16+$0x0] =	vst.idx.msk $0xffff, v63  }
0xa0: {  	s28 =	simm.s32 $0x1;
	p1 =	por $0x0, $0x0;
	[tilespmem:v62+s16+$0x0] =	vst.idx.msk $0xffff, v8  }
0xa1: {  	s25 =	sshll.u32 s24, $0x2;
	p0 =	seq.s32 s24, $0x3  }
0xa2: {  	s2 =	sadd.s32 @!p0 $0x4, s25  }
0xa3: {  	s6 =	simm.s32 @!p0 $0x20;
	s5 =	sshll.u32 @!p0 s2, $0x5  }
0xa4: {  	s10 =	simm.s32 @!p0 $0xC00;
	s2 =	smul.u32 @!p0 $0x280, s2;
	s5 =	sand.u32 @!p0 $0x3FFFFFE0, s5  }
0xa5: {  	[tilespmem:s10], [sflag:$0x1] =	stream.indirect.gather @!p0 [hbm4b:s1+s6], $0x80, s5, s6, $0xb8;
	[tilespmem:$0x19C00] =	vst v63  }
0xa6: {  	s2 =	sshra.s32 @!p0 s2, $0x2  }
0xa7: {  	s6 =	simm.s32 @!p0 $0x50;
	s10 =	simm.s32 @!p0 $0x4C00;
	s5 =	sadd.s32 @!p0 $0x200, s2  }
0xa8: {  	[tilespmem:s10], [sflag:$0x5] =	stream.indirect.gather @!p0 [hbm4b:s3+s6], $0x80, s5, s6, $0xb8;
	[tilespmem:$0x19C00] =	vst v63  }
0xa9: {  	s2 =	sadd.s32 @!p0 $0x250, s2;
	s5 =	simm.s32 @!p0 $0x7400  }
0xaa: {  	[tilespmem:s5], [sflag:$0x5] =	stream.indirect.gather @!p0 [hbm4b:s3+s6], $0x80, s2, s6, $0xb8;
	[tilespmem:$0x19C00] =	vst v63  }
0xab: {  	_ =	swait.ge [sflag:s17], $0x1000  }
0xac: {  	[sflag:s17] =	ssyncset.done $0x0  }
0xad: {  	[sflag:s17] =	ssyncadd.s32 $0xFFFFF000  }
0xae: {  	_ =	swait.ge [sflag:s18], $0x2800  }
0xaf: {  	[sflag:s18] =	ssyncset.done $0x0  }
0xb0: {  	[sflag:s18] =	ssyncadd.s32 $0xFFFFD800  }
0xb1: {  	_ =	swait.ge [sflag:s18], $0x2800  }
0xb2: {  	s28 =	sor.u32 $0x20, s26;
	s29 =	simm.s32 $0x0;
	[sflag:s18] =	ssyncset.done $0x0  }
0xb3: {  	p2 =	por $0x1, $0x1;
	s31 =	simm.s32 $0x0;
	[sflag:s18] =	ssyncadd.s32 $0xFFFFD800  }
.LBB2_7:
0xb4: {  	v8 =	vadd.s32 s29, v0  }
0xb5: {  	v8 =	vand.u32 $0x7F, v8  }
0xb6: {  	s5 =	smul.u32 $0xA000, s31;
	v11 =	vor.u32 v2, v8  }
0xb7: {  	s2 =	simm.s32 $0x1;
	v15 =	vor.u32 v6, v8  }
0xb8: {  	v7 =	vadd.s32 s2, v0;
	s2 =	sshra.s32 s5, $0x2;
	s5 =	sshll.u32 s31, $0xB;
	v16 =	vor.u32 v5, v8  }
0xb9: {  	v18 =	vor.u32 v1, v8;
	s5 =	sand.u32 $0x3FFFF800, s5  }
0xba: {  	v20 =	vor.u32 v3, v8;
	s10 =	sadd.s32 $0x1C00, s5  }
0xbb: {  	v7 =	vand.u32 $0x7F, v7;
	v8 =	vor.u32 v4, v8;
	s2 =	sadd.s32 $0x9C00, s2;
	v11 =	vld.idx.msk [tilespmem:v11+s10+$0x0], $0xffff  }
0xbc: {  	v9 =	vor.u32 v4, v7;
	v15 =	vld.idx.msk [tilespmem:v15+s2+$0x0], $0xffff  }
0xbd: {  	v10 =	vor.u32 v6, v7;
	v16 =	vld.idx.msk [tilespmem:v16+s2+$0x0], $0xffff  }
0xbe: {  	v12 =	vor.u32 v2, v7;
	v18 =	vld.idx.msk [tilespmem:v18+s2+$0x0], $0xffff  }
0xbf: {  	s6 =	simm.s32 $0x2;
	v13 =	vor.u32 v1, v7;
	v20 =	vld.idx.msk [tilespmem:v20+s2+$0x0], $0xffff  }
0xc0: {  	v17 =	vadd.s32 s6, v0;
	v14 =	vor.u32 v5, v7;
	v8 =	vld.idx.msk [tilespmem:v8+s2+$0x0], $0xffff  }
0xc1: {  	v17 =	vand.u32 $0x7F, v17;
	v7 =	vor.u32 v3, v7;
	v9 =	vld.idx.msk [tilespmem:v9+s2+$0x0], $0xffff  }
0xc2: {  	v19 =	vor.u32 v2, v17;
	v10 =	vld.idx.msk [tilespmem:v10+s2+$0x0], $0xffff  }
0xc3: {  	v21 =	vor.u32 v3, v17;
	v12 =	vld.idx.msk [tilespmem:v12+s10+$0x0], $0xffff  }
0xc4: {  	v22 =	vor.u32 v5, v17;
	v13 =	vld.idx.msk [tilespmem:v13+s2+$0x0], $0xffff  }
0xc5: {  	s7 =	simm.s32 $0x3;
	v24 =	vor.u32 v1, v17;
	v14 =	vld.idx.msk [tilespmem:v14+s2+$0x0], $0xffff  }
0xc6: {  	v23 =	vadd.s32 s7, v0;
	v26 =	vor.u32 v4, v17;
	v17 =	vor.u32 v6, v17;
	v7 =	vld.idx.msk [tilespmem:v7+s2+$0x0], $0xffff  }
0xc7: {  	v25 =	vimm.f32 $0.0e+00;
	v23 =	vand.u32 $0x7F, v23;
	v19 =	vld.idx.msk [tilespmem:v19+s10+$0x0], $0xffff  }
0xc8: {  	v27 =	vor.u32 v2, v23;
	v28 =	vor.u32 v6, v23;
	v21 =	vld.idx.msk [tilespmem:v21+s2+$0x0], $0xffff;
	v16 =	vmul.f32 v16, v11  }
0xc9: {  	v30 =	vor.u32 v5, v23;
	v22 =	vld.idx.msk [tilespmem:v22+s2+$0x0], $0xffff;
	v18 =	vmul.f32 v18, v11;
	v15 =	vmul.f32 v15, v11  }
0xca: {  	s7 =	simm.s32 $0x4;
	v31 =	vor.u32 v4, v23;
	v24 =	vld.idx.msk [tilespmem:v24+s2+$0x0], $0xffff;
	v20 =	vmul.f32 v20, v11;
	v8 =	vmul.f32 v8, v11  }
0xcb: {  	v17 =	vld.idx.msk [tilespmem:v17+s2+$0x0], $0xffff;
	v11 =	vadd.s32 s7, v0;
	v9 =	vmul.f32 v9, v12;
	v29 =	vmul.f32 v10, v12  }
0xcc: {  	s6 =	simm.s32 $0x5;
	v10 =	vor.u32 v3, v23;
	v13 =	vmul.f32 v13, v12;
	v14 =	vmul.f32 v14, v12  }
0xcd: {  	v23 =	vor.u32 v1, v23;
	v7 =	vmul.f32 v7, v12;
	v12 =	vld.idx.msk [tilespmem:v27+s10+$0x0], $0xffff;
	v27 =	vadd.s32 s6, v0  }
0xce: {  	v30 =	vld.idx.msk [tilespmem:v30+s2+$0x0], $0xffff;
	v21 =	vmul.f32 v21, v19;
	v32 =	vand.u32 $0x7F, v11;
	v22 =	vmul.f32 v22, v19  }
0xcf: {  	v31 =	vld.idx.msk [tilespmem:v31+s2+$0x0], $0xffff;
	v24 =	vmul.f32 v24, v19;
	v16 =	vadd.f32 v16, v25;
	v39 =	vor.u32 v5, v32  }
0xd0: {  	v26 =	vld.idx.msk [tilespmem:v26+s2+$0x0], $0xffff;
	s7 =	simm.s32 $0x7;
	v58 =	vmul.f32 v17, v19;
	v27 =	vand.u32 $0x7F, v27;
	v36 =	vor.u32 v1, v32  }
0xd1: {  	v17 =	vadd.s32 s7, v0;
	v34 =	vor.u32 v6, v27;
	v14 =	vadd.f32 v14, v16;
	v16 =	vld.idx.msk [tilespmem:v28+s2+$0x0], $0xffff  }
0xd2: {  	v18 =	vadd.f32 v18, v25;
	v35 =	vor.u32 v2, v32;
	v33 =	vor.u32 v2, v27;
	v10 =	vld.idx.msk [tilespmem:v10+s2+$0x0], $0xffff  }
0xd3: {  	v37 =	vor.u32 v3, v32;
	v38 =	vor.u32 v4, v32;
	v40 =	vor.u32 v1, v27;
	v23 =	vld.idx.msk [tilespmem:v23+s2+$0x0], $0xffff  }
0xd4: {  	v20 =	vadd.f32 v20, v25;
	v41 =	vor.u32 v5, v27;
	v42 =	vmul.f32 v31, v12;
	v31 =	vld.idx.msk [tilespmem:v39+s2+$0x0], $0xffff  }
0xd5: {  	v8 =	vadd.f32 v8, v25;
	v15 =	vadd.f32 v15, v25;
	v28 =	vor.u32 v4, v27;
	v36 =	vld.idx.msk [tilespmem:v36+s2+$0x0], $0xffff  }
0xd6: {  	s6 =	simm.s32 $0x6;
	v18 =	vadd.f32 v13, v18;
	v27 =	vor.u32 v3, v27;
	v20 =	vadd.f32 v7, v20;
	v55 =	vld.idx.msk [tilespmem:v34+s2+$0x0], $0xffff  }
0xd7: {  	v25 =	vadd.s32 s6, v0;
	v57 =	vadd.f32 v29, v15;
	v43 =	vadd.f32 v9, v8;
	v13 =	vld.idx.msk [tilespmem:v33+s10+$0x0], $0xffff  }
0xd8: {  	v7 =	vadd.f32 v24, v18;
	v18 =	vand.u32 $0x7F, v25;
	v25 =	vmul.f32 v26, v19;
	v24 =	vld.idx.msk [tilespmem:v40+s2+$0x0], $0xffff  }
0xd9: {  	v22 =	vadd.f32 v22, v14;
	v44 =	vmul.f32 v30, v12;
	v26 =	vor.u32 v2, v18;
	v29 =	vld.idx.msk [tilespmem:v41+s2+$0x0], $0xffff  }
0xda: {  	v20 =	vadd.f32 v21, v20;
	v59 =	vor.u32 v3, v18;
	v60 =	vor.u32 v5, v18;
	v28 =	vld.idx.msk [tilespmem:v28+s2+$0x0], $0xffff  }
0xdb: {  	v61 =	vor.u32 v1, v18;
	v11 =	vmul.f32 v16, v12;
	v16 =	vor.u32 v6, v32;
	v19 =	vld.idx.msk [tilespmem:v27+s2+$0x0], $0xffff  }
0xdc: {  	v14 =	vor.u32 v4, v18;
	v56 =	vmul.f32 v10, v12;
	v10 =	vld.idx.msk [tilespmem:v35+s10+$0x0], $0xffff;
	v15 =	vmul.f32 v23, v12  }
0xdd: {  	v21 =	vadd.f32 v44, v22;
	v62 =	vadd.f32 v25, v43;
	v12 =	vor.u32 v6, v18;
	v23 =	vld.idx.msk [tilespmem:v37+s2+$0x0], $0xffff  }
0xde: {  	v35 =	vadd.f32 v58, v57;
	v8 =	vld.idx.msk [tilespmem:v26+s10+$0x0], $0xffff;
	v18 =	vadd.f32 v15, v7;
	v9 =	vmul.f32 v55, v13  }
0xdf: {  	v27 =	vld.idx.msk [tilespmem:v59+s2+$0x0], $0xffff;
	v15 =	vmul.f32 v24, v13;
	v7 =	vmul.f32 v28, v13;
	v28 =	vand.u32 $0x7F, v17  }
0xe0: {  	v20 =	vadd.f32 v56, v20;
	v16 =	vld.idx.msk [tilespmem:v16+s2+$0x0], $0xffff;
	v30 =	vor.u32 v2, v28;
	v17 =	vor.u32 v5, v28  }
0xe1: {  	v25 =	vld.idx.msk [tilespmem:v60+s2+$0x0], $0xffff;
	v26 =	vor.u32 v3, v28;
	v32 =	vor.u32 v6, v28;
	v63 =	vmul.f32 v31, v10  }
0xe2: {  	v24 =	vld.idx.msk [tilespmem:v38+s2+$0x0], $0xffff;
	v22 =	vor.u32 v1, v28;
	v31 =	vmul.f32 v29, v13;
	v29 =	vor.u32 v4, v28  }
0xe3: {  	p1 =	por p2, p2;
	s5 =	simm.s32 $0x8;
	v34 =	vmul.f32 v36, v10;
	v28 =	vld.idx.msk [tilespmem:v61+s2+$0x0], $0xffff;
	v33 =	vadd.f32 v63, v21;
	v21 =	vadd.f32 v42, v62  }
.LBB2_8:
0xe4: {  	s7 =	sadd.s32 $0x1, s5  }
0xe5: {  	p2 =	slt.u32 s5, $0x7C;
	v16 =	vmul.f32 v16, v10;
	v19 =	vmul.f32 v19, v13;
	v30 =	vld.idx.msk [tilespmem:v30+s10+$0x0], $0xffff;
	v13 =	vadd.f32 v11, v35;
	s6 =	smov.u32 s5;
	s5 =	sadd.s32 $0x4, s5  }
0xe6: {  	v11 =	vadd.s32 s7, v0;
	v18 =	vadd.f32 v34, v18;
	v31 =	vadd.f32 v31, v33;
	v32 =	vld.idx.msk [tilespmem:v32+s2+$0x0], $0xffff  }
0xe7: {  	v33 =	vand.u32 $0x7F, v11;
	v11 =	vmul.f32 v23, v10;
	v10 =	vmul.f32 v24, v10;
	v23 =	vld.idx.msk [tilespmem:v26+s2+$0x0], $0xffff  }
0xe8: {  	v24 =	vadd.s32 s6, v0;
	v27 =	vmul.f32 v27, v8;
	v26 =	vor.u32 v4, v33;
	v17 =	vld.idx.msk [tilespmem:v17+s2+$0x0], $0xffff  }
0xe9: {  	v24 =	vand.u32 $0x7F, v24;
	v34 =	vor.u32 v2, v33;
	v35 =	vor.u32 v6, v33;
	v29 =	vld.idx.msk [tilespmem:v29+s2+$0x0], $0xffff  }
0xea: {  	v25 =	vmul.f32 v25, v8;
	v36 =	vor.u32 v2, v24;
	v37 =	vor.u32 v1, v24;
	v22 =	vld.idx.msk [tilespmem:v22+s2+$0x0], $0xffff  }
0xeb: {  	v38 =	vor.u32 v3, v24;
	v39 =	vor.u32 v4, v24;
	v28 =	vmul.f32 v28, v8;
	v14 =	vld.idx.msk [tilespmem:v14+s2+$0x0], $0xffff  }
0xec: {  	v41 =	vor.u32 v1, v33;
	v40 =	vor.u32 v5, v24;
	v20 =	vadd.f32 v11, v20;
	v12 =	vld.idx.msk [tilespmem:v12+s2+$0x0], $0xffff  }
0xed: {  	v42 =	vor.u32 v5, v33;
	v15 =	vadd.f32 v15, v18;
	v11 =	vmul.f32 v32, v30;
	v26 =	vld.idx.msk [tilespmem:v26+s2+$0x0], $0xffff  }
0xee: {  	v18 =	vor.u32 v6, v24;
	v21 =	vadd.f32 v10, v21;
	v24 =	vld.idx.msk [tilespmem:v35+s2+$0x0], $0xffff;
	v35 =	vmul.f32 v23, v30  }
0xef: {  	s7 =	sadd.s32 $0x2, s6;
	v16 =	vadd.f32 v16, v13;
	v23 =	vor.u32 v3, v33;
	v10 =	vld.idx.msk [tilespmem:v36+s10+$0x0], $0xffff;
	v36 =	vmul.f32 v29, v30  }
0xf0: {  	v20 =	vadd.f32 v19, v20;
	v15 =	vadd.f32 v28, v15;
	v29 =	vadd.s32 s7, v0;
	v13 =	vld.idx.msk [tilespmem:v34+s10+$0x0], $0xffff  }
0xf1: {  	v33 =	vadd.f32 v9, v16;
	v29 =	vand.u32 $0x7F, v29;
	v34 =	vmul.f32 v14, v8;
	v28 =	vld.idx.msk [tilespmem:v41+s2+$0x0], $0xffff  }
0xf2: {  	v25 =	vadd.f32 v25, v31;
	v32 =	vor.u32 v2, v29;
	v41 =	vld.idx.msk [tilespmem:v42+s2+$0x0], $0xffff;
	v42 =	vmul.f32 v12, v8  }
0xf3: {  	v43 =	vor.u32 v3, v29;
	v44 =	vor.u32 v5, v29;
	v8 =	vmul.f32 v22, v30;
	v16 =	vld.idx.msk [tilespmem:v18+s2+$0x0], $0xffff  }
0xf4: {  	v21 =	vadd.f32 v7, v21;
	v31 =	vmul.f32 v17, v30;
	v22 =	vld.idx.msk [tilespmem:v40+s2+$0x0], $0xffff;
	v40 =	vor.u32 v1, v29  }
0xf5: {  	s6 =	sadd.s32 $0x3, s6;
	v14 =	vor.u32 v4, v29;
	v12 =	vor.u32 v6, v29;
	v18 =	vadd.f32 v8, v15;
	v19 =	vld.idx.msk [tilespmem:v23+s2+$0x0], $0xffff  }
0xf6: {  	v17 =	vadd.s32 s6, v0;
	v7 =	vmul.f32 v26, v13;
	v9 =	vmul.f32 v24, v13;
	v37 =	vld.idx.msk [tilespmem:v37+s2+$0x0], $0xffff  }
0xf7: {  	v20 =	vadd.f32 v27, v20;
	v15 =	vmul.f32 v28, v13;
	v28 =	vand.u32 $0x7F, v17;
	v8 =	vld.idx.msk [tilespmem:v32+s10+$0x0], $0xffff  }
.Ltmp4:
0xf8: {  	v30 =	vor.u32 v2, v28;
	v17 =	vor.u32 v5, v28;
	v23 =	vld.idx.msk [tilespmem:v38+s2+$0x0], $0xffff;
	v38 =	vadd.f32 v31, v25;
	(pc) =	sbr.rel @p2 .LBB2_8-.Ltmp4, $4  }
0xf9: {  	v21 =	vadd.f32 v34, v21;
	v26 =	vor.u32 v3, v28;
	v32 =	vor.u32 v6, v28;
	v24 =	vld.idx.msk [tilespmem:v39+s2+$0x0], $0xffff  }
0xfa: {  	v20 =	vadd.f32 v35, v20;
	v31 =	vmul.f32 v41, v13;
	v39 =	vmul.f32 v22, v10;
	v27 =	vld.idx.msk [tilespmem:v43+s2+$0x0], $0xffff  }
0xfb: {  	v35 =	vadd.f32 v42, v33;
	v29 =	vor.u32 v4, v28;
	v22 =	vor.u32 v1, v28;
	v25 =	vld.idx.msk [tilespmem:v44+s2+$0x0], $0xffff  }
0xfc: {  	v21 =	vadd.f32 v36, v21;
	v34 =	vmul.f32 v37, v10;
	v33 =	vadd.f32 v39, v38;
	v28 =	vld.idx.msk [tilespmem:v40+s2+$0x0], $0xffff  }
0xfd: {  	_ =	sdelay $0x3  }
0xfe: {  	v30 =	vld.idx.msk [tilespmem:v30+s10+$0x0], $0xffff  }
0xff: {  	v32 =	vld.idx.msk [tilespmem:v32+s2+$0x0], $0xffff;
	v16 =	vmul.f32 v16, v10  }
0x100: {  	v26 =	vld.idx.msk [tilespmem:v26+s2+$0x0], $0xffff;
	v13 =	vmul.f32 v19, v13;
	v11 =	vadd.f32 v11, v35;
	v44 =	vmul.f32 v23, v10  }
0x101: {  	v45 =	vld.idx.msk [tilespmem:v29+s2+$0x0], $0xffff;
	s5 =	sshll.u32 s31, $0x4;
	v18 =	vadd.f32 v34, v18;
	v46 =	vmul.f32 v24, v10;
	v48 =	vadd.f32 v31, v33  }
0x102: {  	v14 =	vld.idx.msk [tilespmem:v14+s2+$0x0], $0xffff;
	s5 =	sor.u32 s28, s5;
	v47 =	vmul.f32 v27, v8;
	v19 =	vadd.f32 v44, v20;
	v11 =	vadd.f32 v16, v11  }
0x103: {  	v50 =	vld.idx.msk [tilespmem:v22+s2+$0x0], $0xffff;
	v53 =	vmov s5;
	v54 =	vor.u32 s5, v0;
	v25 =	vmul.f32 v25, v8  }
0x104: {  	v15 =	vadd.f32 v15, v18;
	v10 =	vadd.f32 v46, v21;
	v55 =	vand.u32 $0x7F, v54  }
0x105: {  	v12 =	vld.idx.msk [tilespmem:v12+s2+$0x0], $0xffff;
	v28 =	vmul.f32 v28, v8;
	v13 =	vadd.f32 v13, v19;
	v19 =	vshll.u32 v53, $0x3  }
0x106: {  	v9 =	vadd.f32 v9, v11;
	v49 =	vmul.f32 v32, v30;
	v51 =	vmul.f32 v26, v30  }
0x107: {  	v17 =	vld.idx.msk [tilespmem:v17+s2+$0x0], $0xffff;
	v52 =	vmul.f32 v45, v30;
	v19 =	vand.u32 $0x7FFFFC00, v19;
	v14 =	vmul.f32 v14, v8  }
0x108: {  	v56 =	vadd.f32 v25, v48;
	v57 =	vmul.f32 v50, v30;
	v11 =	vor.u32 v55, v19  }
0x109: {  	v7 =	vadd.f32 v7, v10;
	v15 =	vadd.f32 v28, v15;
	v58 =	vor.u32 $0x80, v11  }
0x10a: {  	v8 =	vmul.f32 v12, v8;
	v59 =	vadd.f32 v47, v13;
	v60 =	vor.u32 $0x100, v11  }
0x10b: {  	v7 =	vadd.f32 v14, v7;
	v61 =	vor.u32 $0x180, v11;
	v15 =	vadd.f32 v57, v15  }
0x10c: {  	v17 =	vmul.f32 v17, v30;
	v62 =	vor.u32 $0x200, v11;
	v12 =	vadd.f32 v51, v59  }
.Ltmp5:
0x10d: {  	v8 =	vadd.f32 v8, v9;
	v7 =	vadd.f32 v52, v7;
	[tilespmem:v11+s16+$0x0] =	vst.idx.msk $0xffff, v15;
	(pc) =	sbr.rel @p1 .LBB2_7-.Ltmp5, $4  }
0x10e: {  	v63 =	vadd.f32 v17, v56;
	[tilespmem:v58+s16+$0x0] =	vst.idx.msk $0xffff, v12  }
0x10f: {  	v8 =	vadd.f32 v49, v8;
	[tilespmem:v60+s16+$0x0] =	vst.idx.msk $0xffff, v7  }
0x110: {  	[tilespmem:v61+s16+$0x0] =	vst.idx.msk $0xffff, v63  }
0x111: {  	s31 =	simm.s32 $0x1;
	p2 =	por $0x0, $0x0;
	[tilespmem:v62+s16+$0x0] =	vst.idx.msk $0xffff, v8  }
0x112: {  	s2 =	sadd.s32 @!p0 $0x5, s25  }
0x113: {  	s6 =	simm.s32 @!p0 $0x20;
	s5 =	sshll.u32 @!p0 s2, $0x5  }
0x114: {  	s7 =	simm.s32 @!p0 $0x1C00;
	s2 =	smul.u32 @!p0 $0x280, s2;
	s5 =	sand.u32 @!p0 $0x3FFFFFE0, s5  }
0x115: {  	[tilespmem:s7], [sflag:$0x2] =	stream.indirect.gather @!p0 [hbm4b:s1+s6], $0x80, s5, s6, $0xb8;
	[tilespmem:$0x19C00] =	vst v63  }
0x116: {  	s2 =	sshra.s32 @!p0 s2, $0x2  }
0x117: {  	s6 =	simm.s32 @!p0 $0x50;
	s7 =	simm.s32 @!p0 $0x9C00;
	s5 =	sadd.s32 @!p0 $0x200, s2  }
0x118: {  	[tilespmem:s7], [sflag:$0x6] =	stream.indirect.gather @!p0 [hbm4b:s3+s6], $0x80, s5, s6, $0xb8;
	[tilespmem:$0x19C00] =	vst v63  }
0x119: {  	s2 =	sadd.s32 @!p0 $0x250, s2;
	s5 =	simm.s32 @!p0 $0xC400  }
0x11a: {  	[tilespmem:s5], [sflag:$0x6] =	stream.indirect.gather @!p0 [hbm4b:s3+s6], $0x80, s2, s6, $0xb8;
	[tilespmem:$0x19C00] =	vst v63  }
0x11b: {  	_ =	swait.ge [sflag:s19], $0x1000  }
0x11c: {  	[sflag:s19] =	ssyncset.done $0x0  }
0x11d: {  	[sflag:s19] =	ssyncadd.s32 $0xFFFFF000  }
0x11e: {  	_ =	swait.ge [sflag:s20], $0x2800  }
0x11f: {  	[sflag:s20] =	ssyncset.done $0x0  }
0x120: {  	[sflag:s20] =	ssyncadd.s32 $0xFFFFD800  }
0x121: {  	_ =	swait.ge [sflag:s20], $0x2800  }
0x122: {  	s28 =	sor.u32 $0x40, s26;
	s29 =	simm.s32 $0x0;
	[sflag:s20] =	ssyncset.done $0x0  }
0x123: {  	p2 =	por $0x1, $0x1;
	s31 =	simm.s32 $0x0;
	[sflag:s20] =	ssyncadd.s32 $0xFFFFD800  }
.LBB2_11:
0x124: {  	v8 =	vadd.s32 s29, v0  }
0x125: {  	v8 =	vand.u32 $0x7F, v8  }
0x126: {  	s5 =	smul.u32 $0xA000, s31;
	v11 =	vor.u32 v2, v8  }
0x127: {  	s2 =	simm.s32 $0x1;
	v15 =	vor.u32 v6, v8  }
0x128: {  	v7 =	vadd.s32 s2, v0;
	s2 =	sshra.s32 s5, $0x2;
	s5 =	sshll.u32 s31, $0xB;
	v16 =	vor.u32 v5, v8  }
0x129: {  	v18 =	vor.u32 v1, v8;
	s5 =	sand.u32 $0x3FFFF800, s5  }
0x12a: {  	v20 =	vor.u32 v3, v8;
	s10 =	sadd.s32 $0x2C00, s5  }
0x12b: {  	v7 =	vand.u32 $0x7F, v7;
	v8 =	vor.u32 v4, v8;
	s2 =	sadd.s32 $0xEC00, s2;
	v11 =	vld.idx.msk [tilespmem:v11+s10+$0x0], $0xffff  }
0x12c: {  	v9 =	vor.u32 v4, v7;
	v15 =	vld.idx.msk [tilespmem:v15+s2+$0x0], $0xffff  }
0x12d: {  	v10 =	vor.u32 v6, v7;
	v16 =	vld.idx.msk [tilespmem:v16+s2+$0x0], $0xffff  }
0x12e: {  	v12 =	vor.u32 v2, v7;
	v18 =	vld.idx.msk [tilespmem:v18+s2+$0x0], $0xffff  }
0x12f: {  	s6 =	simm.s32 $0x2;
	v13 =	vor.u32 v1, v7;
	v20 =	vld.idx.msk [tilespmem:v20+s2+$0x0], $0xffff  }
0x130: {  	v17 =	vadd.s32 s6, v0;
	v14 =	vor.u32 v5, v7;
	v8 =	vld.idx.msk [tilespmem:v8+s2+$0x0], $0xffff  }
0x131: {  	v17 =	vand.u32 $0x7F, v17;
	v7 =	vor.u32 v3, v7;
	v9 =	vld.idx.msk [tilespmem:v9+s2+$0x0], $0xffff  }
0x132: {  	v19 =	vor.u32 v2, v17;
	v10 =	vld.idx.msk [tilespmem:v10+s2+$0x0], $0xffff  }
0x133: {  	v21 =	vor.u32 v3, v17;
	v12 =	vld.idx.msk [tilespmem:v12+s10+$0x0], $0xffff  }
0x134: {  	v22 =	vor.u32 v5, v17;
	v13 =	vld.idx.msk [tilespmem:v13+s2+$0x0], $0xffff  }
0x135: {  	s7 =	simm.s32 $0x3;
	v24 =	vor.u32 v1, v17;
	v14 =	vld.idx.msk [tilespmem:v14+s2+$0x0], $0xffff  }
0x136: {  	v23 =	vadd.s32 s7, v0;
	v26 =	vor.u32 v4, v17;
	v17 =	vor.u32 v6, v17;
	v7 =	vld.idx.msk [tilespmem:v7+s2+$0x0], $0xffff  }
0x137: {  	v25 =	vimm.f32 $0.0e+00;
	v23 =	vand.u32 $0x7F, v23;
	v19 =	vld.idx.msk [tilespmem:v19+s10+$0x0], $0xffff  }
0x138: {  	v27 =	vor.u32 v2, v23;
	v28 =	vor.u32 v6, v23;
	v21 =	vld.idx.msk [tilespmem:v21+s2+$0x0], $0xffff;
	v16 =	vmul.f32 v16, v11  }
0x139: {  	v30 =	vor.u32 v5, v23;
	v22 =	vld.idx.msk [tilespmem:v22+s2+$0x0], $0xffff;
	v18 =	vmul.f32 v18, v11;
	v15 =	vmul.f32 v15, v11  }
0x13a: {  	s7 =	simm.s32 $0x4;
	v31 =	vor.u32 v4, v23;
	v24 =	vld.idx.msk [tilespmem:v24+s2+$0x0], $0xffff;
	v20 =	vmul.f32 v20, v11;
	v8 =	vmul.f32 v8, v11  }
0x13b: {  	v17 =	vld.idx.msk [tilespmem:v17+s2+$0x0], $0xffff;
	v11 =	vadd.s32 s7, v0;
	v9 =	vmul.f32 v9, v12;
	v29 =	vmul.f32 v10, v12  }
0x13c: {  	s6 =	simm.s32 $0x5;
	v10 =	vor.u32 v3, v23;
	v13 =	vmul.f32 v13, v12;
	v14 =	vmul.f32 v14, v12  }
0x13d: {  	v23 =	vor.u32 v1, v23;
	v7 =	vmul.f32 v7, v12;
	v12 =	vld.idx.msk [tilespmem:v27+s10+$0x0], $0xffff;
	v27 =	vadd.s32 s6, v0  }
0x13e: {  	v30 =	vld.idx.msk [tilespmem:v30+s2+$0x0], $0xffff;
	v21 =	vmul.f32 v21, v19;
	v32 =	vand.u32 $0x7F, v11;
	v22 =	vmul.f32 v22, v19  }
0x13f: {  	v31 =	vld.idx.msk [tilespmem:v31+s2+$0x0], $0xffff;
	v24 =	vmul.f32 v24, v19;
	v16 =	vadd.f32 v16, v25;
	v39 =	vor.u32 v5, v32  }
0x140: {  	v26 =	vld.idx.msk [tilespmem:v26+s2+$0x0], $0xffff;
	s7 =	simm.s32 $0x7;
	v58 =	vmul.f32 v17, v19;
	v27 =	vand.u32 $0x7F, v27;
	v36 =	vor.u32 v1, v32  }
0x141: {  	v17 =	vadd.s32 s7, v0;
	v34 =	vor.u32 v6, v27;
	v14 =	vadd.f32 v14, v16;
	v16 =	vld.idx.msk [tilespmem:v28+s2+$0x0], $0xffff  }
0x142: {  	v18 =	vadd.f32 v18, v25;
	v35 =	vor.u32 v2, v32;
	v33 =	vor.u32 v2, v27;
	v10 =	vld.idx.msk [tilespmem:v10+s2+$0x0], $0xffff  }
0x143: {  	v37 =	vor.u32 v3, v32;
	v38 =	vor.u32 v4, v32;
	v40 =	vor.u32 v1, v27;
	v23 =	vld.idx.msk [tilespmem:v23+s2+$0x0], $0xffff  }
0x144: {  	v20 =	vadd.f32 v20, v25;
	v41 =	vor.u32 v5, v27;
	v42 =	vmul.f32 v31, v12;
	v31 =	vld.idx.msk [tilespmem:v39+s2+$0x0], $0xffff  }
0x145: {  	v8 =	vadd.f32 v8, v25;
	v15 =	vadd.f32 v15, v25;
	v28 =	vor.u32 v4, v27;
	v36 =	vld.idx.msk [tilespmem:v36+s2+$0x0], $0xffff  }
0x146: {  	s6 =	simm.s32 $0x6;
	v18 =	vadd.f32 v13, v18;
	v27 =	vor.u32 v3, v27;
	v20 =	vadd.f32 v7, v20;
	v55 =	vld.idx.msk [tilespmem:v34+s2+$0x0], $0xffff  }
0x147: {  	v25 =	vadd.s32 s6, v0;
	v57 =	vadd.f32 v29, v15;
	v43 =	vadd.f32 v9, v8;
	v13 =	vld.idx.msk [tilespmem:v33+s10+$0x0], $0xffff  }
0x148: {  	v7 =	vadd.f32 v24, v18;
	v18 =	vand.u32 $0x7F, v25;
	v25 =	vmul.f32 v26, v19;
	v24 =	vld.idx.msk [tilespmem:v40+s2+$0x0], $0xffff  }
0x149: {  	v22 =	vadd.f32 v22, v14;
	v44 =	vmul.f32 v30, v12;
	v26 =	vor.u32 v2, v18;
	v29 =	vld.idx.msk [tilespmem:v41+s2+$0x0], $0xffff  }
0x14a: {  	v20 =	vadd.f32 v21, v20;
	v59 =	vor.u32 v3, v18;
	v60 =	vor.u32 v5, v18;
	v28 =	vld.idx.msk [tilespmem:v28+s2+$0x0], $0xffff  }
0x14b: {  	v61 =	vor.u32 v1, v18;
	v11 =	vmul.f32 v16, v12;
	v16 =	vor.u32 v6, v32;
	v19 =	vld.idx.msk [tilespmem:v27+s2+$0x0], $0xffff  }
0x14c: {  	v14 =	vor.u32 v4, v18;
	v56 =	vmul.f32 v10, v12;
	v10 =	vld.idx.msk [tilespmem:v35+s10+$0x0], $0xffff;
	v15 =	vmul.f32 v23, v12  }
0x14d: {  	v21 =	vadd.f32 v44, v22;
	v62 =	vadd.f32 v25, v43;
	v12 =	vor.u32 v6, v18;
	v23 =	vld.idx.msk [tilespmem:v37+s2+$0x0], $0xffff  }
0x14e: {  	v35 =	vadd.f32 v58, v57;
	v8 =	vld.idx.msk [tilespmem:v26+s10+$0x0], $0xffff;
	v18 =	vadd.f32 v15, v7;
	v9 =	vmul.f32 v55, v13  }
0x14f: {  	v27 =	vld.idx.msk [tilespmem:v59+s2+$0x0], $0xffff;
	v15 =	vmul.f32 v24, v13;
	v7 =	vmul.f32 v28, v13;
	v28 =	vand.u32 $0x7F, v17  }
0x150: {  	v20 =	vadd.f32 v56, v20;
	v16 =	vld.idx.msk [tilespmem:v16+s2+$0x0], $0xffff;
	v30 =	vor.u32 v2, v28;
	v17 =	vor.u32 v5, v28  }
0x151: {  	v25 =	vld.idx.msk [tilespmem:v60+s2+$0x0], $0xffff;
	v26 =	vor.u32 v3, v28;
	v32 =	vor.u32 v6, v28;
	v63 =	vmul.f32 v31, v10  }
0x152: {  	v24 =	vld.idx.msk [tilespmem:v38+s2+$0x0], $0xffff;
	v22 =	vor.u32 v1, v28;
	v31 =	vmul.f32 v29, v13;
	v29 =	vor.u32 v4, v28  }
0x153: {  	p1 =	por p2, p2;
	s5 =	simm.s32 $0x8;
	v34 =	vmul.f32 v36, v10;
	v28 =	vld.idx.msk [tilespmem:v61+s2+$0x0], $0xffff;
	v33 =	vadd.f32 v63, v21;
	v21 =	vadd.f32 v42, v62  }
.LBB2_12:
0x154: {  	s7 =	sadd.s32 $0x1, s5  }
0x155: {  	p2 =	slt.u32 s5, $0x7C;
	v16 =	vmul.f32 v16, v10;
	v19 =	vmul.f32 v19, v13;
	v30 =	vld.idx.msk [tilespmem:v30+s10+$0x0], $0xffff;
	v13 =	vadd.f32 v11, v35;
	s6 =	smov.u32 s5;
	s5 =	sadd.s32 $0x4, s5  }
0x156: {  	v11 =	vadd.s32 s7, v0;
	v18 =	vadd.f32 v34, v18;
	v31 =	vadd.f32 v31, v33;
	v32 =	vld.idx.msk [tilespmem:v32+s2+$0x0], $0xffff  }
0x157: {  	v33 =	vand.u32 $0x7F, v11;
	v11 =	vmul.f32 v23, v10;
	v10 =	vmul.f32 v24, v10;
	v23 =	vld.idx.msk [tilespmem:v26+s2+$0x0], $0xffff  }
0x158: {  	v24 =	vadd.s32 s6, v0;
	v27 =	vmul.f32 v27, v8;
	v26 =	vor.u32 v4, v33;
	v17 =	vld.idx.msk [tilespmem:v17+s2+$0x0], $0xffff  }
0x159: {  	v24 =	vand.u32 $0x7F, v24;
	v34 =	vor.u32 v2, v33;
	v35 =	vor.u32 v6, v33;
	v29 =	vld.idx.msk [tilespmem:v29+s2+$0x0], $0xffff  }
0x15a: {  	v25 =	vmul.f32 v25, v8;
	v36 =	vor.u32 v2, v24;
	v37 =	vor.u32 v1, v24;
	v22 =	vld.idx.msk [tilespmem:v22+s2+$0x0], $0xffff  }
0x15b: {  	v38 =	vor.u32 v3, v24;
	v39 =	vor.u32 v4, v24;
	v28 =	vmul.f32 v28, v8;
	v14 =	vld.idx.msk [tilespmem:v14+s2+$0x0], $0xffff  }
0x15c: {  	v41 =	vor.u32 v1, v33;
	v40 =	vor.u32 v5, v24;
	v20 =	vadd.f32 v11, v20;
	v12 =	vld.idx.msk [tilespmem:v12+s2+$0x0], $0xffff  }
0x15d: {  	v42 =	vor.u32 v5, v33;
	v15 =	vadd.f32 v15, v18;
	v11 =	vmul.f32 v32, v30;
	v26 =	vld.idx.msk [tilespmem:v26+s2+$0x0], $0xffff  }
0x15e: {  	v18 =	vor.u32 v6, v24;
	v21 =	vadd.f32 v10, v21;
	v24 =	vld.idx.msk [tilespmem:v35+s2+$0x0], $0xffff;
	v35 =	vmul.f32 v23, v30  }
0x15f: {  	s7 =	sadd.s32 $0x2, s6;
	v16 =	vadd.f32 v16, v13;
	v23 =	vor.u32 v3, v33;
	v10 =	vld.idx.msk [tilespmem:v36+s10+$0x0], $0xffff;
	v36 =	vmul.f32 v29, v30  }
0x160: {  	v20 =	vadd.f32 v19, v20;
	v15 =	vadd.f32 v28, v15;
	v29 =	vadd.s32 s7, v0;
	v13 =	vld.idx.msk [tilespmem:v34+s10+$0x0], $0xffff  }
0x161: {  	v33 =	vadd.f32 v9, v16;
	v29 =	vand.u32 $0x7F, v29;
	v34 =	vmul.f32 v14, v8;
	v28 =	vld.idx.msk [tilespmem:v41+s2+$0x0], $0xffff  }
0x162: {  	v25 =	vadd.f32 v25, v31;
	v32 =	vor.u32 v2, v29;
	v41 =	vld.idx.msk [tilespmem:v42+s2+$0x0], $0xffff;
	v42 =	vmul.f32 v12, v8  }
0x163: {  	v43 =	vor.u32 v3, v29;
	v44 =	vor.u32 v5, v29;
	v8 =	vmul.f32 v22, v30;
	v16 =	vld.idx.msk [tilespmem:v18+s2+$0x0], $0xffff  }
0x164: {  	v21 =	vadd.f32 v7, v21;
	v31 =	vmul.f32 v17, v30;
	v22 =	vld.idx.msk [tilespmem:v40+s2+$0x0], $0xffff;
	v40 =	vor.u32 v1, v29  }
0x165: {  	s6 =	sadd.s32 $0x3, s6;
	v14 =	vor.u32 v4, v29;
	v12 =	vor.u32 v6, v29;
	v18 =	vadd.f32 v8, v15;
	v19 =	vld.idx.msk [tilespmem:v23+s2+$0x0], $0xffff  }
0x166: {  	v17 =	vadd.s32 s6, v0;
	v7 =	vmul.f32 v26, v13;
	v9 =	vmul.f32 v24, v13;
	v37 =	vld.idx.msk [tilespmem:v37+s2+$0x0], $0xffff  }
0x167: {  	v20 =	vadd.f32 v27, v20;
	v15 =	vmul.f32 v28, v13;
	v28 =	vand.u32 $0x7F, v17;
	v8 =	vld.idx.msk [tilespmem:v32+s10+$0x0], $0xffff  }
.Ltmp6:
0x168: {  	v30 =	vor.u32 v2, v28;
	v17 =	vor.u32 v5, v28;
	v23 =	vld.idx.msk [tilespmem:v38+s2+$0x0], $0xffff;
	v38 =	vadd.f32 v31, v25;
	(pc) =	sbr.rel @p2 .LBB2_12-.Ltmp6, $4  }
0x169: {  	v21 =	vadd.f32 v34, v21;
	v26 =	vor.u32 v3, v28;
	v32 =	vor.u32 v6, v28;
	v24 =	vld.idx.msk [tilespmem:v39+s2+$0x0], $0xffff  }
0x16a: {  	v20 =	vadd.f32 v35, v20;
	v31 =	vmul.f32 v41, v13;
	v39 =	vmul.f32 v22, v10;
	v27 =	vld.idx.msk [tilespmem:v43+s2+$0x0], $0xffff  }
0x16b: {  	v35 =	vadd.f32 v42, v33;
	v29 =	vor.u32 v4, v28;
	v22 =	vor.u32 v1, v28;
	v25 =	vld.idx.msk [tilespmem:v44+s2+$0x0], $0xffff  }
0x16c: {  	v21 =	vadd.f32 v36, v21;
	v34 =	vmul.f32 v37, v10;
	v33 =	vadd.f32 v39, v38;
	v28 =	vld.idx.msk [tilespmem:v40+s2+$0x0], $0xffff  }
0x16d: {  	_ =	sdelay $0x3  }
0x16e: {  	v30 =	vld.idx.msk [tilespmem:v30+s10+$0x0], $0xffff  }
0x16f: {  	v32 =	vld.idx.msk [tilespmem:v32+s2+$0x0], $0xffff;
	v16 =	vmul.f32 v16, v10  }
0x170: {  	v26 =	vld.idx.msk [tilespmem:v26+s2+$0x0], $0xffff;
	v13 =	vmul.f32 v19, v13;
	v11 =	vadd.f32 v11, v35;
	v44 =	vmul.f32 v23, v10  }
0x171: {  	v45 =	vld.idx.msk [tilespmem:v29+s2+$0x0], $0xffff;
	s5 =	sshll.u32 s31, $0x4;
	v18 =	vadd.f32 v34, v18;
	v46 =	vmul.f32 v24, v10;
	v48 =	vadd.f32 v31, v33  }
0x172: {  	v14 =	vld.idx.msk [tilespmem:v14+s2+$0x0], $0xffff;
	s5 =	sor.u32 s28, s5;
	v47 =	vmul.f32 v27, v8;
	v19 =	vadd.f32 v44, v20;
	v11 =	vadd.f32 v16, v11  }
0x173: {  	v50 =	vld.idx.msk [tilespmem:v22+s2+$0x0], $0xffff;
	v53 =	vmov s5;
	v54 =	vor.u32 s5, v0;
	v25 =	vmul.f32 v25, v8  }
0x174: {  	v15 =	vadd.f32 v15, v18;
	v10 =	vadd.f32 v46, v21;
	v55 =	vand.u32 $0x7F, v54  }
0x175: {  	v12 =	vld.idx.msk [tilespmem:v12+s2+$0x0], $0xffff;
	v28 =	vmul.f32 v28, v8;
	v13 =	vadd.f32 v13, v19;
	v19 =	vshll.u32 v53, $0x3  }
0x176: {  	v9 =	vadd.f32 v9, v11;
	v49 =	vmul.f32 v32, v30;
	v51 =	vmul.f32 v26, v30  }
0x177: {  	v17 =	vld.idx.msk [tilespmem:v17+s2+$0x0], $0xffff;
	v52 =	vmul.f32 v45, v30;
	v19 =	vand.u32 $0x7FFFFC00, v19;
	v14 =	vmul.f32 v14, v8  }
0x178: {  	v56 =	vadd.f32 v25, v48;
	v57 =	vmul.f32 v50, v30;
	v11 =	vor.u32 v55, v19  }
0x179: {  	v7 =	vadd.f32 v7, v10;
	v15 =	vadd.f32 v28, v15;
	v58 =	vor.u32 $0x80, v11  }
0x17a: {  	v8 =	vmul.f32 v12, v8;
	v59 =	vadd.f32 v47, v13;
	v60 =	vor.u32 $0x100, v11  }
0x17b: {  	v7 =	vadd.f32 v14, v7;
	v61 =	vor.u32 $0x180, v11;
	v15 =	vadd.f32 v57, v15  }
0x17c: {  	v17 =	vmul.f32 v17, v30;
	v62 =	vor.u32 $0x200, v11;
	v12 =	vadd.f32 v51, v59  }
.Ltmp7:
0x17d: {  	v8 =	vadd.f32 v8, v9;
	v7 =	vadd.f32 v52, v7;
	[tilespmem:v11+s16+$0x0] =	vst.idx.msk $0xffff, v15;
	(pc) =	sbr.rel @p1 .LBB2_11-.Ltmp7, $4  }
0x17e: {  	v63 =	vadd.f32 v17, v56;
	[tilespmem:v58+s16+$0x0] =	vst.idx.msk $0xffff, v12  }
0x17f: {  	v8 =	vadd.f32 v49, v8;
	[tilespmem:v60+s16+$0x0] =	vst.idx.msk $0xffff, v7  }
0x180: {  	[tilespmem:v61+s16+$0x0] =	vst.idx.msk $0xffff, v63  }
0x181: {  	s31 =	simm.s32 $0x1;
	p2 =	por $0x0, $0x0;
	[tilespmem:v62+s16+$0x0] =	vst.idx.msk $0xffff, v8  }
0x182: {  	s2 =	sadd.s32 @!p0 $0x6, s25  }
0x183: {  	s6 =	simm.s32 @!p0 $0x20;
	s5 =	sshll.u32 @!p0 s2, $0x5  }
0x184: {  	s7 =	simm.s32 @!p0 $0x2C00;
	s2 =	smul.u32 @!p0 $0x280, s2;
	s5 =	sand.u32 @!p0 $0x3FFFFFE0, s5  }
0x185: {  	[tilespmem:s7], [sflag:$0x3] =	stream.indirect.gather @!p0 [hbm4b:s1+s6], $0x80, s5, s6, $0xb8;
	[tilespmem:$0x19C00] =	vst v63  }
0x186: {  	s2 =	sshra.s32 @!p0 s2, $0x2  }
0x187: {  	s6 =	simm.s32 @!p0 $0x50;
	s7 =	simm.s32 @!p0 $0xEC00;
	s5 =	sadd.s32 @!p0 $0x200, s2  }
0x188: {  	[tilespmem:s7], [sflag:$0x7] =	stream.indirect.gather @!p0 [hbm4b:s3+s6], $0x80, s5, s6, $0xb8;
	[tilespmem:$0x19C00] =	vst v63  }
0x189: {  	s2 =	sadd.s32 @!p0 $0x250, s2;
	s5 =	simm.s32 @!p0 $0x11400  }
0x18a: {  	[tilespmem:s5], [sflag:$0x7] =	stream.indirect.gather @!p0 [hbm4b:s3+s6], $0x80, s2, s6, $0xb8;
	[tilespmem:$0x19C00] =	vst v63  }
0x18b: {  	_ =	swait.ge [sflag:s21], $0x1000  }
0x18c: {  	[sflag:s21] =	ssyncset.done $0x0  }
0x18d: {  	[sflag:s21] =	ssyncadd.s32 $0xFFFFF000  }
0x18e: {  	_ =	swait.ge [sflag:s22], $0x2800  }
0x18f: {  	[sflag:s22] =	ssyncset.done $0x0  }
0x190: {  	[sflag:s22] =	ssyncadd.s32 $0xFFFFD800  }
0x191: {  	_ =	swait.ge [sflag:s22], $0x2800  }
0x192: {  	s26 =	sor.u32 $0x60, s26;
	s28 =	simm.s32 $0x0;
	[sflag:s22] =	ssyncset.done $0x0  }
0x193: {  	p2 =	por $0x1, $0x1;
	s29 =	simm.s32 $0x0;
	[sflag:s22] =	ssyncadd.s32 $0xFFFFD800  }
.LBB2_15:
0x194: {  	v8 =	vadd.s32 s28, v0  }
0x195: {  	v8 =	vand.u32 $0x7F, v8  }
0x196: {  	s5 =	smul.u32 $0xA000, s29;
	v11 =	vor.u32 v2, v8  }
0x197: {  	s2 =	simm.s32 $0x1;
	v15 =	vor.u32 v6, v8  }
0x198: {  	v7 =	vadd.s32 s2, v0;
	s2 =	sshra.s32 s5, $0x2;
	s5 =	sshll.u32 s29, $0xB;
	v16 =	vor.u32 v5, v8  }
0x199: {  	v18 =	vor.u32 v1, v8;
	s5 =	sand.u32 $0x3FFFF800, s5  }
0x19a: {  	v20 =	vor.u32 v3, v8;
	s10 =	sadd.s32 $0x3C00, s5  }
0x19b: {  	v7 =	vand.u32 $0x7F, v7;
	v8 =	vor.u32 v4, v8;
	s2 =	sadd.s32 $0x13C00, s2;
	v11 =	vld.idx.msk [tilespmem:v11+s10+$0x0], $0xffff  }
0x19c: {  	v9 =	vor.u32 v4, v7;
	v15 =	vld.idx.msk [tilespmem:v15+s2+$0x0], $0xffff  }
0x19d: {  	v10 =	vor.u32 v6, v7;
	v16 =	vld.idx.msk [tilespmem:v16+s2+$0x0], $0xffff  }
0x19e: {  	v12 =	vor.u32 v2, v7;
	v18 =	vld.idx.msk [tilespmem:v18+s2+$0x0], $0xffff  }
0x19f: {  	s6 =	simm.s32 $0x2;
	v13 =	vor.u32 v1, v7;
	v20 =	vld.idx.msk [tilespmem:v20+s2+$0x0], $0xffff  }
0x1a0: {  	v17 =	vadd.s32 s6, v0;
	v14 =	vor.u32 v5, v7;
	v8 =	vld.idx.msk [tilespmem:v8+s2+$0x0], $0xffff  }
0x1a1: {  	v17 =	vand.u32 $0x7F, v17;
	v7 =	vor.u32 v3, v7;
	v9 =	vld.idx.msk [tilespmem:v9+s2+$0x0], $0xffff  }
0x1a2: {  	v19 =	vor.u32 v2, v17;
	v10 =	vld.idx.msk [tilespmem:v10+s2+$0x0], $0xffff  }
0x1a3: {  	v21 =	vor.u32 v3, v17;
	v12 =	vld.idx.msk [tilespmem:v12+s10+$0x0], $0xffff  }
0x1a4: {  	v22 =	vor.u32 v5, v17;
	v13 =	vld.idx.msk [tilespmem:v13+s2+$0x0], $0xffff  }
0x1a5: {  	s7 =	simm.s32 $0x3;
	v24 =	vor.u32 v1, v17;
	v14 =	vld.idx.msk [tilespmem:v14+s2+$0x0], $0xffff  }
0x1a6: {  	v23 =	vadd.s32 s7, v0;
	v26 =	vor.u32 v4, v17;
	v17 =	vor.u32 v6, v17;
	v7 =	vld.idx.msk [tilespmem:v7+s2+$0x0], $0xffff  }
0x1a7: {  	v25 =	vimm.f32 $0.0e+00;
	v23 =	vand.u32 $0x7F, v23;
	v19 =	vld.idx.msk [tilespmem:v19+s10+$0x0], $0xffff  }
0x1a8: {  	v27 =	vor.u32 v2, v23;
	v28 =	vor.u32 v6, v23;
	v21 =	vld.idx.msk [tilespmem:v21+s2+$0x0], $0xffff;
	v16 =	vmul.f32 v16, v11  }
0x1a9: {  	v30 =	vor.u32 v5, v23;
	v22 =	vld.idx.msk [tilespmem:v22+s2+$0x0], $0xffff;
	v18 =	vmul.f32 v18, v11;
	v15 =	vmul.f32 v15, v11  }
0x1aa: {  	s6 =	simm.s32 $0x4;
	v31 =	vor.u32 v4, v23;
	v24 =	vld.idx.msk [tilespmem:v24+s2+$0x0], $0xffff;
	v20 =	vmul.f32 v20, v11;
	v8 =	vmul.f32 v8, v11  }
0x1ab: {  	v17 =	vld.idx.msk [tilespmem:v17+s2+$0x0], $0xffff;
	v11 =	vadd.s32 s6, v0;
	v9 =	vmul.f32 v9, v12;
	v29 =	vmul.f32 v10, v12  }
0x1ac: {  	s31 =	simm.s32 $0x5;
	v10 =	vor.u32 v3, v23;
	v13 =	vmul.f32 v13, v12;
	v14 =	vmul.f32 v14, v12  }
0x1ad: {  	v23 =	vor.u32 v1, v23;
	v7 =	vmul.f32 v7, v12;
	v12 =	vld.idx.msk [tilespmem:v27+s10+$0x0], $0xffff;
	v27 =	vadd.s32 s31, v0  }
0x1ae: {  	v30 =	vld.idx.msk [tilespmem:v30+s2+$0x0], $0xffff;
	v21 =	vmul.f32 v21, v19;
	v32 =	vand.u32 $0x7F, v11;
	v22 =	vmul.f32 v22, v19  }
0x1af: {  	v31 =	vld.idx.msk [tilespmem:v31+s2+$0x0], $0xffff;
	v24 =	vmul.f32 v24, v19;
	v16 =	vadd.f32 v16, v25;
	v39 =	vor.u32 v5, v32  }
0x1b0: {  	v26 =	vld.idx.msk [tilespmem:v26+s2+$0x0], $0xffff;
	v58 =	vmul.f32 v17, v19;
	v27 =	vand.u32 $0x7F, v27;
	v36 =	vor.u32 v1, v32  }
0x1b1: {  	v18 =	vadd.f32 v18, v25;
	v34 =	vor.u32 v6, v27;
	v14 =	vadd.f32 v14, v16;
	v16 =	vld.idx.msk [tilespmem:v28+s2+$0x0], $0xffff  }
0x1b2: {  	v35 =	vor.u32 v2, v32;
	v37 =	vor.u32 v3, v32;
	v33 =	vor.u32 v2, v27;
	v10 =	vld.idx.msk [tilespmem:v10+s2+$0x0], $0xffff  }
0x1b3: {  	v38 =	vor.u32 v4, v32;
	v20 =	vadd.f32 v20, v25;
	v40 =	vor.u32 v1, v27;
	v23 =	vld.idx.msk [tilespmem:v23+s2+$0x0], $0xffff  }
0x1b4: {  	s7 =	simm.s32 $0x6;
	v8 =	vadd.f32 v8, v25;
	v41 =	vor.u32 v5, v27;
	v42 =	vmul.f32 v31, v12;
	v31 =	vld.idx.msk [tilespmem:v39+s2+$0x0], $0xffff  }
0x1b5: {  	v15 =	vadd.f32 v15, v25;
	v25 =	vadd.s32 s7, v0;
	v28 =	vor.u32 v4, v27;
	v36 =	vld.idx.msk [tilespmem:v36+s2+$0x0], $0xffff  }
0x1b6: {  	s31 =	simm.s32 $0x7;
	v18 =	vadd.f32 v13, v18;
	v27 =	vor.u32 v3, v27;
	v20 =	vadd.f32 v7, v20;
	v55 =	vld.idx.msk [tilespmem:v34+s2+$0x0], $0xffff  }
0x1b7: {  	v17 =	vadd.s32 s31, v0;
	v57 =	vadd.f32 v29, v15;
	v43 =	vadd.f32 v9, v8;
	v13 =	vld.idx.msk [tilespmem:v33+s10+$0x0], $0xffff  }
0x1b8: {  	v7 =	vadd.f32 v24, v18;
	v18 =	vand.u32 $0x7F, v25;
	v25 =	vmul.f32 v26, v19;
	v24 =	vld.idx.msk [tilespmem:v40+s2+$0x0], $0xffff  }
0x1b9: {  	v22 =	vadd.f32 v22, v14;
	v44 =	vmul.f32 v30, v12;
	v26 =	vor.u32 v2, v18;
	v29 =	vld.idx.msk [tilespmem:v41+s2+$0x0], $0xffff  }
0x1ba: {  	v20 =	vadd.f32 v21, v20;
	v59 =	vor.u32 v3, v18;
	v60 =	vor.u32 v5, v18;
	v28 =	vld.idx.msk [tilespmem:v28+s2+$0x0], $0xffff  }
0x1bb: {  	v61 =	vor.u32 v1, v18;
	v11 =	vmul.f32 v16, v12;
	v16 =	vor.u32 v6, v32;
	v19 =	vld.idx.msk [tilespmem:v27+s2+$0x0], $0xffff  }
0x1bc: {  	v14 =	vor.u32 v4, v18;
	v56 =	vmul.f32 v10, v12;
	v10 =	vld.idx.msk [tilespmem:v35+s10+$0x0], $0xffff;
	v15 =	vmul.f32 v23, v12  }
0x1bd: {  	v21 =	vadd.f32 v44, v22;
	v62 =	vadd.f32 v25, v43;
	v12 =	vor.u32 v6, v18;
	v23 =	vld.idx.msk [tilespmem:v37+s2+$0x0], $0xffff  }
0x1be: {  	v35 =	vadd.f32 v58, v57;
	v8 =	vld.idx.msk [tilespmem:v26+s10+$0x0], $0xffff;
	v18 =	vadd.f32 v15, v7;
	v9 =	vmul.f32 v55, v13  }
0x1bf: {  	v27 =	vld.idx.msk [tilespmem:v59+s2+$0x0], $0xffff;
	v15 =	vmul.f32 v24, v13;
	v7 =	vmul.f32 v28, v13;
	v28 =	vand.u32 $0x7F, v17  }
0x1c0: {  	v20 =	vadd.f32 v56, v20;
	v16 =	vld.idx.msk [tilespmem:v16+s2+$0x0], $0xffff;
	v30 =	vor.u32 v2, v28;
	v17 =	vor.u32 v5, v28  }
0x1c1: {  	v25 =	vld.idx.msk [tilespmem:v60+s2+$0x0], $0xffff;
	v26 =	vor.u32 v3, v28;
	v32 =	vor.u32 v6, v28;
	v63 =	vmul.f32 v31, v10  }
0x1c2: {  	v24 =	vld.idx.msk [tilespmem:v38+s2+$0x0], $0xffff;
	v22 =	vor.u32 v1, v28;
	v31 =	vmul.f32 v29, v13;
	v29 =	vor.u32 v4, v28  }
0x1c3: {  	p1 =	por p2, p2;
	s5 =	simm.s32 $0x8;
	v34 =	vmul.f32 v36, v10;
	v28 =	vld.idx.msk [tilespmem:v61+s2+$0x0], $0xffff;
	v33 =	vadd.f32 v63, v21;
	v21 =	vadd.f32 v42, v62  }
.LBB2_16:
0x1c4: {  	s7 =	sadd.s32 $0x1, s5  }
0x1c5: {  	p2 =	slt.u32 s5, $0x7C;
	v16 =	vmul.f32 v16, v10;
	v19 =	vmul.f32 v19, v13;
	v30 =	vld.idx.msk [tilespmem:v30+s10+$0x0], $0xffff;
	v13 =	vadd.f32 v11, v35;
	s6 =	smov.u32 s5;
	s5 =	sadd.s32 $0x4, s5  }
0x1c6: {  	v11 =	vadd.s32 s7, v0;
	v18 =	vadd.f32 v34, v18;
	v31 =	vadd.f32 v31, v33;
	v32 =	vld.idx.msk [tilespmem:v32+s2+$0x0], $0xffff  }
0x1c7: {  	v33 =	vand.u32 $0x7F, v11;
	v11 =	vmul.f32 v23, v10;
	v10 =	vmul.f32 v24, v10;
	v23 =	vld.idx.msk [tilespmem:v26+s2+$0x0], $0xffff  }
0x1c8: {  	v24 =	vadd.s32 s6, v0;
	v27 =	vmul.f32 v27, v8;
	v26 =	vor.u32 v4, v33;
	v17 =	vld.idx.msk [tilespmem:v17+s2+$0x0], $0xffff  }
0x1c9: {  	v24 =	vand.u32 $0x7F, v24;
	v34 =	vor.u32 v2, v33;
	v35 =	vor.u32 v6, v33;
	v29 =	vld.idx.msk [tilespmem:v29+s2+$0x0], $0xffff  }
0x1ca: {  	v25 =	vmul.f32 v25, v8;
	v36 =	vor.u32 v2, v24;
	v37 =	vor.u32 v1, v24;
	v22 =	vld.idx.msk [tilespmem:v22+s2+$0x0], $0xffff  }
0x1cb: {  	v38 =	vor.u32 v3, v24;
	v39 =	vor.u32 v4, v24;
	v28 =	vmul.f32 v28, v8;
	v14 =	vld.idx.msk [tilespmem:v14+s2+$0x0], $0xffff  }
0x1cc: {  	v41 =	vor.u32 v1, v33;
	v40 =	vor.u32 v5, v24;
	v20 =	vadd.f32 v11, v20;
	v12 =	vld.idx.msk [tilespmem:v12+s2+$0x0], $0xffff  }
0x1cd: {  	v42 =	vor.u32 v5, v33;
	v15 =	vadd.f32 v15, v18;
	v11 =	vmul.f32 v32, v30;
	v26 =	vld.idx.msk [tilespmem:v26+s2+$0x0], $0xffff  }
0x1ce: {  	v18 =	vor.u32 v6, v24;
	v21 =	vadd.f32 v10, v21;
	v24 =	vld.idx.msk [tilespmem:v35+s2+$0x0], $0xffff;
	v35 =	vmul.f32 v23, v30  }
0x1cf: {  	s7 =	sadd.s32 $0x2, s6;
	v16 =	vadd.f32 v16, v13;
	v23 =	vor.u32 v3, v33;
	v10 =	vld.idx.msk [tilespmem:v36+s10+$0x0], $0xffff;
	v36 =	vmul.f32 v29, v30  }
0x1d0: {  	v20 =	vadd.f32 v19, v20;
	v15 =	vadd.f32 v28, v15;
	v29 =	vadd.s32 s7, v0;
	v13 =	vld.idx.msk [tilespmem:v34+s10+$0x0], $0xffff  }
0x1d1: {  	v33 =	vadd.f32 v9, v16;
	v29 =	vand.u32 $0x7F, v29;
	v34 =	vmul.f32 v14, v8;
	v28 =	vld.idx.msk [tilespmem:v41+s2+$0x0], $0xffff  }
0x1d2: {  	v25 =	vadd.f32 v25, v31;
	v32 =	vor.u32 v2, v29;
	v41 =	vld.idx.msk [tilespmem:v42+s2+$0x0], $0xffff;
	v42 =	vmul.f32 v12, v8  }
0x1d3: {  	v43 =	vor.u32 v3, v29;
	v44 =	vor.u32 v5, v29;
	v8 =	vmul.f32 v22, v30;
	v16 =	vld.idx.msk [tilespmem:v18+s2+$0x0], $0xffff  }
0x1d4: {  	v21 =	vadd.f32 v7, v21;
	v31 =	vmul.f32 v17, v30;
	v22 =	vld.idx.msk [tilespmem:v40+s2+$0x0], $0xffff;
	v40 =	vor.u32 v1, v29  }
0x1d5: {  	s6 =	sadd.s32 $0x3, s6;
	v14 =	vor.u32 v4, v29;
	v12 =	vor.u32 v6, v29;
	v18 =	vadd.f32 v8, v15;
	v19 =	vld.idx.msk [tilespmem:v23+s2+$0x0], $0xffff  }
0x1d6: {  	v17 =	vadd.s32 s6, v0;
	v7 =	vmul.f32 v26, v13;
	v9 =	vmul.f32 v24, v13;
	v37 =	vld.idx.msk [tilespmem:v37+s2+$0x0], $0xffff  }
0x1d7: {  	v20 =	vadd.f32 v27, v20;
	v15 =	vmul.f32 v28, v13;
	v28 =	vand.u32 $0x7F, v17;
	v8 =	vld.idx.msk [tilespmem:v32+s10+$0x0], $0xffff  }
.Ltmp8:
0x1d8: {  	v30 =	vor.u32 v2, v28;
	v17 =	vor.u32 v5, v28;
	v23 =	vld.idx.msk [tilespmem:v38+s2+$0x0], $0xffff;
	v38 =	vadd.f32 v31, v25;
	(pc) =	sbr.rel @p2 .LBB2_16-.Ltmp8, $4  }
0x1d9: {  	v21 =	vadd.f32 v34, v21;
	v26 =	vor.u32 v3, v28;
	v32 =	vor.u32 v6, v28;
	v24 =	vld.idx.msk [tilespmem:v39+s2+$0x0], $0xffff  }
0x1da: {  	v20 =	vadd.f32 v35, v20;
	v31 =	vmul.f32 v41, v13;
	v39 =	vmul.f32 v22, v10;
	v27 =	vld.idx.msk [tilespmem:v43+s2+$0x0], $0xffff  }
0x1db: {  	v35 =	vadd.f32 v42, v33;
	v29 =	vor.u32 v4, v28;
	v22 =	vor.u32 v1, v28;
	v25 =	vld.idx.msk [tilespmem:v44+s2+$0x0], $0xffff  }
0x1dc: {  	v21 =	vadd.f32 v36, v21;
	v34 =	vmul.f32 v37, v10;
	v33 =	vadd.f32 v39, v38;
	v28 =	vld.idx.msk [tilespmem:v40+s2+$0x0], $0xffff  }
0x1dd: {  	_ =	sdelay $0x3  }
0x1de: {  	v30 =	vld.idx.msk [tilespmem:v30+s10+$0x0], $0xffff  }
0x1df: {  	v32 =	vld.idx.msk [tilespmem:v32+s2+$0x0], $0xffff;
	v16 =	vmul.f32 v16, v10  }
0x1e0: {  	v26 =	vld.idx.msk [tilespmem:v26+s2+$0x0], $0xffff;
	v13 =	vmul.f32 v19, v13;
	v11 =	vadd.f32 v11, v35;
	v44 =	vmul.f32 v23, v10  }
0x1e1: {  	v45 =	vld.idx.msk [tilespmem:v29+s2+$0x0], $0xffff;
	s5 =	sshll.u32 s29, $0x4;
	v18 =	vadd.f32 v34, v18;
	v46 =	vmul.f32 v24, v10;
	v48 =	vadd.f32 v31, v33  }
0x1e2: {  	v14 =	vld.idx.msk [tilespmem:v14+s2+$0x0], $0xffff;
	s5 =	sor.u32 s26, s5;
	v47 =	vmul.f32 v27, v8;
	v19 =	vadd.f32 v44, v20;
	v11 =	vadd.f32 v16, v11  }
0x1e3: {  	v50 =	vld.idx.msk [tilespmem:v22+s2+$0x0], $0xffff;
	v53 =	vmov s5;
	v54 =	vor.u32 s5, v0;
	v25 =	vmul.f32 v25, v8  }
0x1e4: {  	v15 =	vadd.f32 v15, v18;
	v10 =	vadd.f32 v46, v21;
	v55 =	vand.u32 $0x7F, v54  }
0x1e5: {  	v12 =	vld.idx.msk [tilespmem:v12+s2+$0x0], $0xffff;
	v28 =	vmul.f32 v28, v8;
	v13 =	vadd.f32 v13, v19;
	v19 =	vshll.u32 v53, $0x3  }
0x1e6: {  	v9 =	vadd.f32 v9, v11;
	v49 =	vmul.f32 v32, v30;
	v51 =	vmul.f32 v26, v30  }
0x1e7: {  	v17 =	vld.idx.msk [tilespmem:v17+s2+$0x0], $0xffff;
	v52 =	vmul.f32 v45, v30;
	v19 =	vand.u32 $0x7FFFFC00, v19;
	v14 =	vmul.f32 v14, v8  }
0x1e8: {  	v56 =	vadd.f32 v25, v48;
	v57 =	vmul.f32 v50, v30;
	v11 =	vor.u32 v55, v19  }
0x1e9: {  	v7 =	vadd.f32 v7, v10;
	v15 =	vadd.f32 v28, v15;
	v58 =	vor.u32 $0x80, v11  }
0x1ea: {  	v8 =	vmul.f32 v12, v8;
	v59 =	vadd.f32 v47, v13;
	v60 =	vor.u32 $0x100, v11  }
0x1eb: {  	v7 =	vadd.f32 v14, v7;
	v61 =	vor.u32 $0x180, v11;
	v15 =	vadd.f32 v57, v15  }
0x1ec: {  	v17 =	vmul.f32 v17, v30;
	v62 =	vor.u32 $0x200, v11;
	v12 =	vadd.f32 v51, v59  }
.Ltmp9:
0x1ed: {  	v8 =	vadd.f32 v8, v9;
	v7 =	vadd.f32 v52, v7;
	[tilespmem:v11+s16+$0x0] =	vst.idx.msk $0xffff, v15;
	(pc) =	sbr.rel @p1 .LBB2_15-.Ltmp9, $4  }
0x1ee: {  	v63 =	vadd.f32 v17, v56;
	[tilespmem:v58+s16+$0x0] =	vst.idx.msk $0xffff, v12  }
0x1ef: {  	v8 =	vadd.f32 v49, v8;
	[tilespmem:v60+s16+$0x0] =	vst.idx.msk $0xffff, v7  }
0x1f0: {  	[tilespmem:v61+s16+$0x0] =	vst.idx.msk $0xffff, v63  }
0x1f1: {  	s29 =	simm.s32 $0x1;
	p2 =	por $0x0, $0x0;
	[tilespmem:v62+s16+$0x0] =	vst.idx.msk $0xffff, v8  }
.Ltmp10:
0x1f2: {  	(pc) =	sbr.rel @p0 .LBB2_20-.Ltmp10, $1  }
0x1f3: {  	_ =	sdelay $0x3  }
0x1f4: {  	s2 =	sadd.s32 $0x7, s25  }
0x1f5: {  	s5 =	sshll.u32 s2, $0x5  }
0x1f6: {  	s2 =	smul.u32 $0x280, s2;
	s5 =	sand.u32 $0x3FFFFFE0, s5  }
0x1f7: {  	[tilespmem:s30], [sflag:$0x4] =	stream.indirect.gather [hbm4b:s1+s11], $0x80, s5, s11, $0xb8;
	[tilespmem:$0x19C00] =	vst v63  }
.Ltmp11:
0x1f8: {  	s2 =	sshra.s32 s2, $0x2;
	(pc) =	sbr.rel .LBB2_2-.Ltmp11, $4  }
0x1f9: {  	s31 =	sadd.s32 $0x200, s2  }
0x1fa: {  	[tilespmem:s0], [sflag:$0x8] =	stream.indirect.gather [hbm4b:s3+s13], $0x80, s31, s13, $0xb8;
	[tilespmem:$0x19C00] =	vst v63  }
0x1fb: {  	s24 =	sadd.s32 $0x1, s24;
	s2 =	sadd.s32 $0x250, s2  }
0x1fc: {  	[tilespmem:s12], [sflag:$0x8] =	stream.indirect.gather [hbm4b:s3+s13], $0x80, s2, s13, $0xb8;
	[tilespmem:$0x19C00] =	vst v63  }
.LBB2_21:
0x1fd: {  	_ =	sfence.sel $0x180000  }
0x1fe: {  	[bflag:$0x0] =	sbarrier.arrive $0xFFFF  }
0x1ff: {  	_ =	strace $0x90000047  }
0x200: {  	s0 =	stileid.u32;
	[bflag:$0x2] =	sbarrier.arrive $0xFFFF  }
0x201: {  	p0 =	sne.s32 s0, $0x0;
	s0 =	rddreg [dreg:$0x5]  }
0x202: {  	s0 =	sadd.s32 @!p0 $0x100000, s0  }
0x203: {  	[sflag:s0] =	ssyncadd.tile.s32 @!p0 $0x1;
	_ =	shalt  }
.Lfunc_end2:
_tile_overlayer_lowered:
.L_overlay_start_2:
0x204: {  	(tag) =	ssettag $0x2  }
0x205: {  	s0 =	rddreg [dreg:$0x0];
	s2 =	stileid.u32  }
0x206: {  	s1 =	rddreg [dreg:$0x1];
	p0 =	sne.s32 s2, $0x0  }
0x207: {  	s3 =	rddreg [dreg:$0x2];
	[bflag:$0x3] =	sbarrier.arrive $0xFFFF;
	s2 =	simm.s32 @!p0 $0x1C09  }
0x208: {  	[timem:s3], [sflag:s2] =	dma.local @!p0 [hbm:s0], s1  }
0x209: {  	s0 =	simm.s32 @!p0 $0x9  }
0x20a: {  	_ =	swait.ge @!p0 [sflag:s0], s1  }
0x20b: {  	s1 =	ssub.s32 @!p0 $0x0, s1;
	[sflag:s0] =	ssyncset.done @!p0 $0x0  }
0x20c: {  	[sflag:s0] =	ssyncadd.s32 @!p0 s1  }
0x20d: {  	[bflag:$0x3] =	sbarrier.arrive $0xFFFF  }
0x20e: {  	_ =	shalt  }

</sc_bundles>
